<compile_context>
chip_gen: v7x
topology: tpu7x:2x2x1
jax: 0.10.2.dev20260603
libtpu: 0.0.44.dev20260713+nightly
codegen_flags: <defaults>
</compile_context>

<pallas_src>
import numpy as np

import jax
import jax.numpy as jnp
from jax import lax
from jax.experimental import pallas as pl
from jax.experimental.pallas import tpu as pltpu
from jax.experimental.pallas import tpu_sc as plsc

NUM_CLASS = 100000
LOW_DIM = 128
ROWS = 3 * NUM_CLASS

NC = 2
NS = 16
NW = NC * NS
LANES = 16
VPR = LOW_DIM // LANES

CHUNK = 480
DEPTH = 2
NCHUNKS = ROWS // CHUNK
assert NCHUNKS * CHUNK == ROWS

_MAGIC = np.int32(0x5F3759DF)


def _normalize_row(buf, r):
    vs = [buf[r, pl.ds(LANES * k, LANES)] for k in range(VPR)]
    ss = vs[0] * vs[0]
    for k in range(1, VPR):
        ss = ss + vs[k] * vs[k]
    tot = jnp.sum(ss)
    i = lax.bitcast_convert_type(tot, jnp.int32)
    y = lax.bitcast_convert_type(_MAGIC - lax.shift_right_logical(i, 1),
                                 jnp.float32)
    h = tot * 0.5
    for _ in range(2):
        y = y * (1.5 - h * y * y)
    norm = tot * y
    scale_s = jnp.where(norm > 1e-12, y, jnp.float32(1e12))
    scale = lax.broadcast(scale_s, (LANES,))
    for k in range(VPR):
        buf[r, pl.ds(LANES * k, LANES)] = vs[k] * scale


def _body(feat_hbm, r0_hbm, proto_hbm, out_hbm, buf2, feat_v, r0_v,
          lsem, ssem):
    wid = lax.axis_index("s") * NC + lax.axis_index("c")
    pltpu.sync_copy(feat_hbm, feat_v)
    pltpu.sync_copy(r0_hbm, r0_v)
    r0 = r0_v[...][0]

    n = (NCHUNKS - wid + NW - 1) // NW

    def base_of(t):
        return (wid + NW * t) * CHUNK

    def start_load(b, t):
        pltpu.make_async_copy(proto_hbm.at[pl.ds(base_of(t), CHUNK)],
                              buf2.at[b], lsem.at[b]).start()

    def wait_load(b):
        pltpu.make_async_copy(proto_hbm.at[pl.ds(0, CHUNK)],
                              buf2.at[b], lsem.at[b]).wait()

    def start_store(b, t):
        pltpu.make_async_copy(buf2.at[b],
                              out_hbm.at[pl.ds(base_of(t), CHUNK)],
                              ssem.at[b]).start()

    def wait_store(b):
        pltpu.make_async_copy(buf2.at[b], out_hbm.at[pl.ds(0, CHUNK)],
                              ssem.at[b]).wait()

    def process(b, t):
        buf = buf2.at[b]
        base = base_of(t)
        for k in range(2):
            off = (r0 + k) - base

            @pl.when((off >= 0) & (off < CHUNK))
            def _():
                for j in range(VPR):
                    buf[off, pl.ds(LANES * j, LANES)] = (
                        feat_v[k, pl.ds(LANES * j, LANES)])

        @plsc.parallel_loop(0, CHUNK, unroll=2)
        def _(r):
            _normalize_row(buf, r)

    for b in range(DEPTH - 1):
        start_load(b, b)

    def blk(i, carry):
        for k in range(DEPTH):
            t = DEPTH * i + k

            @pl.when(t < n)
            def _(b=k, t=t):
                wait_load(b)
                pre = t + DEPTH - 1

                @pl.when(pre < n)
                def _():
                    @pl.when(t >= 1)
                    def _():
                        wait_store((t - 1) % DEPTH)
                    start_load(pre % DEPTH, pre)

                process(b, t)
                start_store(b, t)
        return carry

    lax.fori_loop(0, (n + DEPTH - 1) // DEPTH, blk, 0)
    for b in range(DEPTH):
        wait_store(b)


@jax.jit
def _sc_normalize(feat, r0vec, prototypes):
    mesh = plsc.VectorSubcoreMesh(core_axis_name="c", subcore_axis_name="s")
    return pl.kernel(
        _body,
        out_type=jax.ShapeDtypeStruct((ROWS, LOW_DIM), jnp.float32),
        mesh=mesh,
        compiler_params=pltpu.CompilerParams(needs_layout_passes=False),
        scratch_types=[
            pltpu.VMEM((DEPTH, CHUNK, LOW_DIM), jnp.float32),
            pltpu.VMEM((2, LOW_DIM), jnp.float32),
            pltpu.VMEM((LANES,), jnp.int32),
            pltpu.SemaphoreType.DMA((DEPTH,)),
            pltpu.SemaphoreType.DMA((DEPTH,)),
        ],
    )(feat, r0vec, prototypes)


def kernel(feat, label, prototypes):
    r0vec = jnp.full((LANES,), 3 * label, dtype=jnp.int32)
    return _sc_normalize(feat, r0vec, prototypes)

# --- scband reference (transcript-rebuilt; emitter-appended) ---
"""Pipeline reference for scband-prototype-86595130622458 (READ-ONLY COPY).

The authoritative reference and input builder live on the scoring server;
editing this copy changes nothing except your own understanding.
"""

import jax, jax.numpy as jnp
import numpy as np

NUM_CLASS = 100000
LOW_DIM = 128
ROWS = 3 * NUM_CLASS


def setup_inputs(seed: int = 0) -> dict:
    key = jax.random.key(seed)
    k1, k2 = jax.random.split(key)
    feat = jax.random.normal(k1, (2, LOW_DIM), dtype=jnp.float32)
    prototypes = jax.random.normal(k2, (ROWS, LOW_DIM), dtype=jnp.float32)
    label = 54321  # python int scalar, in-range: 3*label+2 <= ROWS
    return {"feat": feat, "label": label, "prototypes": prototypes}


def reference(feat, label, prototypes):
    # prototypes[3*label : 3*label+2] = feat  (scatter-overwrite of 2 contiguous rows)
    p = jax.lax.dynamic_update_slice(prototypes, feat, (3 * label, 0))
    # F.normalize(p, p=2, dim=1) with eps=1e-12
    norm = jnp.sqrt(jnp.sum(p * p, axis=1, keepdims=True))
    p = p / jnp.maximum(norm, 1e-12)
    return p

if __name__ == "__main__":
    import jax
    _d = setup_inputs()
    print(jax.jit(kernel)(*tuple(_d.values())))

</pallas_src>

<mosaic_0001>
#map = affine_map<(d0, d1) -> (0, 0)>
#map1 = affine_map<(d0, d1) -> (0)>
module attributes {stable_mosaic.version = 14 : i64} {
  func.func @_body(%arg0: i32, %arg1: i32, %arg2: memref<2x128xf32, #tpu.memory_space<hbm>>, %arg3: memref<16xi32, #tpu.memory_space<hbm>>, %arg4: memref<300000x128xf32, #tpu.memory_space<hbm>>, %arg5: memref<300000x128xf32, #tpu.memory_space<hbm>>, %arg6: memref<2x480x128xf32, #tpu.memory_space<vmem>>, %arg7: memref<2x128xf32, #tpu.memory_space<vmem>>, %arg8: memref<16xi32, #tpu.memory_space<vmem>>, %arg9: memref<2x!tpu.dma_semaphore, #tpu.memory_space<semaphore_mem>>, %arg10: memref<2x!tpu.dma_semaphore, #tpu.memory_space<semaphore_mem>>) attributes {dimension_semantics = [#tpu.dimension_semantics<core_parallel>, #tpu.dimension_semantics<subcore_parallel>], iteration_bounds = array<i64: 2, 16>, scalar_prefetch = 0 : i64, scratch_operands = 5 : i64, tpu.core_type = #tpu.core_type<sc_vector_subcore>, window_params = [{transform_indices = #map}, {transform_indices = #map1}, {transform_indices = #map}, {transform_indices = #map}]} {
    %mul3A = arith.constant 2 : i32
    %mul3A_0 = arith.muli %arg1, %mul3A : i32
    %add3A = arith.addi %mul3A_0, %arg0 : i32
    "tpu.region"() ({
      %run_scoped3A = tpu.sem_alloc : memref<!tpu.dma_semaphore, #tpu.memory_space<semaphore_mem>>
      tpu.enqueue_dma source(%arg2 : memref<2x128xf32, #tpu.memory_space<hbm>>) target(%arg7 : memref<2x128xf32, #tpu.memory_space<vmem>>) target_semaphore(%run_scoped3A : memref<!tpu.dma_semaphore, #tpu.memory_space<semaphore_mem>>)
      tpu.wait_dma2 semaphore(%run_scoped3A : memref<!tpu.dma_semaphore, #tpu.memory_space<semaphore_mem>>) src(%arg2 : memref<2x128xf32, #tpu.memory_space<hbm>>) dst(%arg7 : memref<2x128xf32, #tpu.memory_space<vmem>>)
      tpu.yield
    }) : () -> ()
    "tpu.region"() ({
      %run_scoped3A = tpu.sem_alloc : memref<!tpu.dma_semaphore, #tpu.memory_space<semaphore_mem>>
      tpu.enqueue_dma source(%arg3 : memref<16xi32, #tpu.memory_space<hbm>>) target(%arg8 : memref<16xi32, #tpu.memory_space<vmem>>) target_semaphore(%run_scoped3A : memref<!tpu.dma_semaphore, #tpu.memory_space<semaphore_mem>>)
      tpu.wait_dma2 semaphore(%run_scoped3A : memref<!tpu.dma_semaphore, #tpu.memory_space<semaphore_mem>>) src(%arg3 : memref<16xi32, #tpu.memory_space<hbm>>) dst(%arg8 : memref<16xi32, #tpu.memory_space<vmem>>)
      tpu.yield
    }) : () -> ()
    %get3A = arith.constant 0 : index
    %get3A_1 = tpu.vector_load %arg8[%get3A] {strides = array<i32>} : memref<16xi32, #tpu.memory_space<vmem>>, vector<16xi32>,
    %slice3A = vector.extract_strided_slice %get3A_1 {offsets = [0], sizes = [1], strides = [1]} : vector<16xi32> to vector<1xi32>
    %squeeze3A = vector.extract %slice3A[0] : i32 from vector<1xi32>
    %sub3A = arith.constant 625 : i32
    %sub3A_2 = arith.subi %sub3A, %add3A : i32
    %add3A_3 = arith.constant 32 : i32
    %add3A_4 = arith.addi %sub3A_2, %add3A_3 : i32
    %sub3A_5 = arith.constant 1 : i32
    %sub3A_6 = arith.subi %add3A_4, %sub3A_5 : i32
    %jit3A = arith.constant 32 : i32
    %div3A = arith.divsi %sub3A_6, %jit3A : i32
    %sign3A = arith.constant 0 : i32
    %sign3A_7 = arith.cmpi sgt, %sub3A_6, %sign3A : i32
    %sign3A_8 = arith.extui %sign3A_7 : i1 to i32
    %sign3A_9 = arith.constant 0 : i32
    %sign3A_10 = arith.cmpi slt, %sub3A_6, %sign3A_9 : i32
    %sign3A_11 = arith.extui %sign3A_10 : i1 to i32
    %sign3A_12 = arith.subi %sign3A_8, %sign3A_11 : i32
    %sign3A_13 = arith.constant 0 : i32
    %sign3A_14 = arith.cmpi sgt, %jit3A, %sign3A_13 : i32
    %sign3A_15 = arith.extui %sign3A_14 : i1 to i32
    %sign3A_16 = arith.constant 0 : i32
    %sign3A_17 = arith.cmpi slt, %jit3A, %sign3A_16 : i32
    %sign3A_18 = arith.extui %sign3A_17 : i1 to i32
    %sign3A_19 = arith.subi %sign3A_15, %sign3A_18 : i32
    %ne3A = arith.cmpi ne, %sign3A_12, %sign3A_19 : i32
    %rem3A = arith.remsi %sub3A_6, %jit3A : i32
    %ne3A_20 = arith.constant 0 : i32
    %ne3A_21 = arith.cmpi ne, %rem3A, %ne3A_20 : i32
    %and3A = arith.andi %ne3A, %ne3A_21 : i1
    %sub3A_22 = arith.constant 1 : i32
    %sub3A_23 = arith.subi %div3A, %sub3A_22 : i32
    %select_n3A = arith.select %and3A, %sub3A_23, %div3A : i32
    %add3A_24 = arith.constant 0 : i32
    %add3A_25 = arith.addi %add3A, %add3A_24 : i32
    %mul3A_26 = arith.constant 480 : i32
    %mul3A_27 = arith.muli %add3A_25, %mul3A_26 : i32
    %dma_start3A = arith.constant 0 : i32
    %dma_start3A_28 = arith.constant 0 : i32
    %dma_start3A_29 = arith.constant 0 : i32
    %dma_start3A_30 = arith.constant 0 : i32
    %dma_start3A_31 = tpu.memref_slice %arg6[%dma_start3A, %dma_start3A_29, %dma_start3A_30] : memref<2x480x128xf32, #tpu.memory_space<vmem>> -> memref<1x480x128xf32, #tpu.memory_space<vmem>>
    %dma_start3A_32 = tpu.memref_squeeze %dma_start3A_31 : memref<1x480x128xf32, #tpu.memory_space<vmem>> -> memref<480x128xf32, #tpu.memory_space<vmem>>
    %dma_start3A_33 = arith.constant 0 : i32
    %dma_start3A_34 = tpu.memref_slice %arg4[%mul3A_27, %dma_start3A_33] : memref<300000x128xf32, #tpu.memory_space<hbm>> -> memref<480x128xf32, #tpu.memory_space<hbm>>
    %dma_start3A_35 = tpu.memref_slice %arg9[%dma_start3A_28] : memref<2x!tpu.dma_semaphore, #tpu.memory_space<semaphore_mem>> -> memref<1x!tpu.dma_semaphore, #tpu.memory_space<semaphore_mem>>
    %dma_start3A_36 = tpu.memref_squeeze %dma_start3A_35 : memref<1x!tpu.dma_semaphore, #tpu.memory_space<semaphore_mem>> -> memref<!tpu.dma_semaphore, #tpu.memory_space<semaphore_mem>>
    %dma_start3A_37 = arith.constant 0 : i32
    %dma_start3A_38 = arith.constant 0 : i32
    %dma_start3A_39 = tpu.memref_slice %arg6[%dma_start3A, %dma_start3A_37, %dma_start3A_38] : memref<2x480x128xf32, #tpu.memory_space<vmem>> -> memref<1x480x128xf32, #tpu.memory_space<vmem>>
    %dma_start3A_40 = tpu.memref_squeeze %dma_start3A_39 : memref<1x480x128xf32, #tpu.memory_space<vmem>> -> memref<480x128xf32, #tpu.memory_space<vmem>>
    %dma_start3A_41 = arith.constant 0 : i32
    %dma_start3A_42 = tpu.memref_slice %arg4[%mul3A_27, %dma_start3A_41] : memref<300000x128xf32, #tpu.memory_space<hbm>> -> memref<480x128xf32, #tpu.memory_space<hbm>>
    tpu.enqueue_dma source(%dma_start3A_42 : memref<480x128xf32, #tpu.memory_space<hbm>>) target(%dma_start3A_40 : memref<480x128xf32, #tpu.memory_space<vmem>>) target_semaphore(%dma_start3A_36 : memref<!tpu.dma_semaphore, #tpu.memory_space<semaphore_mem>>)
    %add3A_43 = arith.constant 2 : i32
    %add3A_44 = arith.addi %select_n3A, %add3A_43 : i32
    %sub3A_45 = arith.constant 1 : i32
    %sub3A_46 = arith.subi %add3A_44, %sub3A_45 : i32
    %jit3A_47 = arith.constant 2 : i32
    %div3A_48 = arith.divsi %sub3A_46, %jit3A_47 : i32
    %sign3A_49 = arith.constant 0 : i32
    %sign3A_50 = arith.cmpi sgt, %sub3A_46, %sign3A_49 : i32
    %sign3A_51 = arith.extui %sign3A_50 : i1 to i32
    %sign3A_52 = arith.constant 0 : i32
    %sign3A_53 = arith.cmpi slt, %sub3A_46, %sign3A_52 : i32
    %sign3A_54 = arith.extui %sign3A_53 : i1 to i32
    %sign3A_55 = arith.subi %sign3A_51, %sign3A_54 : i32
    %sign3A_56 = arith.constant 0 : i32
    %sign3A_57 = arith.cmpi sgt, %jit3A_47, %sign3A_56 : i32
    %sign3A_58 = arith.extui %sign3A_57 : i1 to i32
    %sign3A_59 = arith.constant 0 : i32
    %sign3A_60 = arith.cmpi slt, %jit3A_47, %sign3A_59 : i32
    %sign3A_61 = arith.extui %sign3A_60 : i1 to i32
    %sign3A_62 = arith.subi %sign3A_58, %sign3A_61 : i32
    %ne3A_63 = arith.cmpi ne, %sign3A_55, %sign3A_62 : i32
    %rem3A_64 = arith.remsi %sub3A_46, %jit3A_47 : i32
    %ne3A_65 = arith.constant 0 : i32
    %ne3A_66 = arith.cmpi ne, %rem3A_64, %ne3A_65 : i32
    %and3A_67 = arith.andi %ne3A_63, %ne3A_66 : i1
    %sub3A_68 = arith.constant 1 : i32
    %sub3A_69 = arith.subi %div3A_48, %sub3A_68 : i32
    %select_n3A_70 = arith.select %and3A_67, %sub3A_69, %div3A_48 : i32
    %while3A = arith.constant 0 : i32
    %while3A_71 = arith.constant 0 : i32
    %while3A_72 = arith.subi %select_n3A_70, %while3A_71 : i32
    %while3A_73 = arith.addi %while3A_71, %while3A_72 : i32
    %while3A_74 = arith.constant 1 : i32
    %while3A_75 = arith.divsi %while3A_72, %while3A_74 : i32
    %while3A_76 = arith.muli %while3A_75, %while3A_74 : i32
    %while3A_77 = arith.addi %while3A_71, %while3A_76 : i32
    %while3A_78 = arith.constant 1 : i32
    scf.for %while3A_115 = %while3A_71 to %while3A_77 step %while3A_78  : i32 {
      %mul3A_116 = arith.constant 2 : i32
      %mul3A_117 = arith.muli %mul3A_116, %while3A_115 : i32
      %add3A_118 = arith.constant 0 : i32
      %add3A_119 = arith.addi %mul3A_117, %add3A_118 : i32
      %lt3A = arith.cmpi slt, %add3A_119, %select_n3A : i32
      %convert_element_type3A = arith.extui %lt3A : i1 to i32
      %cond3A = arith.constant 0 : i32
      %cond3A_120 = arith.cmpi ne, %convert_element_type3A, %cond3A : i32
      scf.if %cond3A_120 {
        %dma_wait3A_129 = arith.constant 0 : i32
        %dma_wait3A_130 = arith.constant 0 : i32
        %dma_wait3A_131 = arith.constant 0 : i32
        %dma_wait3A_132 = arith.constant 0 : i32
        %dma_wait3A_133 = tpu.memref_slice %arg6[%dma_wait3A_129, %dma_wait3A_131, %dma_wait3A_132] : memref<2x480x128xf32, #tpu.memory_space<vmem>> -> memref<1x480x128xf32, #tpu.memory_space<vmem>>
        %dma_wait3A_134 = tpu.memref_squeeze %dma_wait3A_133 : memref<1x480x128xf32, #tpu.memory_space<vmem>> -> memref<480x128xf32, #tpu.memory_space<vmem>>
        %dma_wait3A_135 = arith.constant 0 : i32
        %dma_wait3A_136 = arith.constant 0 : i32
        %dma_wait3A_137 = tpu.memref_slice %arg4[%dma_wait3A_135, %dma_wait3A_136] : memref<300000x128xf32, #tpu.memory_space<hbm>> -> memref<480x128xf32, #tpu.memory_space<hbm>>
        %dma_wait3A_138 = tpu.memref_slice %arg9[%dma_wait3A_130] : memref<2x!tpu.dma_semaphore, #tpu.memory_space<semaphore_mem>> -> memref<1x!tpu.dma_semaphore, #tpu.memory_space<semaphore_mem>>
        %dma_wait3A_139 = tpu.memref_squeeze %dma_wait3A_138 : memref<1x!tpu.dma_semaphore, #tpu.memory_space<semaphore_mem>> -> memref<!tpu.dma_semaphore, #tpu.memory_space<semaphore_mem>>
        %dma_wait3A_140 = arith.constant 0 : i32
        %dma_wait3A_141 = arith.constant 0 : i32
        %dma_wait3A_142 = tpu.memref_slice %arg6[%dma_wait3A_129, %dma_wait3A_140, %dma_wait3A_141] : memref<2x480x128xf32, #tpu.memory_space<vmem>> -> memref<1x480x128xf32, #tpu.memory_space<vmem>>
        %dma_wait3A_143 = tpu.memref_squeeze %dma_wait3A_142 : memref<1x480x128xf32, #tpu.memory_space<vmem>> -> memref<480x128xf32, #tpu.memory_space<vmem>>
        %dma_wait3A_144 = arith.constant 0 : i32
        %dma_wait3A_145 = arith.constant 0 : i32
        %dma_wait3A_146 = tpu.memref_slice %arg4[%dma_wait3A_144, %dma_wait3A_145] : memref<300000x128xf32, #tpu.memory_space<hbm>> -> memref<480x128xf32, #tpu.memory_space<hbm>>
        tpu.wait_dma2 semaphore(%dma_wait3A_139 : memref<!tpu.dma_semaphore, #tpu.memory_space<semaphore_mem>>) src(%dma_wait3A_146 : memref<480x128xf32, #tpu.memory_space<hbm>>) dst(%dma_wait3A_143 : memref<480x128xf32, #tpu.memory_space<vmem>>)
        %add3A_147 = arith.constant 2 : i32
        %add3A_148 = arith.addi %add3A_119, %add3A_147 : i32
        %sub3A_149 = arith.constant 1 : i32
        %sub3A_150 = arith.subi %add3A_148, %sub3A_149 : i32
        %lt3A_151 = arith.cmpi slt, %sub3A_150, %select_n3A : i32
        %convert_element_type3A_152 = arith.extui %lt3A_151 : i1 to i32
        %cond3A_153 = arith.constant 0 : i32
        %cond3A_154 = arith.cmpi ne, %convert_element_type3A_152, %cond3A_153 : i32
        scf.if %cond3A_154 {
          %ge3A_207 = arith.constant 1 : i32
          %ge3A_208 = arith.cmpi sge, %add3A_119, %ge3A_207 : i32
          %convert_element_type3A_209 = arith.extui %ge3A_208 : i1 to i32
          %cond3A_210 = arith.constant 0 : i32
          %cond3A_211 = arith.cmpi ne, %convert_element_type3A_209, %cond3A_210 : i32
          scf.if %cond3A_211 {
            %sub3A_246 = arith.constant 1 : i32
            %sub3A_247 = arith.subi %add3A_119, %sub3A_246 : i32
            %jit3A_248 = arith.constant 2 : i32
            %eq3A_249 = arith.constant 0 : i32
            %eq3A_250 = arith.cmpi eq, %jit3A_248, %eq3A_249 : i32
            %jit3A_251 = arith.constant 1 : i32
            %select_n3A_252 = arith.select %eq3A_250, %jit3A_251, %jit3A_248 : i32
            %rem3A_253 = arith.remsi %sub3A_247, %select_n3A_252 : i32
            %ne3A_254 = arith.constant 0 : i32
            %ne3A_255 = arith.cmpi ne, %rem3A_253, %ne3A_254 : i32
            %lt3A_256 = arith.constant 0 : i32
            %lt3A_257 = arith.cmpi slt, %rem3A_253, %lt3A_256 : i32
            %lt3A_258 = arith.constant 0 : i32
            %lt3A_259 = arith.cmpi slt, %select_n3A_252, %lt3A_258 : i32
            %ne3A_260 = arith.xori %lt3A_257, %lt3A_259 : i1
            %and3A_261 = arith.andi %ne3A_260, %ne3A_255 : i1
            %add3A_262 = arith.addi %rem3A_253, %select_n3A_252 : i32
            %select_n3A_263 = arith.select %and3A_261, %add3A_262, %rem3A_253 : i32
            %dma_wait3A_264 = arith.constant 0 : i32
            %dma_wait3A_265 = arith.constant 0 : i32
            %dma_wait3A_266 = tpu.memref_slice %arg6[%select_n3A_263, %dma_wait3A_264, %dma_wait3A_265] : memref<2x480x128xf32, #tpu.memory_space<vmem>> -> memref<1x480x128xf32, #tpu.memory_space<vmem>>
            %dma_wait3A_267 = tpu.memref_squeeze %dma_wait3A_266 : memref<1x480x128xf32, #tpu.memory_space<vmem>> -> memref<480x128xf32, #tpu.memory_space<vmem>>
            %dma_wait3A_268 = arith.constant 0 : i32
            %dma_wait3A_269 = arith.constant 0 : i32
            %dma_wait3A_270 = tpu.memref_slice %arg5[%dma_wait3A_268, %dma_wait3A_269] : memref<300000x128xf32, #tpu.memory_space<hbm>> -> memref<480x128xf32, #tpu.memory_space<hbm>>
            %dma_wait3A_271 = tpu.memref_slice %arg10[%select_n3A_263] : memref<2x!tpu.dma_semaphore, #tpu.memory_space<semaphore_mem>> -> memref<1x!tpu.dma_semaphore, #tpu.memory_space<semaphore_mem>>
            %dma_wait3A_272 = tpu.memref_squeeze %dma_wait3A_271 : memref<1x!tpu.dma_semaphore, #tpu.memory_space<semaphore_mem>> -> memref<!tpu.dma_semaphore, #tpu.memory_space<semaphore_mem>>
            %dma_wait3A_273 = arith.constant 0 : i32
            %dma_wait3A_274 = arith.constant 0 : i32
            %dma_wait3A_275 = tpu.memref_slice %arg5[%dma_wait3A_273, %dma_wait3A_274] : memref<300000x128xf32, #tpu.memory_space<hbm>> -> memref<480x128xf32, #tpu.memory_space<hbm>>
            %dma_wait3A_276 = arith.constant 0 : i32
            %dma_wait3A_277 = arith.constant 0 : i32
            %dma_wait3A_278 = tpu.memref_slice %arg6[%select_n3A_263, %dma_wait3A_276, %dma_wait3A_277] : memref<2x480x128xf32, #tpu.memory_space<vmem>> -> memref<1x480x128xf32, #tpu.memory_space<vmem>>
            %dma_wait3A_279 = tpu.memref_squeeze %dma_wait3A_278 : memref<1x480x128xf32, #tpu.memory_space<vmem>> -> memref<480x128xf32, #tpu.memory_space<vmem>>
            tpu.wait_dma2 semaphore(%dma_wait3A_272 : memref<!tpu.dma_semaphore, #tpu.memory_space<semaphore_mem>>) src(%dma_wait3A_279 : memref<480x128xf32, #tpu.memory_space<vmem>>) dst(%dma_wait3A_275 : memref<480x128xf32, #tpu.memory_space<hbm>>)
          } else {
          }
          %jit3A_212 = arith.constant 2 : i32
          %eq3A = arith.constant 0 : i32
          %eq3A_213 = arith.cmpi eq, %jit3A_212, %eq3A : i32
          %jit3A_214 = arith.constant 1 : i32
          %select_n3A_215 = arith.select %eq3A_213, %jit3A_214, %jit3A_212 : i32
          %rem3A_216 = arith.remsi %sub3A_150, %select_n3A_215 : i32
          %ne3A_217 = arith.constant 0 : i32
          %ne3A_218 = arith.cmpi ne, %rem3A_216, %ne3A_217 : i32
          %lt3A_219 = arith.constant 0 : i32
          %lt3A_220 = arith.cmpi slt, %rem3A_216, %lt3A_219 : i32
          %lt3A_221 = arith.constant 0 : i32
          %lt3A_222 = arith.cmpi slt, %select_n3A_215, %lt3A_221 : i32
          %ne3A_223 = arith.xori %lt3A_220, %lt3A_222 : i1
          %and3A_224 = arith.andi %ne3A_223, %ne3A_218 : i1
          %add3A_225 = arith.addi %rem3A_216, %select_n3A_215 : i32
          %select_n3A_226 = arith.select %and3A_224, %add3A_225, %rem3A_216 : i32
          %mul3A_227 = arith.constant 32 : i32
          %mul3A_228 = arith.muli %mul3A_227, %sub3A_150 : i32
          %add3A_229 = arith.addi %add3A, %mul3A_228 : i32
          %mul3A_230 = arith.constant 480 : i32
          %mul3A_231 = arith.muli %add3A_229, %mul3A_230 : i32
          %dma_start3A_232 = arith.constant 0 : i32
          %dma_start3A_233 = arith.constant 0 : i32
          %dma_start3A_234 = tpu.memref_slice %arg6[%select_n3A_226, %dma_start3A_232, %dma_start3A_233] : memref<2x480x128xf32, #tpu.memory_space<vmem>> -> memref<1x480x128xf32, #tpu.memory_space<vmem>>
          %dma_start3A_235 = tpu.memref_squeeze %dma_start3A_234 : memref<1x480x128xf32, #tpu.memory_space<vmem>> -> memref<480x128xf32, #tpu.memory_space<vmem>>
          %dma_start3A_236 = arith.constant 0 : i32
          %dma_start3A_237 = tpu.memref_slice %arg4[%mul3A_231, %dma_start3A_236] : memref<300000x128xf32, #tpu.memory_space<hbm>> -> memref<480x128xf32, #tpu.memory_space<hbm>>
          %dma_start3A_238 = tpu.memref_slice %arg9[%select_n3A_226] : memref<2x!tpu.dma_semaphore, #tpu.memory_space<semaphore_mem>> -> memref<1x!tpu.dma_semaphore, #tpu.memory_space<semaphore_mem>>
          %dma_start3A_239 = tpu.memref_squeeze %dma_start3A_238 : memref<1x!tpu.dma_semaphore, #tpu.memory_space<semaphore_mem>> -> memref<!tpu.dma_semaphore, #tpu.memory_space<semaphore_mem>>
          %dma_start3A_240 = arith.constant 0 : i32
          %dma_start3A_241 = arith.constant 0 : i32
          %dma_start3A_242 = tpu.memref_slice %arg6[%select_n3A_226, %dma_start3A_240, %dma_start3A_241] : memref<2x480x128xf32, #tpu.memory_space<vmem>> -> memref<1x480x128xf32, #tpu.memory_space<vmem>>
          %dma_start3A_243 = tpu.memref_squeeze %dma_start3A_242 : memref<1x480x128xf32, #tpu.memory_space<vmem>> -> memref<480x128xf32, #tpu.memory_space<vmem>>
          %dma_start3A_244 = arith.constant 0 : i32
          %dma_start3A_245 = tpu.memref_slice %arg4[%mul3A_231, %dma_start3A_244] : memref<300000x128xf32, #tpu.memory_space<hbm>> -> memref<480x128xf32, #tpu.memory_space<hbm>>
          tpu.enqueue_dma source(%dma_start3A_245 : memref<480x128xf32, #tpu.memory_space<hbm>>) target(%dma_start3A_243 : memref<480x128xf32, #tpu.memory_space<vmem>>) target_semaphore(%dma_start3A_239 : memref<!tpu.dma_semaphore, #tpu.memory_space<semaphore_mem>>)
        } else {
        }
        %mul3A_155 = arith.constant 32 : i32
        %mul3A_156 = arith.muli %mul3A_155, %add3A_119 : i32
        %add3A_157 = arith.addi %add3A, %mul3A_156 : i32
        %mul3A_158 = arith.constant 480 : i32
        %mul3A_159 = arith.muli %add3A_157, %mul3A_158 : i32
        %add3A_160 = arith.constant 0 : i32
        %add3A_161 = arith.addi %squeeze3A, %add3A_160 : i32
        %sub3A_162 = arith.subi %add3A_161, %mul3A_159 : i32
        %ge3A = arith.constant 0 : i32
        %ge3A_163 = arith.cmpi sge, %sub3A_162, %ge3A : i32
        %lt3A_164 = arith.constant 480 : i32
        %lt3A_165 = arith.cmpi slt, %sub3A_162, %lt3A_164 : i32
        %and3A_166 = arith.andi %ge3A_163, %lt3A_165 : i1
        %convert_element_type3A_167 = arith.extui %and3A_166 : i1 to i32
        %cond3A_168 = arith.constant 0 : i32
        %cond3A_169 = arith.constant 0 : i32
        %cond3A_170 = arith.cmpi ne, %convert_element_type3A_167, %cond3A_169 : i32
        scf.if %cond3A_170 {
          %get3A_207 = arith.constant 0 : i32
          %get3A_208 = arith.index_cast %get3A_207 : i32 to index
          %get3A_209 = arith.constant 0 : index
          %get3A_210 = tpu.vector_load %arg7[%get3A_208, %get3A_209] {strides = array<i32>} : memref<2x128xf32, #tpu.memory_space<vmem>>, vector<16xf32>,
          %swap3A = arith.constant 0 : i32
          %swap3A_211 = arith.constant 0 : i32
          %swap3A_212 = tpu.memref_slice %arg6[%cond3A_168, %swap3A, %swap3A_211] : memref<2x480x128xf32, #tpu.memory_space<vmem>> -> memref<1x480x128xf32, #tpu.memory_space<vmem>>
          %swap3A_213 = tpu.memref_squeeze %swap3A_212 : memref<1x480x128xf32, #tpu.memory_space<vmem>> -> memref<480x128xf32, #tpu.memory_space<vmem>>
          %swap3A_214 = arith.index_cast %sub3A_162 : i32 to index
          %swap3A_215 = arith.constant 0 : index
          %swap3A_216 = tpu.vector_load %swap3A_213[%swap3A_214, %swap3A_215] {strides = array<i32>} : memref<480x128xf32, #tpu.memory_space<vmem>>, vector<16xf32>,
          tpu.vector_store %swap3A_213[%swap3A_214, %swap3A_215], %get3A_210 {strides = array<i32>} : memref<480x128xf32, #tpu.memory_space<vmem>>, vector<16xf32>,
          %get3A_217 = arith.constant 0 : i32
          %get3A_218 = arith.index_cast %get3A_217 : i32 to index
          %get3A_219 = arith.constant 16 : index
          %get3A_220 = tpu.vector_load %arg7[%get3A_218, %get3A_219] {strides = array<i32>} : memref<2x128xf32, #tpu.memory_space<vmem>>, vector<16xf32>,
          %swap3A_221 = arith.constant 0 : i32
          %swap3A_222 = arith.constant 0 : i32
          %swap3A_223 = tpu.memref_slice %arg6[%cond3A_168, %swap3A_221, %swap3A_222] : memref<2x480x128xf32, #tpu.memory_space<vmem>> -> memref<1x480x128xf32, #tpu.memory_space<vmem>>
          %swap3A_224 = tpu.memref_squeeze %swap3A_223 : memref<1x480x128xf32, #tpu.memory_space<vmem>> -> memref<480x128xf32, #tpu.memory_space<vmem>>
          %swap3A_225 = arith.index_cast %sub3A_162 : i32 to index
          %swap3A_226 = arith.constant 16 : index
          %swap3A_227 = tpu.vector_load %swap3A_224[%swap3A_225, %swap3A_226] {strides = array<i32>} : memref<480x128xf32, #tpu.memory_space<vmem>>, vector<16xf32>,
          tpu.vector_store %swap3A_224[%swap3A_225, %swap3A_226], %get3A_220 {strides = array<i32>} : memref<480x128xf32, #tpu.memory_space<vmem>>, vector<16xf32>,
          %get3A_228 = arith.constant 0 : i32
          %get3A_229 = arith.index_cast %get3A_228 : i32 to index
          %get3A_230 = arith.constant 32 : index
          %get3A_231 = tpu.vector_load %arg7[%get3A_229, %get3A_230] {strides = array<i32>} : memref<2x128xf32, #tpu.memory_space<vmem>>, vector<16xf32>,
          %swap3A_232 = arith.constant 0 : i32
          %swap3A_233 = arith.constant 0 : i32
          %swap3A_234 = tpu.memref_slice %arg6[%cond3A_168, %swap3A_232, %swap3A_233] : memref<2x480x128xf32, #tpu.memory_space<vmem>> -> memref<1x480x128xf32, #tpu.memory_space<vmem>>
          %swap3A_235 = tpu.memref_squeeze %swap3A_234 : memref<1x480x128xf32, #tpu.memory_space<vmem>> -> memref<480x128xf32, #tpu.memory_space<vmem>>
          %swap3A_236 = arith.index_cast %sub3A_162 : i32 to index
          %swap3A_237 = arith.constant 32 : index
          %swap3A_238 = tpu.vector_load %swap3A_235[%swap3A_236, %swap3A_237] {strides = array<i32>} : memref<480x128xf32, #tpu.memory_space<vmem>>, vector<16xf32>,
          tpu.vector_store %swap3A_235[%swap3A_236, %swap3A_237], %get3A_231 {strides = array<i32>} : memref<480x128xf32, #tpu.memory_space<vmem>>, vector<16xf32>,
          %get3A_239 = arith.constant 0 : i32
          %get3A_240 = arith.index_cast %get3A_239 : i32 to index
          %get3A_241 = arith.constant 48 : index
          %get3A_242 = tpu.vector_load %arg7[%get3A_240, %get3A_241] {strides = array<i32>} : memref<2x128xf32, #tpu.memory_space<vmem>>, vector<16xf32>,
          %swap3A_243 = arith.constant 0 : i32
          %swap3A_244 = arith.constant 0 : i32
          %swap3A_245 = tpu.memref_slice %arg6[%cond3A_168, %swap3A_243, %swap3A_244] : memref<2x480x128xf32, #tpu.memory_space<vmem>> -> memref<1x480x128xf32, #tpu.memory_space<vmem>>
          %swap3A_246 = tpu.memref_squeeze %swap3A_245 : memref<1x480x128xf32, #tpu.memory_space<vmem>> -> memref<480x128xf32, #tpu.memory_space<vmem>>
          %swap3A_247 = arith.index_cast %sub3A_162 : i32 to index
          %swap3A_248 = arith.constant 48 : index
          %swap3A_249 = tpu.vector_load %swap3A_246[%swap3A_247, %swap3A_248] {strides = array<i32>} : memref<480x128xf32, #tpu.memory_space<vmem>>, vector<16xf32>,
          tpu.vector_store %swap3A_246[%swap3A_247, %swap3A_248], %get3A_242 {strides = array<i32>} : memref<480x128xf32, #tpu.memory_space<vmem>>, vector<16xf32>,
          %get3A_250 = arith.constant 0 : i32
          %get3A_251 = arith.index_cast %get3A_250 : i32 to index
          %get3A_252 = arith.constant 64 : index
          %get3A_253 = tpu.vector_load %arg7[%get3A_251, %get3A_252] {strides = array<i32>} : memref<2x128xf32, #tpu.memory_space<vmem>>, vector<16xf32>,
          %swap3A_254 = arith.constant 0 : i32
          %swap3A_255 = arith.constant 0 : i32
          %swap3A_256 = tpu.memref_slice %arg6[%cond3A_168, %swap3A_254, %swap3A_255] : memref<2x480x128xf32, #tpu.memory_space<vmem>> -> memref<1x480x128xf32, #tpu.memory_space<vmem>>
          %swap3A_257 = tpu.memref_squeeze %swap3A_256 : memref<1x480x128xf32, #tpu.memory_space<vmem>> -> memref<480x128xf32, #tpu.memory_space<vmem>>
          %swap3A_258 = arith.index_cast %sub3A_162 : i32 to index
          %swap3A_259 = arith.constant 64 : index
          %swap3A_260 = tpu.vector_load %swap3A_257[%swap3A_258, %swap3A_259] {strides = array<i32>} : memref<480x128xf32, #tpu.memory_space<vmem>>, vector<16xf32>,
          tpu.vector_store %swap3A_257[%swap3A_258, %swap3A_259], %get3A_253 {strides = array<i32>} : memref<480x128xf32, #tpu.memory_space<vmem>>, vector<16xf32>,
          %get3A_261 = arith.constant 0 : i32
          %get3A_262 = arith.index_cast %get3A_261 : i32 to index
          %get3A_263 = arith.constant 80 : index
          %get3A_264 = tpu.vector_load %arg7[%get3A_262, %get3A_263] {strides = array<i32>} : memref<2x128xf32, #tpu.memory_space<vmem>>, vector<16xf32>,
          %swap3A_265 = arith.constant 0 : i32
          %swap3A_266 = arith.constant 0 : i32
          %swap3A_267 = tpu.memref_slice %arg6[%cond3A_168, %swap3A_265, %swap3A_266] : memref<2x480x128xf32, #tpu.memory_space<vmem>> -> memref<1x480x128xf32, #tpu.memory_space<vmem>>
          %swap3A_268 = tpu.memref_squeeze %swap3A_267 : memref<1x480x128xf32, #tpu.memory_space<vmem>> -> memref<480x128xf32, #tpu.memory_space<vmem>>
          %swap3A_269 = arith.index_cast %sub3A_162 : i32 to index
          %swap3A_270 = arith.constant 80 : index
          %swap3A_271 = tpu.vector_load %swap3A_268[%swap3A_269, %swap3A_270] {strides = array<i32>} : memref<480x128xf32, #tpu.memory_space<vmem>>, vector<16xf32>,
          tpu.vector_store %swap3A_268[%swap3A_269, %swap3A_270], %get3A_264 {strides = array<i32>} : memref<480x128xf32, #tpu.memory_space<vmem>>, vector<16xf32>,
          %get3A_272 = arith.constant 0 : i32
          %get3A_273 = arith.index_cast %get3A_272 : i32 to index
          %get3A_274 = arith.constant 96 : index
          %get3A_275 = tpu.vector_load %arg7[%get3A_273, %get3A_274] {strides = array<i32>} : memref<2x128xf32, #tpu.memory_space<vmem>>, vector<16xf32>,
          %swap3A_276 = arith.constant 0 : i32
          %swap3A_277 = arith.constant 0 : i32
          %swap3A_278 = tpu.memref_slice %arg6[%cond3A_168, %swap3A_276, %swap3A_277] : memref<2x480x128xf32, #tpu.memory_space<vmem>> -> memref<1x480x128xf32, #tpu.memory_space<vmem>>
          %swap3A_279 = tpu.memref_squeeze %swap3A_278 : memref<1x480x128xf32, #tpu.memory_space<vmem>> -> memref<480x128xf32, #tpu.memory_space<vmem>>
          %swap3A_280 = arith.index_cast %sub3A_162 : i32 to index
          %swap3A_281 = arith.constant 96 : index
          %swap3A_282 = tpu.vector_load %swap3A_279[%swap3A_280, %swap3A_281] {strides = array<i32>} : memref<480x128xf32, #tpu.memory_space<vmem>>, vector<16xf32>,
          tpu.vector_store %swap3A_279[%swap3A_280, %swap3A_281], %get3A_275 {strides = array<i32>} : memref<480x128xf32, #tpu.memory_space<vmem>>, vector<16xf32>,
          %get3A_283 = arith.constant 0 : i32
          %get3A_284 = arith.index_cast %get3A_283 : i32 to index
          %get3A_285 = arith.constant 112 : index
          %get3A_286 = tpu.vector_load %arg7[%get3A_284, %get3A_285] {strides = array<i32>} : memref<2x128xf32, #tpu.memory_space<vmem>>, vector<16xf32>,
          %swap3A_287 = arith.constant 0 : i32
          %swap3A_288 = arith.constant 0 : i32
          %swap3A_289 = tpu.memref_slice %arg6[%cond3A_168, %swap3A_287, %swap3A_288] : memref<2x480x128xf32, #tpu.memory_space<vmem>> -> memref<1x480x128xf32, #tpu.memory_space<vmem>>
          %swap3A_290 = tpu.memref_squeeze %swap3A_289 : memref<1x480x128xf32, #tpu.memory_space<vmem>> -> memref<480x128xf32, #tpu.memory_space<vmem>>
          %swap3A_291 = arith.index_cast %sub3A_162 : i32 to index
          %swap3A_292 = arith.constant 112 : index
          %swap3A_293 = tpu.vector_load %swap3A_290[%swap3A_291, %swap3A_292] {strides = array<i32>} : memref<480x128xf32, #tpu.memory_space<vmem>>, vector<16xf32>,
          tpu.vector_store %swap3A_290[%swap3A_291, %swap3A_292], %get3A_286 {strides = array<i32>} : memref<480x128xf32, #tpu.memory_space<vmem>>, vector<16xf32>,
        } else {
        }
        %add3A_171 = arith.constant 1 : i32
        %add3A_172 = arith.addi %squeeze3A, %add3A_171 : i32
        %sub3A_173 = arith.subi %add3A_172, %mul3A_159 : i32
        %ge3A_174 = arith.constant 0 : i32
        %ge3A_175 = arith.cmpi sge, %sub3A_173, %ge3A_174 : i32
        %lt3A_176 = arith.constant 480 : i32
        %lt3A_177 = arith.cmpi slt, %sub3A_173, %lt3A_176 : i32
        %and3A_178 = arith.andi %ge3A_175, %lt3A_177 : i1
        %convert_element_type3A_179 = arith.extui %and3A_178 : i1 to i32
        %cond3A_180 = arith.constant 0 : i32
        %cond3A_181 = arith.constant 0 : i32
        %cond3A_182 = arith.cmpi ne, %convert_element_type3A_179, %cond3A_181 : i32
        scf.if %cond3A_182 {
          %get3A_207 = arith.constant 1 : i32
          %get3A_208 = arith.index_cast %get3A_207 : i32 to index
          %get3A_209 = arith.constant 0 : index
          %get3A_210 = tpu.vector_load %arg7[%get3A_208, %get3A_209] {strides = array<i32>} : memref<2x128xf32, #tpu.memory_space<vmem>>, vector<16xf32>,
          %swap3A = arith.constant 0 : i32
          %swap3A_211 = arith.constant 0 : i32
          %swap3A_212 = tpu.memref_slice %arg6[%cond3A_180, %swap3A, %swap3A_211] : memref<2x480x128xf32, #tpu.memory_space<vmem>> -> memref<1x480x128xf32, #tpu.memory_space<vmem>>
          %swap3A_213 = tpu.memref_squeeze %swap3A_212 : memref<1x480x128xf32, #tpu.memory_space<vmem>> -> memref<480x128xf32, #tpu.memory_space<vmem>>
          %swap3A_214 = arith.index_cast %sub3A_173 : i32 to index
          %swap3A_215 = arith.constant 0 : index
          %swap3A_216 = tpu.vector_load %swap3A_213[%swap3A_214, %swap3A_215] {strides = array<i32>} : memref<480x128xf32, #tpu.memory_space<vmem>>, vector<16xf32>,
          tpu.vector_store %swap3A_213[%swap3A_214, %swap3A_215], %get3A_210 {strides = array<i32>} : memref<480x128xf32, #tpu.memory_space<vmem>>, vector<16xf32>,
          %get3A_217 = arith.constant 1 : i32
          %get3A_218 = arith.index_cast %get3A_217 : i32 to index
          %get3A_219 = arith.constant 16 : index
          %get3A_220 = tpu.vector_load %arg7[%get3A_218, %get3A_219] {strides = array<i32>} : memref<2x128xf32, #tpu.memory_space<vmem>>, vector<16xf32>,
          %swap3A_221 = arith.constant 0 : i32
          %swap3A_222 = arith.constant 0 : i32
          %swap3A_223 = tpu.memref_slice %arg6[%cond3A_180, %swap3A_221, %swap3A_222] : memref<2x480x128xf32, #tpu.memory_space<vmem>> -> memref<1x480x128xf32, #tpu.memory_space<vmem>>
          %swap3A_224 = tpu.memref_squeeze %swap3A_223 : memref<1x480x128xf32, #tpu.memory_space<vmem>> -> memref<480x128xf32, #tpu.memory_space<vmem>>
          %swap3A_225 = arith.index_cast %sub3A_173 : i32 to index
          %swap3A_226 = arith.constant 16 : index
          %swap3A_227 = tpu.vector_load %swap3A_224[%swap3A_225, %swap3A_226] {strides = array<i32>} : memref<480x128xf32, #tpu.memory_space<vmem>>, vector<16xf32>,
          tpu.vector_store %swap3A_224[%swap3A_225, %swap3A_226], %get3A_220 {strides = array<i32>} : memref<480x128xf32, #tpu.memory_space<vmem>>, vector<16xf32>,
          %get3A_228 = arith.constant 1 : i32
          %get3A_229 = arith.index_cast %get3A_228 : i32 to index
          %get3A_230 = arith.constant 32 : index
          %get3A_231 = tpu.vector_load %arg7[%get3A_229, %get3A_230] {strides = array<i32>} : memref<2x128xf32, #tpu.memory_space<vmem>>, vector<16xf32>,
          %swap3A_232 = arith.constant 0 : i32
          %swap3A_233 = arith.constant 0 : i32
          %swap3A_234 = tpu.memref_slice %arg6[%cond3A_180, %swap3A_232, %swap3A_233] : memref<2x480x128xf32, #tpu.memory_space<vmem>> -> memref<1x480x128xf32, #tpu.memory_space<vmem>>
          %swap3A_235 = tpu.memref_squeeze %swap3A_234 : memref<1x480x128xf32, #tpu.memory_space<vmem>> -> memref<480x128xf32, #tpu.memory_space<vmem>>
          %swap3A_236 = arith.index_cast %sub3A_173 : i32 to index
          %swap3A_237 = arith.constant 32 : index
          %swap3A_238 = tpu.vector_load %swap3A_235[%swap3A_236, %swap3A_237] {strides = array<i32>} : memref<480x128xf32, #tpu.memory_space<vmem>>, vector<16xf32>,
          tpu.vector_store %swap3A_235[%swap3A_236, %swap3A_237], %get3A_231 {strides = array<i32>} : memref<480x128xf32, #tpu.memory_space<vmem>>, vector<16xf32>,
          %get3A_239 = arith.constant 1 : i32
          %get3A_240 = arith.index_cast %get3A_239 : i32 to index
          %get3A_241 = arith.constant 48 : index
          %get3A_242 = tpu.vector_load %arg7[%get3A_240, %get3A_241] {strides = array<i32>} : memref<2x128xf32, #tpu.memory_space<vmem>>, vector<16xf32>,
          %swap3A_243 = arith.constant 0 : i32
          %swap3A_244 = arith.constant 0 : i32
          %swap3A_245 = tpu.memref_slice %arg6[%cond3A_180, %swap3A_243, %swap3A_244] : memref<2x480x128xf32, #tpu.memory_space<vmem>> -> memref<1x480x128xf32, #tpu.memory_space<vmem>>
          %swap3A_246 = tpu.memref_squeeze %swap3A_245 : memref<1x480x128xf32, #tpu.memory_space<vmem>> -> memref<480x128xf32, #tpu.memory_space<vmem>>
          %swap3A_247 = arith.index_cast %sub3A_173 : i32 to index
          %swap3A_248 = arith.constant 48 : index
          %swap3A_249 = tpu.vector_load %swap3A_246[%swap3A_247, %swap3A_248] {strides = array<i32>} : memref<480x128xf32, #tpu.memory_space<vmem>>, vector<16xf32>,
          tpu.vector_store %swap3A_246[%swap3A_247, %swap3A_248], %get3A_242 {strides = array<i32>} : memref<480x128xf32, #tpu.memory_space<vmem>>, vector<16xf32>,
          %get3A_250 = arith.constant 1 : i32
          %get3A_251 = arith.index_cast %get3A_250 : i32 to index
          %get3A_252 = arith.constant 64 : index
          %get3A_253 = tpu.vector_load %arg7[%get3A_251, %get3A_252] {strides = array<i32>} : memref<2x128xf32, #tpu.memory_space<vmem>>, vector<16xf32>,
          %swap3A_254 = arith.constant 0 : i32
          %swap3A_255 = arith.constant 0 : i32
          %swap3A_256 = tpu.memref_slice %arg6[%cond3A_180, %swap3A_254, %swap3A_255] : memref<2x480x128xf32, #tpu.memory_space<vmem>> -> memref<1x480x128xf32, #tpu.memory_space<vmem>>
          %swap3A_257 = tpu.memref_squeeze %swap3A_256 : memref<1x480x128xf32, #tpu.memory_space<vmem>> -> memref<480x128xf32, #tpu.memory_space<vmem>>
          %swap3A_258 = arith.index_cast %sub3A_173 : i32 to index
          %swap3A_259 = arith.constant 64 : index
          %swap3A_260 = tpu.vector_load %swap3A_257[%swap3A_258, %swap3A_259] {strides = array<i32>} : memref<480x128xf32, #tpu.memory_space<vmem>>, vector<16xf32>,
          tpu.vector_store %swap3A_257[%swap3A_258, %swap3A_259], %get3A_253 {strides = array<i32>} : memref<480x128xf32, #tpu.memory_space<vmem>>, vector<16xf32>,
          %get3A_261 = arith.constant 1 : i32
          %get3A_262 = arith.index_cast %get3A_261 : i32 to index
          %get3A_263 = arith.constant 80 : index
          %get3A_264 = tpu.vector_load %arg7[%get3A_262, %get3A_263] {strides = array<i32>} : memref<2x128xf32, #tpu.memory_space<vmem>>, vector<16xf32>,
          %swap3A_265 = arith.constant 0 : i32
          %swap3A_266 = arith.constant 0 : i32
          %swap3A_267 = tpu.memref_slice %arg6[%cond3A_180, %swap3A_265, %swap3A_266] : memref<2x480x128xf32, #tpu.memory_space<vmem>> -> memref<1x480x128xf32, #tpu.memory_space<vmem>>
          %swap3A_268 = tpu.memref_squeeze %swap3A_267 : memref<1x480x128xf32, #tpu.memory_space<vmem>> -> memref<480x128xf32, #tpu.memory_space<vmem>>
          %swap3A_269 = arith.index_cast %sub3A_173 : i32 to index
          %swap3A_270 = arith.constant 80 : index
          %swap3A_271 = tpu.vector_load %swap3A_268[%swap3A_269, %swap3A_270] {strides = array<i32>} : memref<480x128xf32, #tpu.memory_space<vmem>>, vector<16xf32>,
          tpu.vector_store %swap3A_268[%swap3A_269, %swap3A_270], %get3A_264 {strides = array<i32>} : memref<480x128xf32, #tpu.memory_space<vmem>>, vector<16xf32>,
          %get3A_272 = arith.constant 1 : i32
          %get3A_273 = arith.index_cast %get3A_272 : i32 to index
          %get3A_274 = arith.constant 96 : index
          %get3A_275 = tpu.vector_load %arg7[%get3A_273, %get3A_274] {strides = array<i32>} : memref<2x128xf32, #tpu.memory_space<vmem>>, vector<16xf32>,
          %swap3A_276 = arith.constant 0 : i32
          %swap3A_277 = arith.constant 0 : i32
          %swap3A_278 = tpu.memref_slice %arg6[%cond3A_180, %swap3A_276, %swap3A_277] : memref<2x480x128xf32, #tpu.memory_space<vmem>> -> memref<1x480x128xf32, #tpu.memory_space<vmem>>
          %swap3A_279 = tpu.memref_squeeze %swap3A_278 : memref<1x480x128xf32, #tpu.memory_space<vmem>> -> memref<480x128xf32, #tpu.memory_space<vmem>>
          %swap3A_280 = arith.index_cast %sub3A_173 : i32 to index
          %swap3A_281 = arith.constant 96 : index
          %swap3A_282 = tpu.vector_load %swap3A_279[%swap3A_280, %swap3A_281] {strides = array<i32>} : memref<480x128xf32, #tpu.memory_space<vmem>>, vector<16xf32>,
          tpu.vector_store %swap3A_279[%swap3A_280, %swap3A_281], %get3A_275 {strides = array<i32>} : memref<480x128xf32, #tpu.memory_space<vmem>>, vector<16xf32>,
          %get3A_283 = arith.constant 1 : i32
          %get3A_284 = arith.index_cast %get3A_283 : i32 to index
          %get3A_285 = arith.constant 112 : index
          %get3A_286 = tpu.vector_load %arg7[%get3A_284, %get3A_285] {strides = array<i32>} : memref<2x128xf32, #tpu.memory_space<vmem>>, vector<16xf32>,
          %swap3A_287 = arith.constant 0 : i32
          %swap3A_288 = arith.constant 0 : i32
          %swap3A_289 = tpu.memref_slice %arg6[%cond3A_180, %swap3A_287, %swap3A_288] : memref<2x480x128xf32, #tpu.memory_space<vmem>> -> memref<1x480x128xf32, #tpu.memory_space<vmem>>
          %swap3A_290 = tpu.memref_squeeze %swap3A_289 : memref<1x480x128xf32, #tpu.memory_space<vmem>> -> memref<480x128xf32, #tpu.memory_space<vmem>>
          %swap3A_291 = arith.index_cast %sub3A_173 : i32 to index
          %swap3A_292 = arith.constant 112 : index
          %swap3A_293 = tpu.vector_load %swap3A_290[%swap3A_291, %swap3A_292] {strides = array<i32>} : memref<480x128xf32, #tpu.memory_space<vmem>>, vector<16xf32>,
          tpu.vector_store %swap3A_290[%swap3A_291, %swap3A_292], %get3A_286 {strides = array<i32>} : memref<480x128xf32, #tpu.memory_space<vmem>>, vector<16xf32>,
        } else {
        }
        %parallel_loop3A = arith.constant 0 : i32
        %parallel_loop3A_183 = arith.constant 480 : i32
        %parallel_loop3A_184 = arith.constant 1 : i32
        %parallel_loop3A_185 = arith.constant 0 : i32
        scf.for %parallel_loop3A_207 = %parallel_loop3A to %parallel_loop3A_183 step %parallel_loop3A_184  : i32 {
          %parallel_loop3A_208 = arith.constant 0 : i32
          %parallel_loop3A_209 = arith.constant 0 : i32
          %parallel_loop3A_210 = tpu.memref_slice %arg6[%parallel_loop3A_185, %parallel_loop3A_208, %parallel_loop3A_209] : memref<2x480x128xf32, #tpu.memory_space<vmem>> -> memref<1x480x128xf32, #tpu.memory_space<vmem>>
          %parallel_loop3A_211 = tpu.memref_squeeze %parallel_loop3A_210 : memref<1x480x128xf32, #tpu.memory_space<vmem>> -> memref<480x128xf32, #tpu.memory_space<vmem>>
          %parallel_loop3A_212 = arith.index_cast %parallel_loop3A_207 : i32 to index
          %parallel_loop3A_213 = arith.constant 0 : index
          %parallel_loop3A_214 = tpu.vector_load %parallel_loop3A_211[%parallel_loop3A_212, %parallel_loop3A_213] {strides = array<i32>} : memref<480x128xf32, #tpu.memory_space<vmem>>, vector<16xf32>,
          %parallel_loop3A_215 = arith.constant 0 : i32
          %parallel_loop3A_216 = arith.constant 0 : i32
          %parallel_loop3A_217 = tpu.memref_slice %arg6[%parallel_loop3A_185, %parallel_loop3A_215, %parallel_loop3A_216] : memref<2x480x128xf32, #tpu.memory_space<vmem>> -> memref<1x480x128xf32, #tpu.memory_space<vmem>>
          %parallel_loop3A_218 = tpu.memref_squeeze %parallel_loop3A_217 : memref<1x480x128xf32, #tpu.memory_space<vmem>> -> memref<480x128xf32, #tpu.memory_space<vmem>>
          %parallel_loop3A_219 = arith.index_cast %parallel_loop3A_207 : i32 to index
          %parallel_loop3A_220 = arith.constant 16 : index
          %parallel_loop3A_221 = tpu.vector_load %parallel_loop3A_218[%parallel_loop3A_219, %parallel_loop3A_220] {strides = array<i32>} : memref<480x128xf32, #tpu.memory_space<vmem>>, vector<16xf32>,
          %parallel_loop3A_222 = arith.constant 0 : i32
          %parallel_loop3A_223 = arith.constant 0 : i32
          %parallel_loop3A_224 = tpu.memref_slice %arg6[%parallel_loop3A_185, %parallel_loop3A_222, %parallel_loop3A_223] : memref<2x480x128xf32, #tpu.memory_space<vmem>> -> memref<1x480x128xf32, #tpu.memory_space<vmem>>
          %parallel_loop3A_225 = tpu.memref_squeeze %parallel_loop3A_224 : memref<1x480x128xf32, #tpu.memory_space<vmem>> -> memref<480x128xf32, #tpu.memory_space<vmem>>
          %parallel_loop3A_226 = arith.index_cast %parallel_loop3A_207 : i32 to index
          %parallel_loop3A_227 = arith.constant 32 : index
          %parallel_loop3A_228 = tpu.vector_load %parallel_loop3A_225[%parallel_loop3A_226, %parallel_loop3A_227] {strides = array<i32>} : memref<480x128xf32, #tpu.memory_space<vmem>>, vector<16xf32>,
          %parallel_loop3A_229 = arith.constant 0 : i32
          %parallel_loop3A_230 = arith.constant 0 : i32
          %parallel_loop3A_231 = tpu.memref_slice %arg6[%parallel_loop3A_185, %parallel_loop3A_229, %parallel_loop3A_230] : memref<2x480x128xf32, #tpu.memory_space<vmem>> -> memref<1x480x128xf32, #tpu.memory_space<vmem>>
          %parallel_loop3A_232 = tpu.memref_squeeze %parallel_loop3A_231 : memref<1x480x128xf32, #tpu.memory_space<vmem>> -> memref<480x128xf32, #tpu.memory_space<vmem>>
          %parallel_loop3A_233 = arith.index_cast %parallel_loop3A_207 : i32 to index
          %parallel_loop3A_234 = arith.constant 48 : index
          %parallel_loop3A_235 = tpu.vector_load %parallel_loop3A_232[%parallel_loop3A_233, %parallel_loop3A_234] {strides = array<i32>} : memref<480x128xf32, #tpu.memory_space<vmem>>, vector<16xf32>,
          %parallel_loop3A_236 = arith.constant 0 : i32
          %parallel_loop3A_237 = arith.constant 0 : i32
          %parallel_loop3A_238 = tpu.memref_slice %arg6[%parallel_loop3A_185, %parallel_loop3A_236, %parallel_loop3A_237] : memref<2x480x128xf32, #tpu.memory_space<vmem>> -> memref<1x480x128xf32, #tpu.memory_space<vmem>>
          %parallel_loop3A_239 = tpu.memref_squeeze %parallel_loop3A_238 : memref<1x480x128xf32, #tpu.memory_space<vmem>> -> memref<480x128xf32, #tpu.memory_space<vmem>>
          %parallel_loop3A_240 = arith.index_cast %parallel_loop3A_207 : i32 to index
          %parallel_loop3A_241 = arith.constant 64 : index
          %parallel_loop3A_242 = tpu.vector_load %parallel_loop3A_239[%parallel_loop3A_240, %parallel_loop3A_241] {strides = array<i32>} : memref<480x128xf32, #tpu.memory_space<vmem>>, vector<16xf32>,
          %parallel_loop3A_243 = arith.constant 0 : i32
          %parallel_loop3A_244 = arith.constant 0 : i32
          %parallel_loop3A_245 = tpu.memref_slice %arg6[%parallel_loop3A_185, %parallel_loop3A_243, %parallel_loop3A_244] : memref<2x480x128xf32, #tpu.memory_space<vmem>> -> memref<1x480x128xf32, #tpu.memory_space<vmem>>
          %parallel_loop3A_246 = tpu.memref_squeeze %parallel_loop3A_245 : memref<1x480x128xf32, #tpu.memory_space<vmem>> -> memref<480x128xf32, #tpu.memory_space<vmem>>
          %parallel_loop3A_247 = arith.index_cast %parallel_loop3A_207 : i32 to index
          %parallel_loop3A_248 = arith.constant 80 : index
          %parallel_loop3A_249 = tpu.vector_load %parallel_loop3A_246[%parallel_loop3A_247, %parallel_loop3A_248] {strides = array<i32>} : memref<480x128xf32, #tpu.memory_space<vmem>>, vector<16xf32>,
          %parallel_loop3A_250 = arith.constant 0 : i32
          %parallel_loop3A_251 = arith.constant 0 : i32
          %parallel_loop3A_252 = tpu.memref_slice %arg6[%parallel_loop3A_185, %parallel_loop3A_250, %parallel_loop3A_251] : memref<2x480x128xf32, #tpu.memory_space<vmem>> -> memref<1x480x128xf32, #tpu.memory_space<vmem>>
          %parallel_loop3A_253 = tpu.memref_squeeze %parallel_loop3A_252 : memref<1x480x128xf32, #tpu.memory_space<vmem>> -> memref<480x128xf32, #tpu.memory_space<vmem>>
          %parallel_loop3A_254 = arith.index_cast %parallel_loop3A_207 : i32 to index
          %parallel_loop3A_255 = arith.constant 96 : index
          %parallel_loop3A_256 = tpu.vector_load %parallel_loop3A_253[%parallel_loop3A_254, %parallel_loop3A_255] {strides = array<i32>} : memref<480x128xf32, #tpu.memory_space<vmem>>, vector<16xf32>,
          %parallel_loop3A_257 = arith.constant 0 : i32
          %parallel_loop3A_258 = arith.constant 0 : i32
          %parallel_loop3A_259 = tpu.memref_slice %arg6[%parallel_loop3A_185, %parallel_loop3A_257, %parallel_loop3A_258] : memref<2x480x128xf32, #tpu.memory_space<vmem>> -> memref<1x480x128xf32, #tpu.memory_space<vmem>>
          %parallel_loop3A_260 = tpu.memref_squeeze %parallel_loop3A_259 : memref<1x480x128xf32, #tpu.memory_space<vmem>> -> memref<480x128xf32, #tpu.memory_space<vmem>>
          %parallel_loop3A_261 = arith.index_cast %parallel_loop3A_207 : i32 to index
          %parallel_loop3A_262 = arith.constant 112 : index
          %parallel_loop3A_263 = tpu.vector_load %parallel_loop3A_260[%parallel_loop3A_261, %parallel_loop3A_262] {strides = array<i32>} : memref<480x128xf32, #tpu.memory_space<vmem>>, vector<16xf32>,
          %parallel_loop3A_264 = arith.mulf %parallel_loop3A_214, %parallel_loop3A_214 : vector<16xf32>
          %parallel_loop3A_265 = arith.mulf %parallel_loop3A_221, %parallel_loop3A_221 : vector<16xf32>
          %parallel_loop3A_266 = arith.addf %parallel_loop3A_264, %parallel_loop3A_265 : vector<16xf32>
          %parallel_loop3A_267 = arith.mulf %parallel_loop3A_228, %parallel_loop3A_228 : vector<16xf32>
          %parallel_loop3A_268 = arith.addf %parallel_loop3A_266, %parallel_loop3A_267 : vector<16xf32>
          %parallel_loop3A_269 = arith.mulf %parallel_loop3A_235, %parallel_loop3A_235 : vector<16xf32>
          %parallel_loop3A_270 = arith.addf %parallel_loop3A_268, %parallel_loop3A_269 : vector<16xf32>
          %parallel_loop3A_271 = arith.mulf %parallel_loop3A_242, %parallel_loop3A_242 : vector<16xf32>
          %parallel_loop3A_272 = arith.addf %parallel_loop3A_270, %parallel_loop3A_271 : vector<16xf32>
          %parallel_loop3A_273 = arith.mulf %parallel_loop3A_249, %parallel_loop3A_249 : vector<16xf32>
          %parallel_loop3A_274 = arith.addf %parallel_loop3A_272, %parallel_loop3A_273 : vector<16xf32>
          %parallel_loop3A_275 = arith.mulf %parallel_loop3A_256, %parallel_loop3A_256 : vector<16xf32>
          %parallel_loop3A_276 = arith.addf %parallel_loop3A_274, %parallel_loop3A_275 : vector<16xf32>
          %parallel_loop3A_277 = arith.mulf %parallel_loop3A_263, %parallel_loop3A_263 : vector<16xf32>
          %parallel_loop3A_278 = arith.addf %parallel_loop3A_276, %parallel_loop3A_277 : vector<16xf32>
          %parallel_loop3A_279 = arith.constant true
          %parallel_loop3A_280 = vector.broadcast %parallel_loop3A_279 : i1 to vector<16xi1>
          %parallel_loop3A_281 = tpu.scan <sum>, %parallel_loop3A_278 masked %parallel_loop3A_280 : vector<16xf32>, vector<16xi1> -> vector<16xf32>
          %parallel_loop3A_282 = vector.extract %parallel_loop3A_281[15] : f32 from vector<16xf32>
          %parallel_loop3A_283 = arith.bitcast %parallel_loop3A_282 : f32 to i32
          %parallel_loop3A_284 = arith.constant 1 : i32
          %parallel_loop3A_285 = arith.shrui %parallel_loop3A_283, %parallel_loop3A_284 : i32
          %parallel_loop3A_286 = arith.constant 1597463007 : i32
          %parallel_loop3A_287 = arith.subi %parallel_loop3A_286, %parallel_loop3A_285 : i32
          %parallel_loop3A_288 = arith.bitcast %parallel_loop3A_287 : i32 to f32
          %parallel_loop3A_289 = arith.constant 5.000000e-01 : f32
          %parallel_loop3A_290 = arith.mulf %parallel_loop3A_282, %parallel_loop3A_289 : f32
          %parallel_loop3A_291 = arith.mulf %parallel_loop3A_290, %parallel_loop3A_288 : f32
          %parallel_loop3A_292 = arith.mulf %parallel_loop3A_291, %parallel_loop3A_288 : f32
          %parallel_loop3A_293 = arith.constant 1.500000e+00 : f32
          %parallel_loop3A_294 = arith.subf %parallel_loop3A_293, %parallel_loop3A_292 : f32
          %parallel_loop3A_295 = arith.mulf %parallel_loop3A_288, %parallel_loop3A_294 : f32
          %parallel_loop3A_296 = arith.mulf %parallel_loop3A_290, %parallel_loop3A_295 : f32
          %parallel_loop3A_297 = arith.mulf %parallel_loop3A_296, %parallel_loop3A_295 : f32
          %parallel_loop3A_298 = arith.constant 1.500000e+00 : f32
          %parallel_loop3A_299 = arith.subf %parallel_loop3A_298, %parallel_loop3A_297 : f32
          %parallel_loop3A_300 = arith.mulf %parallel_loop3A_295, %parallel_loop3A_299 : f32
          %parallel_loop3A_301 = arith.mulf %parallel_loop3A_282, %parallel_loop3A_300 : f32
          %parallel_loop3A_302 = arith.constant 9.99999996E-13 : f32
          %parallel_loop3A_303 = arith.cmpf ogt, %parallel_loop3A_301, %parallel_loop3A_302 : f32
          %parallel_loop3A_304 = arith.constant 9.99999995E+11 : f32
          %parallel_loop3A_305 = arith.select %parallel_loop3A_303, %parallel_loop3A_300, %parallel_loop3A_304 : f32
          %parallel_loop3A_306 = vector.broadcast %parallel_loop3A_305 : f32 to vector<16xf32>
          %parallel_loop3A_307 = arith.mulf %parallel_loop3A_214, %parallel_loop3A_306 : vector<16xf32>
          %parallel_loop3A_308 = arith.constant 0 : i32
          %parallel_loop3A_309 = arith.constant 0 : i32
          %parallel_loop3A_310 = tpu.memref_slice %arg6[%parallel_loop3A_185, %parallel_loop3A_308, %parallel_loop3A_309] : memref<2x480x128xf32, #tpu.memory_space<vmem>> -> memref<1x480x128xf32, #tpu.memory_space<vmem>>
          %parallel_loop3A_311 = tpu.memref_squeeze %parallel_loop3A_310 : memref<1x480x128xf32, #tpu.memory_space<vmem>> -> memref<480x128xf32, #tpu.memory_space<vmem>>
          %parallel_loop3A_312 = arith.index_cast %parallel_loop3A_207 : i32 to index
          %parallel_loop3A_313 = arith.constant 0 : index
          %parallel_loop3A_314 = tpu.vector_load %parallel_loop3A_311[%parallel_loop3A_312, %parallel_loop3A_313] {strides = array<i32>} : memref<480x128xf32, #tpu.memory_space<vmem>>, vector<16xf32>,
          tpu.vector_store %parallel_loop3A_311[%parallel_loop3A_312, %parallel_loop3A_313], %parallel_loop3A_307 {strides = array<i32>} : memref<480x128xf32, #tpu.memory_space<vmem>>, vector<16xf32>,
          %parallel_loop3A_315 = arith.mulf %parallel_loop3A_221, %parallel_loop3A_306 : vector<16xf32>
          %parallel_loop3A_316 = arith.constant 0 : i32
          %parallel_loop3A_317 = arith.constant 0 : i32
          %parallel_loop3A_318 = tpu.memref_slice %arg6[%parallel_loop3A_185, %parallel_loop3A_316, %parallel_loop3A_317] : memref<2x480x128xf32, #tpu.memory_space<vmem>> -> memref<1x480x128xf32, #tpu.memory_space<vmem>>
          %parallel_loop3A_319 = tpu.memref_squeeze %parallel_loop3A_318 : memref<1x480x128xf32, #tpu.memory_space<vmem>> -> memref<480x128xf32, #tpu.memory_space<vmem>>
          %parallel_loop3A_320 = arith.index_cast %parallel_loop3A_207 : i32 to index
          %parallel_loop3A_321 = arith.constant 16 : index
          %parallel_loop3A_322 = tpu.vector_load %parallel_loop3A_319[%parallel_loop3A_320, %parallel_loop3A_321] {strides = array<i32>} : memref<480x128xf32, #tpu.memory_space<vmem>>, vector<16xf32>,
          tpu.vector_store %parallel_loop3A_319[%parallel_loop3A_320, %parallel_loop3A_321], %parallel_loop3A_315 {strides = array<i32>} : memref<480x128xf32, #tpu.memory_space<vmem>>, vector<16xf32>,
          %parallel_loop3A_323 = arith.mulf %parallel_loop3A_228, %parallel_loop3A_306 : vector<16xf32>
          %parallel_loop3A_324 = arith.constant 0 : i32
          %parallel_loop3A_325 = arith.constant 0 : i32
          %parallel_loop3A_326 = tpu.memref_slice %arg6[%parallel_loop3A_185, %parallel_loop3A_324, %parallel_loop3A_325] : memref<2x480x128xf32, #tpu.memory_space<vmem>> -> memref<1x480x128xf32, #tpu.memory_space<vmem>>
          %parallel_loop3A_327 = tpu.memref_squeeze %parallel_loop3A_326 : memref<1x480x128xf32, #tpu.memory_space<vmem>> -> memref<480x128xf32, #tpu.memory_space<vmem>>
          %parallel_loop3A_328 = arith.index_cast %parallel_loop3A_207 : i32 to index
          %parallel_loop3A_329 = arith.constant 32 : index
          %parallel_loop3A_330 = tpu.vector_load %parallel_loop3A_327[%parallel_loop3A_328, %parallel_loop3A_329] {strides = array<i32>} : memref<480x128xf32, #tpu.memory_space<vmem>>, vector<16xf32>,
          tpu.vector_store %parallel_loop3A_327[%parallel_loop3A_328, %parallel_loop3A_329], %parallel_loop3A_323 {strides = array<i32>} : memref<480x128xf32, #tpu.memory_space<vmem>>, vector<16xf32>,
          %parallel_loop3A_331 = arith.mulf %parallel_loop3A_235, %parallel_loop3A_306 : vector<16xf32>
          %parallel_loop3A_332 = arith.constant 0 : i32
          %parallel_loop3A_333 = arith.constant 0 : i32
          %parallel_loop3A_334 = tpu.memref_slice %arg6[%parallel_loop3A_185, %parallel_loop3A_332, %parallel_loop3A_333] : memref<2x480x128xf32, #tpu.memory_space<vmem>> -> memref<1x480x128xf32, #tpu.memory_space<vmem>>
          %parallel_loop3A_335 = tpu.memref_squeeze %parallel_loop3A_334 : memref<1x480x128xf32, #tpu.memory_space<vmem>> -> memref<480x128xf32, #tpu.memory_space<vmem>>
          %parallel_loop3A_336 = arith.index_cast %parallel_loop3A_207 : i32 to index
          %parallel_loop3A_337 = arith.constant 48 : index
          %parallel_loop3A_338 = tpu.vector_load %parallel_loop3A_335[%parallel_loop3A_336, %parallel_loop3A_337] {strides = array<i32>} : memref<480x128xf32, #tpu.memory_space<vmem>>, vector<16xf32>,
          tpu.vector_store %parallel_loop3A_335[%parallel_loop3A_336, %parallel_loop3A_337], %parallel_loop3A_331 {strides = array<i32>} : memref<480x128xf32, #tpu.memory_space<vmem>>, vector<16xf32>,
          %parallel_loop3A_339 = arith.mulf %parallel_loop3A_242, %parallel_loop3A_306 : vector<16xf32>
          %parallel_loop3A_340 = arith.constant 0 : i32
          %parallel_loop3A_341 = arith.constant 0 : i32
          %parallel_loop3A_342 = tpu.memref_slice %arg6[%parallel_loop3A_185, %parallel_loop3A_340, %parallel_loop3A_341] : memref<2x480x128xf32, #tpu.memory_space<vmem>> -> memref<1x480x128xf32, #tpu.memory_space<vmem>>
          %parallel_loop3A_343 = tpu.memref_squeeze %parallel_loop3A_342 : memref<1x480x128xf32, #tpu.memory_space<vmem>> -> memref<480x128xf32, #tpu.memory_space<vmem>>
          %parallel_loop3A_344 = arith.index_cast %parallel_loop3A_207 : i32 to index
          %parallel_loop3A_345 = arith.constant 64 : index
          %parallel_loop3A_346 = tpu.vector_load %parallel_loop3A_343[%parallel_loop3A_344, %parallel_loop3A_345] {strides = array<i32>} : memref<480x128xf32, #tpu.memory_space<vmem>>, vector<16xf32>,
          tpu.vector_store %parallel_loop3A_343[%parallel_loop3A_344, %parallel_loop3A_345], %parallel_loop3A_339 {strides = array<i32>} : memref<480x128xf32, #tpu.memory_space<vmem>>, vector<16xf32>,
          %parallel_loop3A_347 = arith.mulf %parallel_loop3A_249, %parallel_loop3A_306 : vector<16xf32>
          %parallel_loop3A_348 = arith.constant 0 : i32
          %parallel_loop3A_349 = arith.constant 0 : i32
          %parallel_loop3A_350 = tpu.memref_slice %arg6[%parallel_loop3A_185, %parallel_loop3A_348, %parallel_loop3A_349] : memref<2x480x128xf32, #tpu.memory_space<vmem>> -> memref<1x480x128xf32, #tpu.memory_space<vmem>>
          %parallel_loop3A_351 = tpu.memref_squeeze %parallel_loop3A_350 : memref<1x480x128xf32, #tpu.memory_space<vmem>> -> memref<480x128xf32, #tpu.memory_space<vmem>>
          %parallel_loop3A_352 = arith.index_cast %parallel_loop3A_207 : i32 to index
          %parallel_loop3A_353 = arith.constant 80 : index
          %parallel_loop3A_354 = tpu.vector_load %parallel_loop3A_351[%parallel_loop3A_352, %parallel_loop3A_353] {strides = array<i32>} : memref<480x128xf32, #tpu.memory_space<vmem>>, vector<16xf32>,
          tpu.vector_store %parallel_loop3A_351[%parallel_loop3A_352, %parallel_loop3A_353], %parallel_loop3A_347 {strides = array<i32>} : memref<480x128xf32, #tpu.memory_space<vmem>>, vector<16xf32>,
          %parallel_loop3A_355 = arith.mulf %parallel_loop3A_256, %parallel_loop3A_306 : vector<16xf32>
          %parallel_loop3A_356 = arith.constant 0 : i32
          %parallel_loop3A_357 = arith.constant 0 : i32
          %parallel_loop3A_358 = tpu.memref_slice %arg6[%parallel_loop3A_185, %parallel_loop3A_356, %parallel_loop3A_357] : memref<2x480x128xf32, #tpu.memory_space<vmem>> -> memref<1x480x128xf32, #tpu.memory_space<vmem>>
          %parallel_loop3A_359 = tpu.memref_squeeze %parallel_loop3A_358 : memref<1x480x128xf32, #tpu.memory_space<vmem>> -> memref<480x128xf32, #tpu.memory_space<vmem>>
          %parallel_loop3A_360 = arith.index_cast %parallel_loop3A_207 : i32 to index
          %parallel_loop3A_361 = arith.constant 96 : index
          %parallel_loop3A_362 = tpu.vector_load %parallel_loop3A_359[%parallel_loop3A_360, %parallel_loop3A_361] {strides = array<i32>} : memref<480x128xf32, #tpu.memory_space<vmem>>, vector<16xf32>,
          tpu.vector_store %parallel_loop3A_359[%parallel_loop3A_360, %parallel_loop3A_361], %parallel_loop3A_355 {strides = array<i32>} : memref<480x128xf32, #tpu.memory_space<vmem>>, vector<16xf32>,
          %parallel_loop3A_363 = arith.mulf %parallel_loop3A_263, %parallel_loop3A_306 : vector<16xf32>
          %parallel_loop3A_364 = arith.constant 0 : i32
          %parallel_loop3A_365 = arith.constant 0 : i32
          %parallel_loop3A_366 = tpu.memref_slice %arg6[%parallel_loop3A_185, %parallel_loop3A_364, %parallel_loop3A_365] : memref<2x480x128xf32, #tpu.memory_space<vmem>> -> memref<1x480x128xf32, #tpu.memory_space<vmem>>
          %parallel_loop3A_367 = tpu.memref_squeeze %parallel_loop3A_366 : memref<1x480x128xf32, #tpu.memory_space<vmem>> -> memref<480x128xf32, #tpu.memory_space<vmem>>
          %parallel_loop3A_368 = arith.index_cast %parallel_loop3A_207 : i32 to index
          %parallel_loop3A_369 = arith.constant 112 : index
          %parallel_loop3A_370 = tpu.vector_load %parallel_loop3A_367[%parallel_loop3A_368, %parallel_loop3A_369] {strides = array<i32>} : memref<480x128xf32, #tpu.memory_space<vmem>>, vector<16xf32>,
          tpu.vector_store %parallel_loop3A_367[%parallel_loop3A_368, %parallel_loop3A_369], %parallel_loop3A_363 {strides = array<i32>} : memref<480x128xf32, #tpu.memory_space<vmem>>, vector<16xf32>,
        } {sc.loop_unroll_factor = 2 : i64, sc.parallel_access}
        %mul3A_186 = arith.constant 32 : i32
        %mul3A_187 = arith.muli %mul3A_186, %add3A_119 : i32
        %add3A_188 = arith.addi %add3A, %mul3A_187 : i32
        %mul3A_189 = arith.constant 480 : i32
        %mul3A_190 = arith.muli %add3A_188, %mul3A_189 : i32
        %dma_start3A_191 = arith.constant 0 : i32
        %dma_start3A_192 = arith.constant 0 : i32
        %dma_start3A_193 = arith.constant 0 : i32
        %dma_start3A_194 = arith.constant 0 : i32
        %dma_start3A_195 = tpu.memref_slice %arg6[%dma_start3A_191, %dma_start3A_193, %dma_start3A_194] : memref<2x480x128xf32, #tpu.memory_space<vmem>> -> memref<1x480x128xf32, #tpu.memory_space<vmem>>
        %dma_start3A_196 = tpu.memref_squeeze %dma_start3A_195 : memref<1x480x128xf32, #tpu.memory_space<vmem>> -> memref<480x128xf32, #tpu.memory_space<vmem>>
        %dma_start3A_197 = arith.constant 0 : i32
        %dma_start3A_198 = tpu.memref_slice %arg5[%mul3A_190, %dma_start3A_197] : memref<300000x128xf32, #tpu.memory_space<hbm>> -> memref<480x128xf32, #tpu.memory_space<hbm>>
        %dma_start3A_199 = tpu.memref_slice %arg10[%dma_start3A_192] : memref<2x!tpu.dma_semaphore, #tpu.memory_space<semaphore_mem>> -> memref<1x!tpu.dma_semaphore, #tpu.memory_space<semaphore_mem>>
        %dma_start3A_200 = tpu.memref_squeeze %dma_start3A_199 : memref<1x!tpu.dma_semaphore, #tpu.memory_space<semaphore_mem>> -> memref<!tpu.dma_semaphore, #tpu.memory_space<semaphore_mem>>
        %dma_start3A_201 = arith.constant 0 : i32
        %dma_start3A_202 = tpu.memref_slice %arg5[%mul3A_190, %dma_start3A_201] : memref<300000x128xf32, #tpu.memory_space<hbm>> -> memref<480x128xf32, #tpu.memory_space<hbm>>
        %dma_start3A_203 = arith.constant 0 : i32
        %dma_start3A_204 = arith.constant 0 : i32
        %dma_start3A_205 = tpu.memref_slice %arg6[%dma_start3A_191, %dma_start3A_203, %dma_start3A_204] : memref<2x480x128xf32, #tpu.memory_space<vmem>> -> memref<1x480x128xf32, #tpu.memory_space<vmem>>
        %dma_start3A_206 = tpu.memref_squeeze %dma_start3A_205 : memref<1x480x128xf32, #tpu.memory_space<vmem>> -> memref<480x128xf32, #tpu.memory_space<vmem>>
        tpu.enqueue_dma source(%dma_start3A_206 : memref<480x128xf32, #tpu.memory_space<vmem>>) target(%dma_start3A_202 : memref<480x128xf32, #tpu.memory_space<hbm>>) target_semaphore(%dma_start3A_200 : memref<!tpu.dma_semaphore, #tpu.memory_space<semaphore_mem>>)
      } else {
      }
      %mul3A_121 = arith.constant 2 : i32
      %mul3A_122 = arith.muli %mul3A_121, %while3A_115 : i32
      %add3A_123 = arith.constant 1 : i32
      %add3A_124 = arith.addi %mul3A_122, %add3A_123 : i32
      %lt3A_125 = arith.cmpi slt, %add3A_124, %select_n3A : i32
      %convert_element_type3A_126 = arith.extui %lt3A_125 : i1 to i32
      %cond3A_127 = arith.constant 0 : i32
      %cond3A_128 = arith.cmpi ne, %convert_element_type3A_126, %cond3A_127 : i32
      scf.if %cond3A_128 {
        %dma_wait3A_129 = arith.constant 1 : i32
        %dma_wait3A_130 = arith.constant 1 : i32
        %dma_wait3A_131 = arith.constant 0 : i32
        %dma_wait3A_132 = arith.constant 0 : i32
        %dma_wait3A_133 = tpu.memref_slice %arg6[%dma_wait3A_129, %dma_wait3A_131, %dma_wait3A_132] : memref<2x480x128xf32, #tpu.memory_space<vmem>> -> memref<1x480x128xf32, #tpu.memory_space<vmem>>
        %dma_wait3A_134 = tpu.memref_squeeze %dma_wait3A_133 : memref<1x480x128xf32, #tpu.memory_space<vmem>> -> memref<480x128xf32, #tpu.memory_space<vmem>>
        %dma_wait3A_135 = arith.constant 0 : i32
        %dma_wait3A_136 = arith.constant 0 : i32
        %dma_wait3A_137 = tpu.memref_slice %arg4[%dma_wait3A_135, %dma_wait3A_136] : memref<300000x128xf32, #tpu.memory_space<hbm>> -> memref<480x128xf32, #tpu.memory_space<hbm>>
        %dma_wait3A_138 = tpu.memref_slice %arg9[%dma_wait3A_130] : memref<2x!tpu.dma_semaphore, #tpu.memory_space<semaphore_mem>> -> memref<1x!tpu.dma_semaphore, #tpu.memory_space<semaphore_mem>>
        %dma_wait3A_139 = tpu.memref_squeeze %dma_wait3A_138 : memref<1x!tpu.dma_semaphore, #tpu.memory_space<semaphore_mem>> -> memref<!tpu.dma_semaphore, #tpu.memory_space<semaphore_mem>>
        %dma_wait3A_140 = arith.constant 0 : i32
        %dma_wait3A_141 = arith.constant 0 : i32
        %dma_wait3A_142 = tpu.memref_slice %arg6[%dma_wait3A_129, %dma_wait3A_140, %dma_wait3A_141] : memref<2x480x128xf32, #tpu.memory_space<vmem>> -> memref<1x480x128xf32, #tpu.memory_space<vmem>>
        %dma_wait3A_143 = tpu.memref_squeeze %dma_wait3A_142 : memref<1x480x128xf32, #tpu.memory_space<vmem>> -> memref<480x128xf32, #tpu.memory_space<vmem>>
        %dma_wait3A_144 = arith.constant 0 : i32
        %dma_wait3A_145 = arith.constant 0 : i32
        %dma_wait3A_146 = tpu.memref_slice %arg4[%dma_wait3A_144, %dma_wait3A_145] : memref<300000x128xf32, #tpu.memory_space<hbm>> -> memref<480x128xf32, #tpu.memory_space<hbm>>
        tpu.wait_dma2 semaphore(%dma_wait3A_139 : memref<!tpu.dma_semaphore, #tpu.memory_space<semaphore_mem>>) src(%dma_wait3A_146 : memref<480x128xf32, #tpu.memory_space<hbm>>) dst(%dma_wait3A_143 : memref<480x128xf32, #tpu.memory_space<vmem>>)
        %add3A_147 = arith.constant 2 : i32
        %add3A_148 = arith.addi %add3A_124, %add3A_147 : i32
        %sub3A_149 = arith.constant 1 : i32
        %sub3A_150 = arith.subi %add3A_148, %sub3A_149 : i32
        %lt3A_151 = arith.cmpi slt, %sub3A_150, %select_n3A : i32
        %convert_element_type3A_152 = arith.extui %lt3A_151 : i1 to i32
        %cond3A_153 = arith.constant 0 : i32
        %cond3A_154 = arith.cmpi ne, %convert_element_type3A_152, %cond3A_153 : i32
        scf.if %cond3A_154 {
          %ge3A_207 = arith.constant 1 : i32
          %ge3A_208 = arith.cmpi sge, %add3A_124, %ge3A_207 : i32
          %convert_element_type3A_209 = arith.extui %ge3A_208 : i1 to i32
          %cond3A_210 = arith.constant 0 : i32
          %cond3A_211 = arith.cmpi ne, %convert_element_type3A_209, %cond3A_210 : i32
          scf.if %cond3A_211 {
            %sub3A_246 = arith.constant 1 : i32
            %sub3A_247 = arith.subi %add3A_124, %sub3A_246 : i32
            %jit3A_248 = arith.constant 2 : i32
            %eq3A_249 = arith.constant 0 : i32
            %eq3A_250 = arith.cmpi eq, %jit3A_248, %eq3A_249 : i32
            %jit3A_251 = arith.constant 1 : i32
            %select_n3A_252 = arith.select %eq3A_250, %jit3A_251, %jit3A_248 : i32
            %rem3A_253 = arith.remsi %sub3A_247, %select_n3A_252 : i32
            %ne3A_254 = arith.constant 0 : i32
            %ne3A_255 = arith.cmpi ne, %rem3A_253, %ne3A_254 : i32
            %lt3A_256 = arith.constant 0 : i32
            %lt3A_257 = arith.cmpi slt, %rem3A_253, %lt3A_256 : i32
            %lt3A_258 = arith.constant 0 : i32
            %lt3A_259 = arith.cmpi slt, %select_n3A_252, %lt3A_258 : i32
            %ne3A_260 = arith.xori %lt3A_257, %lt3A_259 : i1
            %and3A_261 = arith.andi %ne3A_260, %ne3A_255 : i1
            %add3A_262 = arith.addi %rem3A_253, %select_n3A_252 : i32
            %select_n3A_263 = arith.select %and3A_261, %add3A_262, %rem3A_253 : i32
            %dma_wait3A_264 = arith.constant 0 : i32
            %dma_wait3A_265 = arith.constant 0 : i32
            %dma_wait3A_266 = tpu.memref_slice %arg6[%select_n3A_263, %dma_wait3A_264, %dma_wait3A_265] : memref<2x480x128xf32, #tpu.memory_space<vmem>> -> memref<1x480x128xf32, #tpu.memory_space<vmem>>
            %dma_wait3A_267 = tpu.memref_squeeze %dma_wait3A_266 : memref<1x480x128xf32, #tpu.memory_space<vmem>> -> memref<480x128xf32, #tpu.memory_space<vmem>>
            %dma_wait3A_268 = arith.constant 0 : i32
            %dma_wait3A_269 = arith.constant 0 : i32
            %dma_wait3A_270 = tpu.memref_slice %arg5[%dma_wait3A_268, %dma_wait3A_269] : memref<300000x128xf32, #tpu.memory_space<hbm>> -> memref<480x128xf32, #tpu.memory_space<hbm>>
            %dma_wait3A_271 = tpu.memref_slice %arg10[%select_n3A_263] : memref<2x!tpu.dma_semaphore, #tpu.memory_space<semaphore_mem>> -> memref<1x!tpu.dma_semaphore, #tpu.memory_space<semaphore_mem>>
            %dma_wait3A_272 = tpu.memref_squeeze %dma_wait3A_271 : memref<1x!tpu.dma_semaphore, #tpu.memory_space<semaphore_mem>> -> memref<!tpu.dma_semaphore, #tpu.memory_space<semaphore_mem>>
            %dma_wait3A_273 = arith.constant 0 : i32
            %dma_wait3A_274 = arith.constant 0 : i32
            %dma_wait3A_275 = tpu.memref_slice %arg5[%dma_wait3A_273, %dma_wait3A_274] : memref<300000x128xf32, #tpu.memory_space<hbm>> -> memref<480x128xf32, #tpu.memory_space<hbm>>
            %dma_wait3A_276 = arith.constant 0 : i32
            %dma_wait3A_277 = arith.constant 0 : i32
            %dma_wait3A_278 = tpu.memref_slice %arg6[%select_n3A_263, %dma_wait3A_276, %dma_wait3A_277] : memref<2x480x128xf32, #tpu.memory_space<vmem>> -> memref<1x480x128xf32, #tpu.memory_space<vmem>>
            %dma_wait3A_279 = tpu.memref_squeeze %dma_wait3A_278 : memref<1x480x128xf32, #tpu.memory_space<vmem>> -> memref<480x128xf32, #tpu.memory_space<vmem>>
            tpu.wait_dma2 semaphore(%dma_wait3A_272 : memref<!tpu.dma_semaphore, #tpu.memory_space<semaphore_mem>>) src(%dma_wait3A_279 : memref<480x128xf32, #tpu.memory_space<vmem>>) dst(%dma_wait3A_275 : memref<480x128xf32, #tpu.memory_space<hbm>>)
          } else {
          }
          %jit3A_212 = arith.constant 2 : i32
          %eq3A = arith.constant 0 : i32
          %eq3A_213 = arith.cmpi eq, %jit3A_212, %eq3A : i32
          %jit3A_214 = arith.constant 1 : i32
          %select_n3A_215 = arith.select %eq3A_213, %jit3A_214, %jit3A_212 : i32
          %rem3A_216 = arith.remsi %sub3A_150, %select_n3A_215 : i32
          %ne3A_217 = arith.constant 0 : i32
          %ne3A_218 = arith.cmpi ne, %rem3A_216, %ne3A_217 : i32
          %lt3A_219 = arith.constant 0 : i32
          %lt3A_220 = arith.cmpi slt, %rem3A_216, %lt3A_219 : i32
          %lt3A_221 = arith.constant 0 : i32
          %lt3A_222 = arith.cmpi slt, %select_n3A_215, %lt3A_221 : i32
          %ne3A_223 = arith.xori %lt3A_220, %lt3A_222 : i1
          %and3A_224 = arith.andi %ne3A_223, %ne3A_218 : i1
          %add3A_225 = arith.addi %rem3A_216, %select_n3A_215 : i32
          %select_n3A_226 = arith.select %and3A_224, %add3A_225, %rem3A_216 : i32
          %mul3A_227 = arith.constant 32 : i32
          %mul3A_228 = arith.muli %mul3A_227, %sub3A_150 : i32
          %add3A_229 = arith.addi %add3A, %mul3A_228 : i32
          %mul3A_230 = arith.constant 480 : i32
          %mul3A_231 = arith.muli %add3A_229, %mul3A_230 : i32
          %dma_start3A_232 = arith.constant 0 : i32
          %dma_start3A_233 = arith.constant 0 : i32
          %dma_start3A_234 = tpu.memref_slice %arg6[%select_n3A_226, %dma_start3A_232, %dma_start3A_233] : memref<2x480x128xf32, #tpu.memory_space<vmem>> -> memref<1x480x128xf32, #tpu.memory_space<vmem>>
          %dma_start3A_235 = tpu.memref_squeeze %dma_start3A_234 : memref<1x480x128xf32, #tpu.memory_space<vmem>> -> memref<480x128xf32, #tpu.memory_space<vmem>>
          %dma_start3A_236 = arith.constant 0 : i32
          %dma_start3A_237 = tpu.memref_slice %arg4[%mul3A_231, %dma_start3A_236] : memref<300000x128xf32, #tpu.memory_space<hbm>> -> memref<480x128xf32, #tpu.memory_space<hbm>>
          %dma_start3A_238 = tpu.memref_slice %arg9[%select_n3A_226] : memref<2x!tpu.dma_semaphore, #tpu.memory_space<semaphore_mem>> -> memref<1x!tpu.dma_semaphore, #tpu.memory_space<semaphore_mem>>
          %dma_start3A_239 = tpu.memref_squeeze %dma_start3A_238 : memref<1x!tpu.dma_semaphore, #tpu.memory_space<semaphore_mem>> -> memref<!tpu.dma_semaphore, #tpu.memory_space<semaphore_mem>>
          %dma_start3A_240 = arith.constant 0 : i32
          %dma_start3A_241 = arith.constant 0 : i32
          %dma_start3A_242 = tpu.memref_slice %arg6[%select_n3A_226, %dma_start3A_240, %dma_start3A_241] : memref<2x480x128xf32, #tpu.memory_space<vmem>> -> memref<1x480x128xf32, #tpu.memory_space<vmem>>
          %dma_start3A_243 = tpu.memref_squeeze %dma_start3A_242 : memref<1x480x128xf32, #tpu.memory_space<vmem>> -> memref<480x128xf32, #tpu.memory_space<vmem>>
          %dma_start3A_244 = arith.constant 0 : i32
          %dma_start3A_245 = tpu.memref_slice %arg4[%mul3A_231, %dma_start3A_244] : memref<300000x128xf32, #tpu.memory_space<hbm>> -> memref<480x128xf32, #tpu.memory_space<hbm>>
          tpu.enqueue_dma source(%dma_start3A_245 : memref<480x128xf32, #tpu.memory_space<hbm>>) target(%dma_start3A_243 : memref<480x128xf32, #tpu.memory_space<vmem>>) target_semaphore(%dma_start3A_239 : memref<!tpu.dma_semaphore, #tpu.memory_space<semaphore_mem>>)
        } else {
        }
        %mul3A_155 = arith.constant 32 : i32
        %mul3A_156 = arith.muli %mul3A_155, %add3A_124 : i32
        %add3A_157 = arith.addi %add3A, %mul3A_156 : i32
        %mul3A_158 = arith.constant 480 : i32
        %mul3A_159 = arith.muli %add3A_157, %mul3A_158 : i32
        %add3A_160 = arith.constant 0 : i32
        %add3A_161 = arith.addi %squeeze3A, %add3A_160 : i32
        %sub3A_162 = arith.subi %add3A_161, %mul3A_159 : i32
        %ge3A = arith.constant 0 : i32
        %ge3A_163 = arith.cmpi sge, %sub3A_162, %ge3A : i32
        %lt3A_164 = arith.constant 480 : i32
        %lt3A_165 = arith.cmpi slt, %sub3A_162, %lt3A_164 : i32
        %and3A_166 = arith.andi %ge3A_163, %lt3A_165 : i1
        %convert_element_type3A_167 = arith.extui %and3A_166 : i1 to i32
        %cond3A_168 = arith.constant 1 : i32
        %cond3A_169 = arith.constant 0 : i32
        %cond3A_170 = arith.cmpi ne, %convert_element_type3A_167, %cond3A_169 : i32
        scf.if %cond3A_170 {
          %get3A_207 = arith.constant 0 : i32
          %get3A_208 = arith.index_cast %get3A_207 : i32 to index
          %get3A_209 = arith.constant 0 : index
          %get3A_210 = tpu.vector_load %arg7[%get3A_208, %get3A_209] {strides = array<i32>} : memref<2x128xf32, #tpu.memory_space<vmem>>, vector<16xf32>,
          %swap3A = arith.constant 0 : i32
          %swap3A_211 = arith.constant 0 : i32
          %swap3A_212 = tpu.memref_slice %arg6[%cond3A_168, %swap3A, %swap3A_211] : memref<2x480x128xf32, #tpu.memory_space<vmem>> -> memref<1x480x128xf32, #tpu.memory_space<vmem>>
          %swap3A_213 = tpu.memref_squeeze %swap3A_212 : memref<1x480x128xf32, #tpu.memory_space<vmem>> -> memref<480x128xf32, #tpu.memory_space<vmem>>
          %swap3A_214 = arith.index_cast %sub3A_162 : i32 to index
          %swap3A_215 = arith.constant 0 : index
          %swap3A_216 = tpu.vector_load %swap3A_213[%swap3A_214, %swap3A_215] {strides = array<i32>} : memref<480x128xf32, #tpu.memory_space<vmem>>, vector<16xf32>,
          tpu.vector_store %swap3A_213[%swap3A_214, %swap3A_215], %get3A_210 {strides = array<i32>} : memref<480x128xf32, #tpu.memory_space<vmem>>, vector<16xf32>,
          %get3A_217 = arith.constant 0 : i32
          %get3A_218 = arith.index_cast %get3A_217 : i32 to index
          %get3A_219 = arith.constant 16 : index
          %get3A_220 = tpu.vector_load %arg7[%get3A_218, %get3A_219] {strides = array<i32>} : memref<2x128xf32, #tpu.memory_space<vmem>>, vector<16xf32>,
          %swap3A_221 = arith.constant 0 : i32
          %swap3A_222 = arith.constant 0 : i32
          %swap3A_223 = tpu.memref_slice %arg6[%cond3A_168, %swap3A_221, %swap3A_222] : memref<2x480x128xf32, #tpu.memory_space<vmem>> -> memref<1x480x128xf32, #tpu.memory_space<vmem>>
          %swap3A_224 = tpu.memref_squeeze %swap3A_223 : memref<1x480x128xf32, #tpu.memory_space<vmem>> -> memref<480x128xf32, #tpu.memory_space<vmem>>
          %swap3A_225 = arith.index_cast %sub3A_162 : i32 to index
          %swap3A_226 = arith.constant 16 : index
          %swap3A_227 = tpu.vector_load %swap3A_224[%swap3A_225, %swap3A_226] {strides = array<i32>} : memref<480x128xf32, #tpu.memory_space<vmem>>, vector<16xf32>,
          tpu.vector_store %swap3A_224[%swap3A_225, %swap3A_226], %get3A_220 {strides = array<i32>} : memref<480x128xf32, #tpu.memory_space<vmem>>, vector<16xf32>,
          %get3A_228 = arith.constant 0 : i32
          %get3A_229 = arith.index_cast %get3A_228 : i32 to index
          %get3A_230 = arith.constant 32 : index
          %get3A_231 = tpu.vector_load %arg7[%get3A_229, %get3A_230] {strides = array<i32>} : memref<2x128xf32, #tpu.memory_space<vmem>>, vector<16xf32>,
          %swap3A_232 = arith.constant 0 : i32
          %swap3A_233 = arith.constant 0 : i32
          %swap3A_234 = tpu.memref_slice %arg6[%cond3A_168, %swap3A_232, %swap3A_233] : memref<2x480x128xf32, #tpu.memory_space<vmem>> -> memref<1x480x128xf32, #tpu.memory_space<vmem>>
          %swap3A_235 = tpu.memref_squeeze %swap3A_234 : memref<1x480x128xf32, #tpu.memory_space<vmem>> -> memref<480x128xf32, #tpu.memory_space<vmem>>
          %swap3A_236 = arith.index_cast %sub3A_162 : i32 to index
          %swap3A_237 = arith.constant 32 : index
          %swap3A_238 = tpu.vector_load %swap3A_235[%swap3A_236, %swap3A_237] {strides = array<i32>} : memref<480x128xf32, #tpu.memory_space<vmem>>, vector<16xf32>,
          tpu.vector_store %swap3A_235[%swap3A_236, %swap3A_237], %get3A_231 {strides = array<i32>} : memref<480x128xf32, #tpu.memory_space<vmem>>, vector<16xf32>,
          %get3A_239 = arith.constant 0 : i32
          %get3A_240 = arith.index_cast %get3A_239 : i32 to index
          %get3A_241 = arith.constant 48 : index
          %get3A_242 = tpu.vector_load %arg7[%get3A_240, %get3A_241] {strides = array<i32>} : memref<2x128xf32, #tpu.memory_space<vmem>>, vector<16xf32>,
          %swap3A_243 = arith.constant 0 : i32
          %swap3A_244 = arith.constant 0 : i32
          %swap3A_245 = tpu.memref_slice %arg6[%cond3A_168, %swap3A_243, %swap3A_244] : memref<2x480x128xf32, #tpu.memory_space<vmem>> -> memref<1x480x128xf32, #tpu.memory_space<vmem>>
          %swap3A_246 = tpu.memref_squeeze %swap3A_245 : memref<1x480x128xf32, #tpu.memory_space<vmem>> -> memref<480x128xf32, #tpu.memory_space<vmem>>
          %swap3A_247 = arith.index_cast %sub3A_162 : i32 to index
          %swap3A_248 = arith.constant 48 : index
          %swap3A_249 = tpu.vector_load %swap3A_246[%swap3A_247, %swap3A_248] {strides = array<i32>} : memref<480x128xf32, #tpu.memory_space<vmem>>, vector<16xf32>,
          tpu.vector_store %swap3A_246[%swap3A_247, %swap3A_248], %get3A_242 {strides = array<i32>} : memref<480x128xf32, #tpu.memory_space<vmem>>, vector<16xf32>,
          %get3A_250 = arith.constant 0 : i32
          %get3A_251 = arith.index_cast %get3A_250 : i32 to index
          %get3A_252 = arith.constant 64 : index
          %get3A_253 = tpu.vector_load %arg7[%get3A_251, %get3A_252] {strides = array<i32>} : memref<2x128xf32, #tpu.memory_space<vmem>>, vector<16xf32>,
          %swap3A_254 = arith.constant 0 : i32
          %swap3A_255 = arith.constant 0 : i32
          %swap3A_256 = tpu.memref_slice %arg6[%cond3A_168, %swap3A_254, %swap3A_255] : memref<2x480x128xf32, #tpu.memory_space<vmem>> -> memref<1x480x128xf32, #tpu.memory_space<vmem>>
          %swap3A_257 = tpu.memref_squeeze %swap3A_256 : memref<1x480x128xf32, #tpu.memory_space<vmem>> -> memref<480x128xf32, #tpu.memory_space<vmem>>
          %swap3A_258 = arith.index_cast %sub3A_162 : i32 to index
          %swap3A_259 = arith.constant 64 : index
          %swap3A_260 = tpu.vector_load %swap3A_257[%swap3A_258, %swap3A_259] {strides = array<i32>} : memref<480x128xf32, #tpu.memory_space<vmem>>, vector<16xf32>,
          tpu.vector_store %swap3A_257[%swap3A_258, %swap3A_259], %get3A_253 {strides = array<i32>} : memref<480x128xf32, #tpu.memory_space<vmem>>, vector<16xf32>,
          %get3A_261 = arith.constant 0 : i32
          %get3A_262 = arith.index_cast %get3A_261 : i32 to index
          %get3A_263 = arith.constant 80 : index
          %get3A_264 = tpu.vector_load %arg7[%get3A_262, %get3A_263] {strides = array<i32>} : memref<2x128xf32, #tpu.memory_space<vmem>>, vector<16xf32>,
          %swap3A_265 = arith.constant 0 : i32
          %swap3A_266 = arith.constant 0 : i32
          %swap3A_267 = tpu.memref_slice %arg6[%cond3A_168, %swap3A_265, %swap3A_266] : memref<2x480x128xf32, #tpu.memory_space<vmem>> -> memref<1x480x128xf32, #tpu.memory_space<vmem>>
          %swap3A_268 = tpu.memref_squeeze %swap3A_267 : memref<1x480x128xf32, #tpu.memory_space<vmem>> -> memref<480x128xf32, #tpu.memory_space<vmem>>
          %swap3A_269 = arith.index_cast %sub3A_162 : i32 to index
          %swap3A_270 = arith.constant 80 : index
          %swap3A_271 = tpu.vector_load %swap3A_268[%swap3A_269, %swap3A_270] {strides = array<i32>} : memref<480x128xf32, #tpu.memory_space<vmem>>, vector<16xf32>,
          tpu.vector_store %swap3A_268[%swap3A_269, %swap3A_270], %get3A_264 {strides = array<i32>} : memref<480x128xf32, #tpu.memory_space<vmem>>, vector<16xf32>,
          %get3A_272 = arith.constant 0 : i32
          %get3A_273 = arith.index_cast %get3A_272 : i32 to index
          %get3A_274 = arith.constant 96 : index
          %get3A_275 = tpu.vector_load %arg7[%get3A_273, %get3A_274] {strides = array<i32>} : memref<2x128xf32, #tpu.memory_space<vmem>>, vector<16xf32>,
          %swap3A_276 = arith.constant 0 : i32
          %swap3A_277 = arith.constant 0 : i32
          %swap3A_278 = tpu.memref_slice %arg6[%cond3A_168, %swap3A_276, %swap3A_277] : memref<2x480x128xf32, #tpu.memory_space<vmem>> -> memref<1x480x128xf32, #tpu.memory_space<vmem>>
          %swap3A_279 = tpu.memref_squeeze %swap3A_278 : memref<1x480x128xf32, #tpu.memory_space<vmem>> -> memref<480x128xf32, #tpu.memory_space<vmem>>
          %swap3A_280 = arith.index_cast %sub3A_162 : i32 to index
          %swap3A_281 = arith.constant 96 : index
          %swap3A_282 = tpu.vector_load %swap3A_279[%swap3A_280, %swap3A_281] {strides = array<i32>} : memref<480x128xf32, #tpu.memory_space<vmem>>, vector<16xf32>,
          tpu.vector_store %swap3A_279[%swap3A_280, %swap3A_281], %get3A_275 {strides = array<i32>} : memref<480x128xf32, #tpu.memory_space<vmem>>, vector<16xf32>,
          %get3A_283 = arith.constant 0 : i32
          %get3A_284 = arith.index_cast %get3A_283 : i32 to index
          %get3A_285 = arith.constant 112 : index
          %get3A_286 = tpu.vector_load %arg7[%get3A_284, %get3A_285] {strides = array<i32>} : memref<2x128xf32, #tpu.memory_space<vmem>>, vector<16xf32>,
          %swap3A_287 = arith.constant 0 : i32
          %swap3A_288 = arith.constant 0 : i32
          %swap3A_289 = tpu.memref_slice %arg6[%cond3A_168, %swap3A_287, %swap3A_288] : memref<2x480x128xf32, #tpu.memory_space<vmem>> -> memref<1x480x128xf32, #tpu.memory_space<vmem>>
          %swap3A_290 = tpu.memref_squeeze %swap3A_289 : memref<1x480x128xf32, #tpu.memory_space<vmem>> -> memref<480x128xf32, #tpu.memory_space<vmem>>
          %swap3A_291 = arith.index_cast %sub3A_162 : i32 to index
          %swap3A_292 = arith.constant 112 : index
          %swap3A_293 = tpu.vector_load %swap3A_290[%swap3A_291, %swap3A_292] {strides = array<i32>} : memref<480x128xf32, #tpu.memory_space<vmem>>, vector<16xf32>,
          tpu.vector_store %swap3A_290[%swap3A_291, %swap3A_292], %get3A_286 {strides = array<i32>} : memref<480x128xf32, #tpu.memory_space<vmem>>, vector<16xf32>,
        } else {
        }
        %add3A_171 = arith.constant 1 : i32
        %add3A_172 = arith.addi %squeeze3A, %add3A_171 : i32
        %sub3A_173 = arith.subi %add3A_172, %mul3A_159 : i32
        %ge3A_174 = arith.constant 0 : i32
        %ge3A_175 = arith.cmpi sge, %sub3A_173, %ge3A_174 : i32
        %lt3A_176 = arith.constant 480 : i32
        %lt3A_177 = arith.cmpi slt, %sub3A_173, %lt3A_176 : i32
        %and3A_178 = arith.andi %ge3A_175, %lt3A_177 : i1
        %convert_element_type3A_179 = arith.extui %and3A_178 : i1 to i32
        %cond3A_180 = arith.constant 1 : i32
        %cond3A_181 = arith.constant 0 : i32
        %cond3A_182 = arith.cmpi ne, %convert_element_type3A_179, %cond3A_181 : i32
        scf.if %cond3A_182 {
          %get3A_207 = arith.constant 1 : i32
          %get3A_208 = arith.index_cast %get3A_207 : i32 to index
          %get3A_209 = arith.constant 0 : index
          %get3A_210 = tpu.vector_load %arg7[%get3A_208, %get3A_209] {strides = array<i32>} : memref<2x128xf32, #tpu.memory_space<vmem>>, vector<16xf32>,
          %swap3A = arith.constant 0 : i32
          %swap3A_211 = arith.constant 0 : i32
          %swap3A_212 = tpu.memref_slice %arg6[%cond3A_180, %swap3A, %swap3A_211] : memref<2x480x128xf32, #tpu.memory_space<vmem>> -> memref<1x480x128xf32, #tpu.memory_space<vmem>>
          %swap3A_213 = tpu.memref_squeeze %swap3A_212 : memref<1x480x128xf32, #tpu.memory_space<vmem>> -> memref<480x128xf32, #tpu.memory_space<vmem>>
          %swap3A_214 = arith.index_cast %sub3A_173 : i32 to index
          %swap3A_215 = arith.constant 0 : index
          %swap3A_216 = tpu.vector_load %swap3A_213[%swap3A_214, %swap3A_215] {strides = array<i32>} : memref<480x128xf32, #tpu.memory_space<vmem>>, vector<16xf32>,
          tpu.vector_store %swap3A_213[%swap3A_214, %swap3A_215], %get3A_210 {strides = array<i32>} : memref<480x128xf32, #tpu.memory_space<vmem>>, vector<16xf32>,
          %get3A_217 = arith.constant 1 : i32
          %get3A_218 = arith.index_cast %get3A_217 : i32 to index
          %get3A_219 = arith.constant 16 : index
          %get3A_220 = tpu.vector_load %arg7[%get3A_218, %get3A_219] {strides = array<i32>} : memref<2x128xf32, #tpu.memory_space<vmem>>, vector<16xf32>,
          %swap3A_221 = arith.constant 0 : i32
          %swap3A_222 = arith.constant 0 : i32
          %swap3A_223 = tpu.memref_slice %arg6[%cond3A_180, %swap3A_221, %swap3A_222] : memref<2x480x128xf32, #tpu.memory_space<vmem>> -> memref<1x480x128xf32, #tpu.memory_space<vmem>>
          %swap3A_224 = tpu.memref_squeeze %swap3A_223 : memref<1x480x128xf32, #tpu.memory_space<vmem>> -> memref<480x128xf32, #tpu.memory_space<vmem>>
          %swap3A_225 = arith.index_cast %sub3A_173 : i32 to index
          %swap3A_226 = arith.constant 16 : index
          %swap3A_227 = tpu.vector_load %swap3A_224[%swap3A_225, %swap3A_226] {strides = array<i32>} : memref<480x128xf32, #tpu.memory_space<vmem>>, vector<16xf32>,
          tpu.vector_store %swap3A_224[%swap3A_225, %swap3A_226], %get3A_220 {strides = array<i32>} : memref<480x128xf32, #tpu.memory_space<vmem>>, vector<16xf32>,
          %get3A_228 = arith.constant 1 : i32
          %get3A_229 = arith.index_cast %get3A_228 : i32 to index
          %get3A_230 = arith.constant 32 : index
          %get3A_231 = tpu.vector_load %arg7[%get3A_229, %get3A_230] {strides = array<i32>} : memref<2x128xf32, #tpu.memory_space<vmem>>, vector<16xf32>,
          %swap3A_232 = arith.constant 0 : i32
          %swap3A_233 = arith.constant 0 : i32
          %swap3A_234 = tpu.memref_slice %arg6[%cond3A_180, %swap3A_232, %swap3A_233] : memref<2x480x128xf32, #tpu.memory_space<vmem>> -> memref<1x480x128xf32, #tpu.memory_space<vmem>>
          %swap3A_235 = tpu.memref_squeeze %swap3A_234 : memref<1x480x128xf32, #tpu.memory_space<vmem>> -> memref<480x128xf32, #tpu.memory_space<vmem>>
          %swap3A_236 = arith.index_cast %sub3A_173 : i32 to index
          %swap3A_237 = arith.constant 32 : index
          %swap3A_238 = tpu.vector_load %swap3A_235[%swap3A_236, %swap3A_237] {strides = array<i32>} : memref<480x128xf32, #tpu.memory_space<vmem>>, vector<16xf32>,
          tpu.vector_store %swap3A_235[%swap3A_236, %swap3A_237], %get3A_231 {strides = array<i32>} : memref<480x128xf32, #tpu.memory_space<vmem>>, vector<16xf32>,
          %get3A_239 = arith.constant 1 : i32
          %get3A_240 = arith.index_cast %get3A_239 : i32 to index
          %get3A_241 = arith.constant 48 : index
          %get3A_242 = tpu.vector_load %arg7[%get3A_240, %get3A_241] {strides = array<i32>} : memref<2x128xf32, #tpu.memory_space<vmem>>, vector<16xf32>,
          %swap3A_243 = arith.constant 0 : i32
          %swap3A_244 = arith.constant 0 : i32
          %swap3A_245 = tpu.memref_slice %arg6[%cond3A_180, %swap3A_243, %swap3A_244] : memref<2x480x128xf32, #tpu.memory_space<vmem>> -> memref<1x480x128xf32, #tpu.memory_space<vmem>>
          %swap3A_246 = tpu.memref_squeeze %swap3A_245 : memref<1x480x128xf32, #tpu.memory_space<vmem>> -> memref<480x128xf32, #tpu.memory_space<vmem>>
          %swap3A_247 = arith.index_cast %sub3A_173 : i32 to index
          %swap3A_248 = arith.constant 48 : index
          %swap3A_249 = tpu.vector_load %swap3A_246[%swap3A_247, %swap3A_248] {strides = array<i32>} : memref<480x128xf32, #tpu.memory_space<vmem>>, vector<16xf32>,
          tpu.vector_store %swap3A_246[%swap3A_247, %swap3A_248], %get3A_242 {strides = array<i32>} : memref<480x128xf32, #tpu.memory_space<vmem>>, vector<16xf32>,
          %get3A_250 = arith.constant 1 : i32
          %get3A_251 = arith.index_cast %get3A_250 : i32 to index
          %get3A_252 = arith.constant 64 : index
          %get3A_253 = tpu.vector_load %arg7[%get3A_251, %get3A_252] {strides = array<i32>} : memref<2x128xf32, #tpu.memory_space<vmem>>, vector<16xf32>,
          %swap3A_254 = arith.constant 0 : i32
          %swap3A_255 = arith.constant 0 : i32
          %swap3A_256 = tpu.memref_slice %arg6[%cond3A_180, %swap3A_254, %swap3A_255] : memref<2x480x128xf32, #tpu.memory_space<vmem>> -> memref<1x480x128xf32, #tpu.memory_space<vmem>>
          %swap3A_257 = tpu.memref_squeeze %swap3A_256 : memref<1x480x128xf32, #tpu.memory_space<vmem>> -> memref<480x128xf32, #tpu.memory_space<vmem>>
          %swap3A_258 = arith.index_cast %sub3A_173 : i32 to index
          %swap3A_259 = arith.constant 64 : index
          %swap3A_260 = tpu.vector_load %swap3A_257[%swap3A_258, %swap3A_259] {strides = array<i32>} : memref<480x128xf32, #tpu.memory_space<vmem>>, vector<16xf32>,
          tpu.vector_store %swap3A_257[%swap3A_258, %swap3A_259], %get3A_253 {strides = array<i32>} : memref<480x128xf32, #tpu.memory_space<vmem>>, vector<16xf32>,
          %get3A_261 = arith.constant 1 : i32
          %get3A_262 = arith.index_cast %get3A_261 : i32 to index
          %get3A_263 = arith.constant 80 : index
          %get3A_264 = tpu.vector_load %arg7[%get3A_262, %get3A_263] {strides = array<i32>} : memref<2x128xf32, #tpu.memory_space<vmem>>, vector<16xf32>,
          %swap3A_265 = arith.constant 0 : i32
          %swap3A_266 = arith.constant 0 : i32
          %swap3A_267 = tpu.memref_slice %arg6[%cond3A_180, %swap3A_265, %swap3A_266] : memref<2x480x128xf32, #tpu.memory_space<vmem>> -> memref<1x480x128xf32, #tpu.memory_space<vmem>>
          %swap3A_268 = tpu.memref_squeeze %swap3A_267 : memref<1x480x128xf32, #tpu.memory_space<vmem>> -> memref<480x128xf32, #tpu.memory_space<vmem>>
          %swap3A_269 = arith.index_cast %sub3A_173 : i32 to index
          %swap3A_270 = arith.constant 80 : index
          %swap3A_271 = tpu.vector_load %swap3A_268[%swap3A_269, %swap3A_270] {strides = array<i32>} : memref<480x128xf32, #tpu.memory_space<vmem>>, vector<16xf32>,
          tpu.vector_store %swap3A_268[%swap3A_269, %swap3A_270], %get3A_264 {strides = array<i32>} : memref<480x128xf32, #tpu.memory_space<vmem>>, vector<16xf32>,
          %get3A_272 = arith.constant 1 : i32
          %get3A_273 = arith.index_cast %get3A_272 : i32 to index
          %get3A_274 = arith.constant 96 : index
          %get3A_275 = tpu.vector_load %arg7[%get3A_273, %get3A_274] {strides = array<i32>} : memref<2x128xf32, #tpu.memory_space<vmem>>, vector<16xf32>,
          %swap3A_276 = arith.constant 0 : i32
          %swap3A_277 = arith.constant 0 : i32
          %swap3A_278 = tpu.memref_slice %arg6[%cond3A_180, %swap3A_276, %swap3A_277] : memref<2x480x128xf32, #tpu.memory_space<vmem>> -> memref<1x480x128xf32, #tpu.memory_space<vmem>>
          %swap3A_279 = tpu.memref_squeeze %swap3A_278 : memref<1x480x128xf32, #tpu.memory_space<vmem>> -> memref<480x128xf32, #tpu.memory_space<vmem>>
          %swap3A_280 = arith.index_cast %sub3A_173 : i32 to index
          %swap3A_281 = arith.constant 96 : index
          %swap3A_282 = tpu.vector_load %swap3A_279[%swap3A_280, %swap3A_281] {strides = array<i32>} : memref<480x128xf32, #tpu.memory_space<vmem>>, vector<16xf32>,
          tpu.vector_store %swap3A_279[%swap3A_280, %swap3A_281], %get3A_275 {strides = array<i32>} : memref<480x128xf32, #tpu.memory_space<vmem>>, vector<16xf32>,
          %get3A_283 = arith.constant 1 : i32
          %get3A_284 = arith.index_cast %get3A_283 : i32 to index
          %get3A_285 = arith.constant 112 : index
          %get3A_286 = tpu.vector_load %arg7[%get3A_284, %get3A_285] {strides = array<i32>} : memref<2x128xf32, #tpu.memory_space<vmem>>, vector<16xf32>,
          %swap3A_287 = arith.constant 0 : i32
          %swap3A_288 = arith.constant 0 : i32
          %swap3A_289 = tpu.memref_slice %arg6[%cond3A_180, %swap3A_287, %swap3A_288] : memref<2x480x128xf32, #tpu.memory_space<vmem>> -> memref<1x480x128xf32, #tpu.memory_space<vmem>>
          %swap3A_290 = tpu.memref_squeeze %swap3A_289 : memref<1x480x128xf32, #tpu.memory_space<vmem>> -> memref<480x128xf32, #tpu.memory_space<vmem>>
          %swap3A_291 = arith.index_cast %sub3A_173 : i32 to index
          %swap3A_292 = arith.constant 112 : index
          %swap3A_293 = tpu.vector_load %swap3A_290[%swap3A_291, %swap3A_292] {strides = array<i32>} : memref<480x128xf32, #tpu.memory_space<vmem>>, vector<16xf32>,
          tpu.vector_store %swap3A_290[%swap3A_291, %swap3A_292], %get3A_286 {strides = array<i32>} : memref<480x128xf32, #tpu.memory_space<vmem>>, vector<16xf32>,
        } else {
        }
        %parallel_loop3A = arith.constant 0 : i32
        %parallel_loop3A_183 = arith.constant 480 : i32
        %parallel_loop3A_184 = arith.constant 1 : i32
        %parallel_loop3A_185 = arith.constant 1 : i32
        scf.for %parallel_loop3A_207 = %parallel_loop3A to %parallel_loop3A_183 step %parallel_loop3A_184  : i32 {
          %parallel_loop3A_208 = arith.constant 0 : i32
          %parallel_loop3A_209 = arith.constant 0 : i32
          %parallel_loop3A_210 = tpu.memref_slice %arg6[%parallel_loop3A_185, %parallel_loop3A_208, %parallel_loop3A_209] : memref<2x480x128xf32, #tpu.memory_space<vmem>> -> memref<1x480x128xf32, #tpu.memory_space<vmem>>
          %parallel_loop3A_211 = tpu.memref_squeeze %parallel_loop3A_210 : memref<1x480x128xf32, #tpu.memory_space<vmem>> -> memref<480x128xf32, #tpu.memory_space<vmem>>
          %parallel_loop3A_212 = arith.index_cast %parallel_loop3A_207 : i32 to index
          %parallel_loop3A_213 = arith.constant 0 : index
          %parallel_loop3A_214 = tpu.vector_load %parallel_loop3A_211[%parallel_loop3A_212, %parallel_loop3A_213] {strides = array<i32>} : memref<480x128xf32, #tpu.memory_space<vmem>>, vector<16xf32>,
          %parallel_loop3A_215 = arith.constant 0 : i32
          %parallel_loop3A_216 = arith.constant 0 : i32
          %parallel_loop3A_217 = tpu.memref_slice %arg6[%parallel_loop3A_185, %parallel_loop3A_215, %parallel_loop3A_216] : memref<2x480x128xf32, #tpu.memory_space<vmem>> -> memref<1x480x128xf32, #tpu.memory_space<vmem>>
          %parallel_loop3A_218 = tpu.memref_squeeze %parallel_loop3A_217 : memref<1x480x128xf32, #tpu.memory_space<vmem>> -> memref<480x128xf32, #tpu.memory_space<vmem>>
          %parallel_loop3A_219 = arith.index_cast %parallel_loop3A_207 : i32 to index
          %parallel_loop3A_220 = arith.constant 16 : index
          %parallel_loop3A_221 = tpu.vector_load %parallel_loop3A_218[%parallel_loop3A_219, %parallel_loop3A_220] {strides = array<i32>} : memref<480x128xf32, #tpu.memory_space<vmem>>, vector<16xf32>,
          %parallel_loop3A_222 = arith.constant 0 : i32
          %parallel_loop3A_223 = arith.constant 0 : i32
          %parallel_loop3A_224 = tpu.memref_slice %arg6[%parallel_loop3A_185, %parallel_loop3A_222, %parallel_loop3A_223] : memref<2x480x128xf32, #tpu.memory_space<vmem>> -> memref<1x480x128xf32, #tpu.memory_space<vmem>>
          %parallel_loop3A_225 = tpu.memref_squeeze %parallel_loop3A_224 : memref<1x480x128xf32, #tpu.memory_space<vmem>> -> memref<480x128xf32, #tpu.memory_space<vmem>>
          %parallel_loop3A_226 = arith.index_cast %parallel_loop3A_207 : i32 to index
          %parallel_loop3A_227 = arith.constant 32 : index
          %parallel_loop3A_228 = tpu.vector_load %parallel_loop3A_225[%parallel_loop3A_226, %parallel_loop3A_227] {strides = array<i32>} : memref<480x128xf32, #tpu.memory_space<vmem>>, vector<16xf32>,
          %parallel_loop3A_229 = arith.constant 0 : i32
          %parallel_loop3A_230 = arith.constant 0 : i32
          %parallel_loop3A_231 = tpu.memref_slice %arg6[%parallel_loop3A_185, %parallel_loop3A_229, %parallel_loop3A_230] : memref<2x480x128xf32, #tpu.memory_space<vmem>> -> memref<1x480x128xf32, #tpu.memory_space<vmem>>
          %parallel_loop3A_232 = tpu.memref_squeeze %parallel_loop3A_231 : memref<1x480x128xf32, #tpu.memory_space<vmem>> -> memref<480x128xf32, #tpu.memory_space<vmem>>
          %parallel_loop3A_233 = arith.index_cast %parallel_loop3A_207 : i32 to index
          %parallel_loop3A_234 = arith.constant 48 : index
          %parallel_loop3A_235 = tpu.vector_load %parallel_loop3A_232[%parallel_loop3A_233, %parallel_loop3A_234] {strides = array<i32>} : memref<480x128xf32, #tpu.memory_space<vmem>>, vector<16xf32>,
          %parallel_loop3A_236 = arith.constant 0 : i32
          %parallel_loop3A_237 = arith.constant 0 : i32
          %parallel_loop3A_238 = tpu.memref_slice %arg6[%parallel_loop3A_185, %parallel_loop3A_236, %parallel_loop3A_237] : memref<2x480x128xf32, #tpu.memory_space<vmem>> -> memref<1x480x128xf32, #tpu.memory_space<vmem>>
          %parallel_loop3A_239 = tpu.memref_squeeze %parallel_loop3A_238 : memref<1x480x128xf32, #tpu.memory_space<vmem>> -> memref<480x128xf32, #tpu.memory_space<vmem>>
          %parallel_loop3A_240 = arith.index_cast %parallel_loop3A_207 : i32 to index
          %parallel_loop3A_241 = arith.constant 64 : index
          %parallel_loop3A_242 = tpu.vector_load %parallel_loop3A_239[%parallel_loop3A_240, %parallel_loop3A_241] {strides = array<i32>} : memref<480x128xf32, #tpu.memory_space<vmem>>, vector<16xf32>,
          %parallel_loop3A_243 = arith.constant 0 : i32
          %parallel_loop3A_244 = arith.constant 0 : i32
          %parallel_loop3A_245 = tpu.memref_slice %arg6[%parallel_loop3A_185, %parallel_loop3A_243, %parallel_loop3A_244] : memref<2x480x128xf32, #tpu.memory_space<vmem>> -> memref<1x480x128xf32, #tpu.memory_space<vmem>>
          %parallel_loop3A_246 = tpu.memref_squeeze %parallel_loop3A_245 : memref<1x480x128xf32, #tpu.memory_space<vmem>> -> memref<480x128xf32, #tpu.memory_space<vmem>>
          %parallel_loop3A_247 = arith.index_cast %parallel_loop3A_207 : i32 to index
          %parallel_loop3A_248 = arith.constant 80 : index
          %parallel_loop3A_249 = tpu.vector_load %parallel_loop3A_246[%parallel_loop3A_247, %parallel_loop3A_248] {strides = array<i32>} : memref<480x128xf32, #tpu.memory_space<vmem>>, vector<16xf32>,
          %parallel_loop3A_250 = arith.constant 0 : i32
          %parallel_loop3A_251 = arith.constant 0 : i32
          %parallel_loop3A_252 = tpu.memref_slice %arg6[%parallel_loop3A_185, %parallel_loop3A_250, %parallel_loop3A_251] : memref<2x480x128xf32, #tpu.memory_space<vmem>> -> memref<1x480x128xf32, #tpu.memory_space<vmem>>
          %parallel_loop3A_253 = tpu.memref_squeeze %parallel_loop3A_252 : memref<1x480x128xf32, #tpu.memory_space<vmem>> -> memref<480x128xf32, #tpu.memory_space<vmem>>
          %parallel_loop3A_254 = arith.index_cast %parallel_loop3A_207 : i32 to index
          %parallel_loop3A_255 = arith.constant 96 : index
          %parallel_loop3A_256 = tpu.vector_load %parallel_loop3A_253[%parallel_loop3A_254, %parallel_loop3A_255] {strides = array<i32>} : memref<480x128xf32, #tpu.memory_space<vmem>>, vector<16xf32>,
          %parallel_loop3A_257 = arith.constant 0 : i32
          %parallel_loop3A_258 = arith.constant 0 : i32
          %parallel_loop3A_259 = tpu.memref_slice %arg6[%parallel_loop3A_185, %parallel_loop3A_257, %parallel_loop3A_258] : memref<2x480x128xf32, #tpu.memory_space<vmem>> -> memref<1x480x128xf32, #tpu.memory_space<vmem>>
          %parallel_loop3A_260 = tpu.memref_squeeze %parallel_loop3A_259 : memref<1x480x128xf32, #tpu.memory_space<vmem>> -> memref<480x128xf32, #tpu.memory_space<vmem>>
          %parallel_loop3A_261 = arith.index_cast %parallel_loop3A_207 : i32 to index
          %parallel_loop3A_262 = arith.constant 112 : index
          %parallel_loop3A_263 = tpu.vector_load %parallel_loop3A_260[%parallel_loop3A_261, %parallel_loop3A_262] {strides = array<i32>} : memref<480x128xf32, #tpu.memory_space<vmem>>, vector<16xf32>,
          %parallel_loop3A_264 = arith.mulf %parallel_loop3A_214, %parallel_loop3A_214 : vector<16xf32>
          %parallel_loop3A_265 = arith.mulf %parallel_loop3A_221, %parallel_loop3A_221 : vector<16xf32>
          %parallel_loop3A_266 = arith.addf %parallel_loop3A_264, %parallel_loop3A_265 : vector<16xf32>
          %parallel_loop3A_267 = arith.mulf %parallel_loop3A_228, %parallel_loop3A_228 : vector<16xf32>
          %parallel_loop3A_268 = arith.addf %parallel_loop3A_266, %parallel_loop3A_267 : vector<16xf32>
          %parallel_loop3A_269 = arith.mulf %parallel_loop3A_235, %parallel_loop3A_235 : vector<16xf32>
          %parallel_loop3A_270 = arith.addf %parallel_loop3A_268, %parallel_loop3A_269 : vector<16xf32>
          %parallel_loop3A_271 = arith.mulf %parallel_loop3A_242, %parallel_loop3A_242 : vector<16xf32>
          %parallel_loop3A_272 = arith.addf %parallel_loop3A_270, %parallel_loop3A_271 : vector<16xf32>
          %parallel_loop3A_273 = arith.mulf %parallel_loop3A_249, %parallel_loop3A_249 : vector<16xf32>
          %parallel_loop3A_274 = arith.addf %parallel_loop3A_272, %parallel_loop3A_273 : vector<16xf32>
          %parallel_loop3A_275 = arith.mulf %parallel_loop3A_256, %parallel_loop3A_256 : vector<16xf32>
          %parallel_loop3A_276 = arith.addf %parallel_loop3A_274, %parallel_loop3A_275 : vector<16xf32>
          %parallel_loop3A_277 = arith.mulf %parallel_loop3A_263, %parallel_loop3A_263 : vector<16xf32>
          %parallel_loop3A_278 = arith.addf %parallel_loop3A_276, %parallel_loop3A_277 : vector<16xf32>
          %parallel_loop3A_279 = arith.constant true
          %parallel_loop3A_280 = vector.broadcast %parallel_loop3A_279 : i1 to vector<16xi1>
          %parallel_loop3A_281 = tpu.scan <sum>, %parallel_loop3A_278 masked %parallel_loop3A_280 : vector<16xf32>, vector<16xi1> -> vector<16xf32>
          %parallel_loop3A_282 = vector.extract %parallel_loop3A_281[15] : f32 from vector<16xf32>
          %parallel_loop3A_283 = arith.bitcast %parallel_loop3A_282 : f32 to i32
          %parallel_loop3A_284 = arith.constant 1 : i32
          %parallel_loop3A_285 = arith.shrui %parallel_loop3A_283, %parallel_loop3A_284 : i32
          %parallel_loop3A_286 = arith.constant 1597463007 : i32
          %parallel_loop3A_287 = arith.subi %parallel_loop3A_286, %parallel_loop3A_285 : i32
          %parallel_loop3A_288 = arith.bitcast %parallel_loop3A_287 : i32 to f32
          %parallel_loop3A_289 = arith.constant 5.000000e-01 : f32
          %parallel_loop3A_290 = arith.mulf %parallel_loop3A_282, %parallel_loop3A_289 : f32
          %parallel_loop3A_291 = arith.mulf %parallel_loop3A_290, %parallel_loop3A_288 : f32
          %parallel_loop3A_292 = arith.mulf %parallel_loop3A_291, %parallel_loop3A_288 : f32
          %parallel_loop3A_293 = arith.constant 1.500000e+00 : f32
          %parallel_loop3A_294 = arith.subf %parallel_loop3A_293, %parallel_loop3A_292 : f32
          %parallel_loop3A_295 = arith.mulf %parallel_loop3A_288, %parallel_loop3A_294 : f32
          %parallel_loop3A_296 = arith.mulf %parallel_loop3A_290, %parallel_loop3A_295 : f32
          %parallel_loop3A_297 = arith.mulf %parallel_loop3A_296, %parallel_loop3A_295 : f32
          %parallel_loop3A_298 = arith.constant 1.500000e+00 : f32
          %parallel_loop3A_299 = arith.subf %parallel_loop3A_298, %parallel_loop3A_297 : f32
          %parallel_loop3A_300 = arith.mulf %parallel_loop3A_295, %parallel_loop3A_299 : f32
          %parallel_loop3A_301 = arith.mulf %parallel_loop3A_282, %parallel_loop3A_300 : f32
          %parallel_loop3A_302 = arith.constant 9.99999996E-13 : f32
          %parallel_loop3A_303 = arith.cmpf ogt, %parallel_loop3A_301, %parallel_loop3A_302 : f32
          %parallel_loop3A_304 = arith.constant 9.99999995E+11 : f32
          %parallel_loop3A_305 = arith.select %parallel_loop3A_303, %parallel_loop3A_300, %parallel_loop3A_304 : f32
          %parallel_loop3A_306 = vector.broadcast %parallel_loop3A_305 : f32 to vector<16xf32>
          %parallel_loop3A_307 = arith.mulf %parallel_loop3A_214, %parallel_loop3A_306 : vector<16xf32>
          %parallel_loop3A_308 = arith.constant 0 : i32
          %parallel_loop3A_309 = arith.constant 0 : i32
          %parallel_loop3A_310 = tpu.memref_slice %arg6[%parallel_loop3A_185, %parallel_loop3A_308, %parallel_loop3A_309] : memref<2x480x128xf32, #tpu.memory_space<vmem>> -> memref<1x480x128xf32, #tpu.memory_space<vmem>>
          %parallel_loop3A_311 = tpu.memref_squeeze %parallel_loop3A_310 : memref<1x480x128xf32, #tpu.memory_space<vmem>> -> memref<480x128xf32, #tpu.memory_space<vmem>>
          %parallel_loop3A_312 = arith.index_cast %parallel_loop3A_207 : i32 to index
          %parallel_loop3A_313 = arith.constant 0 : index
          %parallel_loop3A_314 = tpu.vector_load %parallel_loop3A_311[%parallel_loop3A_312, %parallel_loop3A_313] {strides = array<i32>} : memref<480x128xf32, #tpu.memory_space<vmem>>, vector<16xf32>,
          tpu.vector_store %parallel_loop3A_311[%parallel_loop3A_312, %parallel_loop3A_313], %parallel_loop3A_307 {strides = array<i32>} : memref<480x128xf32, #tpu.memory_space<vmem>>, vector<16xf32>,
          %parallel_loop3A_315 = arith.mulf %parallel_loop3A_221, %parallel_loop3A_306 : vector<16xf32>
          %parallel_loop3A_316 = arith.constant 0 : i32
          %parallel_loop3A_317 = arith.constant 0 : i32
          %parallel_loop3A_318 = tpu.memref_slice %arg6[%parallel_loop3A_185, %parallel_loop3A_316, %parallel_loop3A_317] : memref<2x480x128xf32, #tpu.memory_space<vmem>> -> memref<1x480x128xf32, #tpu.memory_space<vmem>>
          %parallel_loop3A_319 = tpu.memref_squeeze %parallel_loop3A_318 : memref<1x480x128xf32, #tpu.memory_space<vmem>> -> memref<480x128xf32, #tpu.memory_space<vmem>>
          %parallel_loop3A_320 = arith.index_cast %parallel_loop3A_207 : i32 to index
          %parallel_loop3A_321 = arith.constant 16 : index
          %parallel_loop3A_322 = tpu.vector_load %parallel_loop3A_319[%parallel_loop3A_320, %parallel_loop3A_321] {strides = array<i32>} : memref<480x128xf32, #tpu.memory_space<vmem>>, vector<16xf32>,
          tpu.vector_store %parallel_loop3A_319[%parallel_loop3A_320, %parallel_loop3A_321], %parallel_loop3A_315 {strides = array<i32>} : memref<480x128xf32, #tpu.memory_space<vmem>>, vector<16xf32>,
          %parallel_loop3A_323 = arith.mulf %parallel_loop3A_228, %parallel_loop3A_306 : vector<16xf32>
          %parallel_loop3A_324 = arith.constant 0 : i32
          %parallel_loop3A_325 = arith.constant 0 : i32
          %parallel_loop3A_326 = tpu.memref_slice %arg6[%parallel_loop3A_185, %parallel_loop3A_324, %parallel_loop3A_325] : memref<2x480x128xf32, #tpu.memory_space<vmem>> -> memref<1x480x128xf32, #tpu.memory_space<vmem>>
          %parallel_loop3A_327 = tpu.memref_squeeze %parallel_loop3A_326 : memref<1x480x128xf32, #tpu.memory_space<vmem>> -> memref<480x128xf32, #tpu.memory_space<vmem>>
          %parallel_loop3A_328 = arith.index_cast %parallel_loop3A_207 : i32 to index
          %parallel_loop3A_329 = arith.constant 32 : index
          %parallel_loop3A_330 = tpu.vector_load %parallel_loop3A_327[%parallel_loop3A_328, %parallel_loop3A_329] {strides = array<i32>} : memref<480x128xf32, #tpu.memory_space<vmem>>, vector<16xf32>,
          tpu.vector_store %parallel_loop3A_327[%parallel_loop3A_328, %parallel_loop3A_329], %parallel_loop3A_323 {strides = array<i32>} : memref<480x128xf32, #tpu.memory_space<vmem>>, vector<16xf32>,
          %parallel_loop3A_331 = arith.mulf %parallel_loop3A_235, %parallel_loop3A_306 : vector<16xf32>
          %parallel_loop3A_332 = arith.constant 0 : i32
          %parallel_loop3A_333 = arith.constant 0 : i32
          %parallel_loop3A_334 = tpu.memref_slice %arg6[%parallel_loop3A_185, %parallel_loop3A_332, %parallel_loop3A_333] : memref<2x480x128xf32, #tpu.memory_space<vmem>> -> memref<1x480x128xf32, #tpu.memory_space<vmem>>
          %parallel_loop3A_335 = tpu.memref_squeeze %parallel_loop3A_334 : memref<1x480x128xf32, #tpu.memory_space<vmem>> -> memref<480x128xf32, #tpu.memory_space<vmem>>
          %parallel_loop3A_336 = arith.index_cast %parallel_loop3A_207 : i32 to index
          %parallel_loop3A_337 = arith.constant 48 : index
          %parallel_loop3A_338 = tpu.vector_load %parallel_loop3A_335[%parallel_loop3A_336, %parallel_loop3A_337] {strides = array<i32>} : memref<480x128xf32, #tpu.memory_space<vmem>>, vector<16xf32>,
          tpu.vector_store %parallel_loop3A_335[%parallel_loop3A_336, %parallel_loop3A_337], %parallel_loop3A_331 {strides = array<i32>} : memref<480x128xf32, #tpu.memory_space<vmem>>, vector<16xf32>,
          %parallel_loop3A_339 = arith.mulf %parallel_loop3A_242, %parallel_loop3A_306 : vector<16xf32>
          %parallel_loop3A_340 = arith.constant 0 : i32
          %parallel_loop3A_341 = arith.constant 0 : i32
          %parallel_loop3A_342 = tpu.memref_slice %arg6[%parallel_loop3A_185, %parallel_loop3A_340, %parallel_loop3A_341] : memref<2x480x128xf32, #tpu.memory_space<vmem>> -> memref<1x480x128xf32, #tpu.memory_space<vmem>>
          %parallel_loop3A_343 = tpu.memref_squeeze %parallel_loop3A_342 : memref<1x480x128xf32, #tpu.memory_space<vmem>> -> memref<480x128xf32, #tpu.memory_space<vmem>>
          %parallel_loop3A_344 = arith.index_cast %parallel_loop3A_207 : i32 to index
          %parallel_loop3A_345 = arith.constant 64 : index
          %parallel_loop3A_346 = tpu.vector_load %parallel_loop3A_343[%parallel_loop3A_344, %parallel_loop3A_345] {strides = array<i32>} : memref<480x128xf32, #tpu.memory_space<vmem>>, vector<16xf32>,
          tpu.vector_store %parallel_loop3A_343[%parallel_loop3A_344, %parallel_loop3A_345], %parallel_loop3A_339 {strides = array<i32>} : memref<480x128xf32, #tpu.memory_space<vmem>>, vector<16xf32>,
          %parallel_loop3A_347 = arith.mulf %parallel_loop3A_249, %parallel_loop3A_306 : vector<16xf32>
          %parallel_loop3A_348 = arith.constant 0 : i32
          %parallel_loop3A_349 = arith.constant 0 : i32
          %parallel_loop3A_350 = tpu.memref_slice %arg6[%parallel_loop3A_185, %parallel_loop3A_348, %parallel_loop3A_349] : memref<2x480x128xf32, #tpu.memory_space<vmem>> -> memref<1x480x128xf32, #tpu.memory_space<vmem>>
          %parallel_loop3A_351 = tpu.memref_squeeze %parallel_loop3A_350 : memref<1x480x128xf32, #tpu.memory_space<vmem>> -> memref<480x128xf32, #tpu.memory_space<vmem>>
          %parallel_loop3A_352 = arith.index_cast %parallel_loop3A_207 : i32 to index
          %parallel_loop3A_353 = arith.constant 80 : index
          %parallel_loop3A_354 = tpu.vector_load %parallel_loop3A_351[%parallel_loop3A_352, %parallel_loop3A_353] {strides = array<i32>} : memref<480x128xf32, #tpu.memory_space<vmem>>, vector<16xf32>,
          tpu.vector_store %parallel_loop3A_351[%parallel_loop3A_352, %parallel_loop3A_353], %parallel_loop3A_347 {strides = array<i32>} : memref<480x128xf32, #tpu.memory_space<vmem>>, vector<16xf32>,
          %parallel_loop3A_355 = arith.mulf %parallel_loop3A_256, %parallel_loop3A_306 : vector<16xf32>
          %parallel_loop3A_356 = arith.constant 0 : i32
          %parallel_loop3A_357 = arith.constant 0 : i32
          %parallel_loop3A_358 = tpu.memref_slice %arg6[%parallel_loop3A_185, %parallel_loop3A_356, %parallel_loop3A_357] : memref<2x480x128xf32, #tpu.memory_space<vmem>> -> memref<1x480x128xf32, #tpu.memory_space<vmem>>
          %parallel_loop3A_359 = tpu.memref_squeeze %parallel_loop3A_358 : memref<1x480x128xf32, #tpu.memory_space<vmem>> -> memref<480x128xf32, #tpu.memory_space<vmem>>
          %parallel_loop3A_360 = arith.index_cast %parallel_loop3A_207 : i32 to index
          %parallel_loop3A_361 = arith.constant 96 : index
          %parallel_loop3A_362 = tpu.vector_load %parallel_loop3A_359[%parallel_loop3A_360, %parallel_loop3A_361] {strides = array<i32>} : memref<480x128xf32, #tpu.memory_space<vmem>>, vector<16xf32>,
          tpu.vector_store %parallel_loop3A_359[%parallel_loop3A_360, %parallel_loop3A_361], %parallel_loop3A_355 {strides = array<i32>} : memref<480x128xf32, #tpu.memory_space<vmem>>, vector<16xf32>,
          %parallel_loop3A_363 = arith.mulf %parallel_loop3A_263, %parallel_loop3A_306 : vector<16xf32>
          %parallel_loop3A_364 = arith.constant 0 : i32
          %parallel_loop3A_365 = arith.constant 0 : i32
          %parallel_loop3A_366 = tpu.memref_slice %arg6[%parallel_loop3A_185, %parallel_loop3A_364, %parallel_loop3A_365] : memref<2x480x128xf32, #tpu.memory_space<vmem>> -> memref<1x480x128xf32, #tpu.memory_space<vmem>>
          %parallel_loop3A_367 = tpu.memref_squeeze %parallel_loop3A_366 : memref<1x480x128xf32, #tpu.memory_space<vmem>> -> memref<480x128xf32, #tpu.memory_space<vmem>>
          %parallel_loop3A_368 = arith.index_cast %parallel_loop3A_207 : i32 to index
          %parallel_loop3A_369 = arith.constant 112 : index
          %parallel_loop3A_370 = tpu.vector_load %parallel_loop3A_367[%parallel_loop3A_368, %parallel_loop3A_369] {strides = array<i32>} : memref<480x128xf32, #tpu.memory_space<vmem>>, vector<16xf32>,
          tpu.vector_store %parallel_loop3A_367[%parallel_loop3A_368, %parallel_loop3A_369], %parallel_loop3A_363 {strides = array<i32>} : memref<480x128xf32, #tpu.memory_space<vmem>>, vector<16xf32>,
        } {sc.loop_unroll_factor = 2 : i64, sc.parallel_access}
        %mul3A_186 = arith.constant 32 : i32
        %mul3A_187 = arith.muli %mul3A_186, %add3A_124 : i32
        %add3A_188 = arith.addi %add3A, %mul3A_187 : i32
        %mul3A_189 = arith.constant 480 : i32
        %mul3A_190 = arith.muli %add3A_188, %mul3A_189 : i32
        %dma_start3A_191 = arith.constant 1 : i32
        %dma_start3A_192 = arith.constant 1 : i32
        %dma_start3A_193 = arith.constant 0 : i32
        %dma_start3A_194 = arith.constant 0 : i32
        %dma_start3A_195 = tpu.memref_slice %arg6[%dma_start3A_191, %dma_start3A_193, %dma_start3A_194] : memref<2x480x128xf32, #tpu.memory_space<vmem>> -> memref<1x480x128xf32, #tpu.memory_space<vmem>>
        %dma_start3A_196 = tpu.memref_squeeze %dma_start3A_195 : memref<1x480x128xf32, #tpu.memory_space<vmem>> -> memref<480x128xf32, #tpu.memory_space<vmem>>
        %dma_start3A_197 = arith.constant 0 : i32
        %dma_start3A_198 = tpu.memref_slice %arg5[%mul3A_190, %dma_start3A_197] : memref<300000x128xf32, #tpu.memory_space<hbm>> -> memref<480x128xf32, #tpu.memory_space<hbm>>
        %dma_start3A_199 = tpu.memref_slice %arg10[%dma_start3A_192] : memref<2x!tpu.dma_semaphore, #tpu.memory_space<semaphore_mem>> -> memref<1x!tpu.dma_semaphore, #tpu.memory_space<semaphore_mem>>
        %dma_start3A_200 = tpu.memref_squeeze %dma_start3A_199 : memref<1x!tpu.dma_semaphore, #tpu.memory_space<semaphore_mem>> -> memref<!tpu.dma_semaphore, #tpu.memory_space<semaphore_mem>>
        %dma_start3A_201 = arith.constant 0 : i32
        %dma_start3A_202 = tpu.memref_slice %arg5[%mul3A_190, %dma_start3A_201] : memref<300000x128xf32, #tpu.memory_space<hbm>> -> memref<480x128xf32, #tpu.memory_space<hbm>>
        %dma_start3A_203 = arith.constant 0 : i32
        %dma_start3A_204 = arith.constant 0 : i32
        %dma_start3A_205 = tpu.memref_slice %arg6[%dma_start3A_191, %dma_start3A_203, %dma_start3A_204] : memref<2x480x128xf32, #tpu.memory_space<vmem>> -> memref<1x480x128xf32, #tpu.memory_space<vmem>>
        %dma_start3A_206 = tpu.memref_squeeze %dma_start3A_205 : memref<1x480x128xf32, #tpu.memory_space<vmem>> -> memref<480x128xf32, #tpu.memory_space<vmem>>
        tpu.enqueue_dma source(%dma_start3A_206 : memref<480x128xf32, #tpu.memory_space<vmem>>) target(%dma_start3A_202 : memref<480x128xf32, #tpu.memory_space<hbm>>) target_semaphore(%dma_start3A_200 : memref<!tpu.dma_semaphore, #tpu.memory_space<semaphore_mem>>)
      } else {
      }
    }
    %while3A_79 = arith.constant 1 : i32
    scf.for %while3A_115 = %while3A_77 to %while3A_73 step %while3A_79  : i32 {
      %mul3A_116 = arith.constant 2 : i32
      %mul3A_117 = arith.muli %mul3A_116, %while3A_115 : i32
      %add3A_118 = arith.constant 0 : i32
      %add3A_119 = arith.addi %mul3A_117, %add3A_118 : i32
      %lt3A = arith.cmpi slt, %add3A_119, %select_n3A : i32
      %convert_element_type3A = arith.extui %lt3A : i1 to i32
      %cond3A = arith.constant 0 : i32
      %cond3A_120 = arith.cmpi ne, %convert_element_type3A, %cond3A : i32
      scf.if %cond3A_120 {
        %dma_wait3A_129 = arith.constant 0 : i32
        %dma_wait3A_130 = arith.constant 0 : i32
        %dma_wait3A_131 = arith.constant 0 : i32
        %dma_wait3A_132 = arith.constant 0 : i32
        %dma_wait3A_133 = tpu.memref_slice %arg6[%dma_wait3A_129, %dma_wait3A_131, %dma_wait3A_132] : memref<2x480x128xf32, #tpu.memory_space<vmem>> -> memref<1x480x128xf32, #tpu.memory_space<vmem>>
        %dma_wait3A_134 = tpu.memref_squeeze %dma_wait3A_133 : memref<1x480x128xf32, #tpu.memory_space<vmem>> -> memref<480x128xf32, #tpu.memory_space<vmem>>
        %dma_wait3A_135 = arith.constant 0 : i32
        %dma_wait3A_136 = arith.constant 0 : i32
        %dma_wait3A_137 = tpu.memref_slice %arg4[%dma_wait3A_135, %dma_wait3A_136] : memref<300000x128xf32, #tpu.memory_space<hbm>> -> memref<480x128xf32, #tpu.memory_space<hbm>>
        %dma_wait3A_138 = tpu.memref_slice %arg9[%dma_wait3A_130] : memref<2x!tpu.dma_semaphore, #tpu.memory_space<semaphore_mem>> -> memref<1x!tpu.dma_semaphore, #tpu.memory_space<semaphore_mem>>
        %dma_wait3A_139 = tpu.memref_squeeze %dma_wait3A_138 : memref<1x!tpu.dma_semaphore, #tpu.memory_space<semaphore_mem>> -> memref<!tpu.dma_semaphore, #tpu.memory_space<semaphore_mem>>
        %dma_wait3A_140 = arith.constant 0 : i32
        %dma_wait3A_141 = arith.constant 0 : i32
        %dma_wait3A_142 = tpu.memref_slice %arg6[%dma_wait3A_129, %dma_wait3A_140, %dma_wait3A_141] : memref<2x480x128xf32, #tpu.memory_space<vmem>> -> memref<1x480x128xf32, #tpu.memory_space<vmem>>
        %dma_wait3A_143 = tpu.memref_squeeze %dma_wait3A_142 : memref<1x480x128xf32, #tpu.memory_space<vmem>> -> memref<480x128xf32, #tpu.memory_space<vmem>>
        %dma_wait3A_144 = arith.constant 0 : i32
        %dma_wait3A_145 = arith.constant 0 : i32
        %dma_wait3A_146 = tpu.memref_slice %arg4[%dma_wait3A_144, %dma_wait3A_145] : memref<300000x128xf32, #tpu.memory_space<hbm>> -> memref<480x128xf32, #tpu.memory_space<hbm>>
        tpu.wait_dma2 semaphore(%dma_wait3A_139 : memref<!tpu.dma_semaphore, #tpu.memory_space<semaphore_mem>>) src(%dma_wait3A_146 : memref<480x128xf32, #tpu.memory_space<hbm>>) dst(%dma_wait3A_143 : memref<480x128xf32, #tpu.memory_space<vmem>>)
        %add3A_147 = arith.constant 2 : i32
        %add3A_148 = arith.addi %add3A_119, %add3A_147 : i32
        %sub3A_149 = arith.constant 1 : i32
        %sub3A_150 = arith.subi %add3A_148, %sub3A_149 : i32
        %lt3A_151 = arith.cmpi slt, %sub3A_150, %select_n3A : i32
        %convert_element_type3A_152 = arith.extui %lt3A_151 : i1 to i32
        %cond3A_153 = arith.constant 0 : i32
        %cond3A_154 = arith.cmpi ne, %convert_element_type3A_152, %cond3A_153 : i32
        scf.if %cond3A_154 {
          %ge3A_207 = arith.constant 1 : i32
          %ge3A_208 = arith.cmpi sge, %add3A_119, %ge3A_207 : i32
          %convert_element_type3A_209 = arith.extui %ge3A_208 : i1 to i32
          %cond3A_210 = arith.constant 0 : i32
          %cond3A_211 = arith.cmpi ne, %convert_element_type3A_209, %cond3A_210 : i32
          scf.if %cond3A_211 {
            %sub3A_246 = arith.constant 1 : i32
            %sub3A_247 = arith.subi %add3A_119, %sub3A_246 : i32
            %jit3A_248 = arith.constant 2 : i32
            %eq3A_249 = arith.constant 0 : i32
            %eq3A_250 = arith.cmpi eq, %jit3A_248, %eq3A_249 : i32
            %jit3A_251 = arith.constant 1 : i32
            %select_n3A_252 = arith.select %eq3A_250, %jit3A_251, %jit3A_248 : i32
            %rem3A_253 = arith.remsi %sub3A_247, %select_n3A_252 : i32
            %ne3A_254 = arith.constant 0 : i32
            %ne3A_255 = arith.cmpi ne, %rem3A_253, %ne3A_254 : i32
            %lt3A_256 = arith.constant 0 : i32
            %lt3A_257 = arith.cmpi slt, %rem3A_253, %lt3A_256 : i32
            %lt3A_258 = arith.constant 0 : i32
            %lt3A_259 = arith.cmpi slt, %select_n3A_252, %lt3A_258 : i32
            %ne3A_260 = arith.xori %lt3A_257, %lt3A_259 : i1
            %and3A_261 = arith.andi %ne3A_260, %ne3A_255 : i1
            %add3A_262 = arith.addi %rem3A_253, %select_n3A_252 : i32
            %select_n3A_263 = arith.select %and3A_261, %add3A_262, %rem3A_253 : i32
            %dma_wait3A_264 = arith.constant 0 : i32
            %dma_wait3A_265 = arith.constant 0 : i32
            %dma_wait3A_266 = tpu.memref_slice %arg6[%select_n3A_263, %dma_wait3A_264, %dma_wait3A_265] : memref<2x480x128xf32, #tpu.memory_space<vmem>> -> memref<1x480x128xf32, #tpu.memory_space<vmem>>
            %dma_wait3A_267 = tpu.memref_squeeze %dma_wait3A_266 : memref<1x480x128xf32, #tpu.memory_space<vmem>> -> memref<480x128xf32, #tpu.memory_space<vmem>>
            %dma_wait3A_268 = arith.constant 0 : i32
            %dma_wait3A_269 = arith.constant 0 : i32
            %dma_wait3A_270 = tpu.memref_slice %arg5[%dma_wait3A_268, %dma_wait3A_269] : memref<300000x128xf32, #tpu.memory_space<hbm>> -> memref<480x128xf32, #tpu.memory_space<hbm>>
            %dma_wait3A_271 = tpu.memref_slice %arg10[%select_n3A_263] : memref<2x!tpu.dma_semaphore, #tpu.memory_space<semaphore_mem>> -> memref<1x!tpu.dma_semaphore, #tpu.memory_space<semaphore_mem>>
            %dma_wait3A_272 = tpu.memref_squeeze %dma_wait3A_271 : memref<1x!tpu.dma_semaphore, #tpu.memory_space<semaphore_mem>> -> memref<!tpu.dma_semaphore, #tpu.memory_space<semaphore_mem>>
            %dma_wait3A_273 = arith.constant 0 : i32
            %dma_wait3A_274 = arith.constant 0 : i32
            %dma_wait3A_275 = tpu.memref_slice %arg5[%dma_wait3A_273, %dma_wait3A_274] : memref<300000x128xf32, #tpu.memory_space<hbm>> -> memref<480x128xf32, #tpu.memory_space<hbm>>
            %dma_wait3A_276 = arith.constant 0 : i32
            %dma_wait3A_277 = arith.constant 0 : i32
            %dma_wait3A_278 = tpu.memref_slice %arg6[%select_n3A_263, %dma_wait3A_276, %dma_wait3A_277] : memref<2x480x128xf32, #tpu.memory_space<vmem>> -> memref<1x480x128xf32, #tpu.memory_space<vmem>>
            %dma_wait3A_279 = tpu.memref_squeeze %dma_wait3A_278 : memref<1x480x128xf32, #tpu.memory_space<vmem>> -> memref<480x128xf32, #tpu.memory_space<vmem>>
            tpu.wait_dma2 semaphore(%dma_wait3A_272 : memref<!tpu.dma_semaphore, #tpu.memory_space<semaphore_mem>>) src(%dma_wait3A_279 : memref<480x128xf32, #tpu.memory_space<vmem>>) dst(%dma_wait3A_275 : memref<480x128xf32, #tpu.memory_space<hbm>>)
          } else {
          }
          %jit3A_212 = arith.constant 2 : i32
          %eq3A = arith.constant 0 : i32
          %eq3A_213 = arith.cmpi eq, %jit3A_212, %eq3A : i32
          %jit3A_214 = arith.constant 1 : i32
          %select_n3A_215 = arith.select %eq3A_213, %jit3A_214, %jit3A_212 : i32
          %rem3A_216 = arith.remsi %sub3A_150, %select_n3A_215 : i32
          %ne3A_217 = arith.constant 0 : i32
          %ne3A_218 = arith.cmpi ne, %rem3A_216, %ne3A_217 : i32
          %lt3A_219 = arith.constant 0 : i32
          %lt3A_220 = arith.cmpi slt, %rem3A_216, %lt3A_219 : i32
          %lt3A_221 = arith.constant 0 : i32
          %lt3A_222 = arith.cmpi slt, %select_n3A_215, %lt3A_221 : i32
          %ne3A_223 = arith.xori %lt3A_220, %lt3A_222 : i1
          %and3A_224 = arith.andi %ne3A_223, %ne3A_218 : i1
          %add3A_225 = arith.addi %rem3A_216, %select_n3A_215 : i32
          %select_n3A_226 = arith.select %and3A_224, %add3A_225, %rem3A_216 : i32
          %mul3A_227 = arith.constant 32 : i32
          %mul3A_228 = arith.muli %mul3A_227, %sub3A_150 : i32
          %add3A_229 = arith.addi %add3A, %mul3A_228 : i32
          %mul3A_230 = arith.constant 480 : i32
          %mul3A_231 = arith.muli %add3A_229, %mul3A_230 : i32
          %dma_start3A_232 = arith.constant 0 : i32
          %dma_start3A_233 = arith.constant 0 : i32
          %dma_start3A_234 = tpu.memref_slice %arg6[%select_n3A_226, %dma_start3A_232, %dma_start3A_233] : memref<2x480x128xf32, #tpu.memory_space<vmem>> -> memref<1x480x128xf32, #tpu.memory_space<vmem>>
          %dma_start3A_235 = tpu.memref_squeeze %dma_start3A_234 : memref<1x480x128xf32, #tpu.memory_space<vmem>> -> memref<480x128xf32, #tpu.memory_space<vmem>>
          %dma_start3A_236 = arith.constant 0 : i32
          %dma_start3A_237 = tpu.memref_slice %arg4[%mul3A_231, %dma_start3A_236] : memref<300000x128xf32, #tpu.memory_space<hbm>> -> memref<480x128xf32, #tpu.memory_space<hbm>>
          %dma_start3A_238 = tpu.memref_slice %arg9[%select_n3A_226] : memref<2x!tpu.dma_semaphore, #tpu.memory_space<semaphore_mem>> -> memref<1x!tpu.dma_semaphore, #tpu.memory_space<semaphore_mem>>
          %dma_start3A_239 = tpu.memref_squeeze %dma_start3A_238 : memref<1x!tpu.dma_semaphore, #tpu.memory_space<semaphore_mem>> -> memref<!tpu.dma_semaphore, #tpu.memory_space<semaphore_mem>>
          %dma_start3A_240 = arith.constant 0 : i32
          %dma_start3A_241 = arith.constant 0 : i32
          %dma_start3A_242 = tpu.memref_slice %arg6[%select_n3A_226, %dma_start3A_240, %dma_start3A_241] : memref<2x480x128xf32, #tpu.memory_space<vmem>> -> memref<1x480x128xf32, #tpu.memory_space<vmem>>
          %dma_start3A_243 = tpu.memref_squeeze %dma_start3A_242 : memref<1x480x128xf32, #tpu.memory_space<vmem>> -> memref<480x128xf32, #tpu.memory_space<vmem>>
          %dma_start3A_244 = arith.constant 0 : i32
          %dma_start3A_245 = tpu.memref_slice %arg4[%mul3A_231, %dma_start3A_244] : memref<300000x128xf32, #tpu.memory_space<hbm>> -> memref<480x128xf32, #tpu.memory_space<hbm>>
          tpu.enqueue_dma source(%dma_start3A_245 : memref<480x128xf32, #tpu.memory_space<hbm>>) target(%dma_start3A_243 : memref<480x128xf32, #tpu.memory_space<vmem>>) target_semaphore(%dma_start3A_239 : memref<!tpu.dma_semaphore, #tpu.memory_space<semaphore_mem>>)
        } else {
        }
        %mul3A_155 = arith.constant 32 : i32
        %mul3A_156 = arith.muli %mul3A_155, %add3A_119 : i32
        %add3A_157 = arith.addi %add3A, %mul3A_156 : i32
        %mul3A_158 = arith.constant 480 : i32
        %mul3A_159 = arith.muli %add3A_157, %mul3A_158 : i32
        %add3A_160 = arith.constant 0 : i32
        %add3A_161 = arith.addi %squeeze3A, %add3A_160 : i32
        %sub3A_162 = arith.subi %add3A_161, %mul3A_159 : i32
        %ge3A = arith.constant 0 : i32
        %ge3A_163 = arith.cmpi sge, %sub3A_162, %ge3A : i32
        %lt3A_164 = arith.constant 480 : i32
        %lt3A_165 = arith.cmpi slt, %sub3A_162, %lt3A_164 : i32
        %and3A_166 = arith.andi %ge3A_163, %lt3A_165 : i1
        %convert_element_type3A_167 = arith.extui %and3A_166 : i1 to i32
        %cond3A_168 = arith.constant 0 : i32
        %cond3A_169 = arith.constant 0 : i32
        %cond3A_170 = arith.cmpi ne, %convert_element_type3A_167, %cond3A_169 : i32
        scf.if %cond3A_170 {
          %get3A_207 = arith.constant 0 : i32
          %get3A_208 = arith.index_cast %get3A_207 : i32 to index
          %get3A_209 = arith.constant 0 : index
          %get3A_210 = tpu.vector_load %arg7[%get3A_208, %get3A_209] {strides = array<i32>} : memref<2x128xf32, #tpu.memory_space<vmem>>, vector<16xf32>,
          %swap3A = arith.constant 0 : i32
          %swap3A_211 = arith.constant 0 : i32
          %swap3A_212 = tpu.memref_slice %arg6[%cond3A_168, %swap3A, %swap3A_211] : memref<2x480x128xf32, #tpu.memory_space<vmem>> -> memref<1x480x128xf32, #tpu.memory_space<vmem>>
          %swap3A_213 = tpu.memref_squeeze %swap3A_212 : memref<1x480x128xf32, #tpu.memory_space<vmem>> -> memref<480x128xf32, #tpu.memory_space<vmem>>
          %swap3A_214 = arith.index_cast %sub3A_162 : i32 to index
          %swap3A_215 = arith.constant 0 : index
          %swap3A_216 = tpu.vector_load %swap3A_213[%swap3A_214, %swap3A_215] {strides = array<i32>} : memref<480x128xf32, #tpu.memory_space<vmem>>, vector<16xf32>,
          tpu.vector_store %swap3A_213[%swap3A_214, %swap3A_215], %get3A_210 {strides = array<i32>} : memref<480x128xf32, #tpu.memory_space<vmem>>, vector<16xf32>,
          %get3A_217 = arith.constant 0 : i32
          %get3A_218 = arith.index_cast %get3A_217 : i32 to index
          %get3A_219 = arith.constant 16 : index
          %get3A_220 = tpu.vector_load %arg7[%get3A_218, %get3A_219] {strides = array<i32>} : memref<2x128xf32, #tpu.memory_space<vmem>>, vector<16xf32>,
          %swap3A_221 = arith.constant 0 : i32
          %swap3A_222 = arith.constant 0 : i32
          %swap3A_223 = tpu.memref_slice %arg6[%cond3A_168, %swap3A_221, %swap3A_222] : memref<2x480x128xf32, #tpu.memory_space<vmem>> -> memref<1x480x128xf32, #tpu.memory_space<vmem>>
          %swap3A_224 = tpu.memref_squeeze %swap3A_223 : memref<1x480x128xf32, #tpu.memory_space<vmem>> -> memref<480x128xf32, #tpu.memory_space<vmem>>
          %swap3A_225 = arith.index_cast %sub3A_162 : i32 to index
          %swap3A_226 = arith.constant 16 : index
          %swap3A_227 = tpu.vector_load %swap3A_224[%swap3A_225, %swap3A_226] {strides = array<i32>} : memref<480x128xf32, #tpu.memory_space<vmem>>, vector<16xf32>,
          tpu.vector_store %swap3A_224[%swap3A_225, %swap3A_226], %get3A_220 {strides = array<i32>} : memref<480x128xf32, #tpu.memory_space<vmem>>, vector<16xf32>,
          %get3A_228 = arith.constant 0 : i32
          %get3A_229 = arith.index_cast %get3A_228 : i32 to index
          %get3A_230 = arith.constant 32 : index
          %get3A_231 = tpu.vector_load %arg7[%get3A_229, %get3A_230] {strides = array<i32>} : memref<2x128xf32, #tpu.memory_space<vmem>>, vector<16xf32>,
          %swap3A_232 = arith.constant 0 : i32
          %swap3A_233 = arith.constant 0 : i32
          %swap3A_234 = tpu.memref_slice %arg6[%cond3A_168, %swap3A_232, %swap3A_233] : memref<2x480x128xf32, #tpu.memory_space<vmem>> -> memref<1x480x128xf32, #tpu.memory_space<vmem>>
          %swap3A_235 = tpu.memref_squeeze %swap3A_234 : memref<1x480x128xf32, #tpu.memory_space<vmem>> -> memref<480x128xf32, #tpu.memory_space<vmem>>
          %swap3A_236 = arith.index_cast %sub3A_162 : i32 to index
          %swap3A_237 = arith.constant 32 : index
          %swap3A_238 = tpu.vector_load %swap3A_235[%swap3A_236, %swap3A_237] {strides = array<i32>} : memref<480x128xf32, #tpu.memory_space<vmem>>, vector<16xf32>,
          tpu.vector_store %swap3A_235[%swap3A_236, %swap3A_237], %get3A_231 {strides = array<i32>} : memref<480x128xf32, #tpu.memory_space<vmem>>, vector<16xf32>,
          %get3A_239 = arith.constant 0 : i32
          %get3A_240 = arith.index_cast %get3A_239 : i32 to index
          %get3A_241 = arith.constant 48 : index
          %get3A_242 = tpu.vector_load %arg7[%get3A_240, %get3A_241] {strides = array<i32>} : memref<2x128xf32, #tpu.memory_space<vmem>>, vector<16xf32>,
          %swap3A_243 = arith.constant 0 : i32
          %swap3A_244 = arith.constant 0 : i32
          %swap3A_245 = tpu.memref_slice %arg6[%cond3A_168, %swap3A_243, %swap3A_244] : memref<2x480x128xf32, #tpu.memory_space<vmem>> -> memref<1x480x128xf32, #tpu.memory_space<vmem>>
          %swap3A_246 = tpu.memref_squeeze %swap3A_245 : memref<1x480x128xf32, #tpu.memory_space<vmem>> -> memref<480x128xf32, #tpu.memory_space<vmem>>
          %swap3A_247 = arith.index_cast %sub3A_162 : i32 to index
          %swap3A_248 = arith.constant 48 : index
          %swap3A_249 = tpu.vector_load %swap3A_246[%swap3A_247, %swap3A_248] {strides = array<i32>} : memref<480x128xf32, #tpu.memory_space<vmem>>, vector<16xf32>,
          tpu.vector_store %swap3A_246[%swap3A_247, %swap3A_248], %get3A_242 {strides = array<i32>} : memref<480x128xf32, #tpu.memory_space<vmem>>, vector<16xf32>,
          %get3A_250 = arith.constant 0 : i32
          %get3A_251 = arith.index_cast %get3A_250 : i32 to index
          %get3A_252 = arith.constant 64 : index
          %get3A_253 = tpu.vector_load %arg7[%get3A_251, %get3A_252] {strides = array<i32>} : memref<2x128xf32, #tpu.memory_space<vmem>>, vector<16xf32>,
          %swap3A_254 = arith.constant 0 : i32
          %swap3A_255 = arith.constant 0 : i32
          %swap3A_256 = tpu.memref_slice %arg6[%cond3A_168, %swap3A_254, %swap3A_255] : memref<2x480x128xf32, #tpu.memory_space<vmem>> -> memref<1x480x128xf32, #tpu.memory_space<vmem>>
          %swap3A_257 = tpu.memref_squeeze %swap3A_256 : memref<1x480x128xf32, #tpu.memory_space<vmem>> -> memref<480x128xf32, #tpu.memory_space<vmem>>
          %swap3A_258 = arith.index_cast %sub3A_162 : i32 to index
          %swap3A_259 = arith.constant 64 : index
          %swap3A_260 = tpu.vector_load %swap3A_257[%swap3A_258, %swap3A_259] {strides = array<i32>} : memref<480x128xf32, #tpu.memory_space<vmem>>, vector<16xf32>,
          tpu.vector_store %swap3A_257[%swap3A_258, %swap3A_259], %get3A_253 {strides = array<i32>} : memref<480x128xf32, #tpu.memory_space<vmem>>, vector<16xf32>,
          %get3A_261 = arith.constant 0 : i32
          %get3A_262 = arith.index_cast %get3A_261 : i32 to index
          %get3A_263 = arith.constant 80 : index
          %get3A_264 = tpu.vector_load %arg7[%get3A_262, %get3A_263] {strides = array<i32>} : memref<2x128xf32, #tpu.memory_space<vmem>>, vector<16xf32>,
          %swap3A_265 = arith.constant 0 : i32
          %swap3A_266 = arith.constant 0 : i32
          %swap3A_267 = tpu.memref_slice %arg6[%cond3A_168, %swap3A_265, %swap3A_266] : memref<2x480x128xf32, #tpu.memory_space<vmem>> -> memref<1x480x128xf32, #tpu.memory_space<vmem>>
          %swap3A_268 = tpu.memref_squeeze %swap3A_267 : memref<1x480x128xf32, #tpu.memory_space<vmem>> -> memref<480x128xf32, #tpu.memory_space<vmem>>
          %swap3A_269 = arith.index_cast %sub3A_162 : i32 to index
          %swap3A_270 = arith.constant 80 : index
          %swap3A_271 = tpu.vector_load %swap3A_268[%swap3A_269, %swap3A_270] {strides = array<i32>} : memref<480x128xf32, #tpu.memory_space<vmem>>, vector<16xf32>,
          tpu.vector_store %swap3A_268[%swap3A_269, %swap3A_270], %get3A_264 {strides = array<i32>} : memref<480x128xf32, #tpu.memory_space<vmem>>, vector<16xf32>,
          %get3A_272 = arith.constant 0 : i32
          %get3A_273 = arith.index_cast %get3A_272 : i32 to index
          %get3A_274 = arith.constant 96 : index
          %get3A_275 = tpu.vector_load %arg7[%get3A_273, %get3A_274] {strides = array<i32>} : memref<2x128xf32, #tpu.memory_space<vmem>>, vector<16xf32>,
          %swap3A_276 = arith.constant 0 : i32
          %swap3A_277 = arith.constant 0 : i32
          %swap3A_278 = tpu.memref_slice %arg6[%cond3A_168, %swap3A_276, %swap3A_277] : memref<2x480x128xf32, #tpu.memory_space<vmem>> -> memref<1x480x128xf32, #tpu.memory_space<vmem>>
          %swap3A_279 = tpu.memref_squeeze %swap3A_278 : memref<1x480x128xf32, #tpu.memory_space<vmem>> -> memref<480x128xf32, #tpu.memory_space<vmem>>
          %swap3A_280 = arith.index_cast %sub3A_162 : i32 to index
          %swap3A_281 = arith.constant 96 : index
          %swap3A_282 = tpu.vector_load %swap3A_279[%swap3A_280, %swap3A_281] {strides = array<i32>} : memref<480x128xf32, #tpu.memory_space<vmem>>, vector<16xf32>,
          tpu.vector_store %swap3A_279[%swap3A_280, %swap3A_281], %get3A_275 {strides = array<i32>} : memref<480x128xf32, #tpu.memory_space<vmem>>, vector<16xf32>,
          %get3A_283 = arith.constant 0 : i32
          %get3A_284 = arith.index_cast %get3A_283 : i32 to index
          %get3A_285 = arith.constant 112 : index
          %get3A_286 = tpu.vector_load %arg7[%get3A_284, %get3A_285] {strides = array<i32>} : memref<2x128xf32, #tpu.memory_space<vmem>>, vector<16xf32>,
          %swap3A_287 = arith.constant 0 : i32
          %swap3A_288 = arith.constant 0 : i32
          %swap3A_289 = tpu.memref_slice %arg6[%cond3A_168, %swap3A_287, %swap3A_288] : memref<2x480x128xf32, #tpu.memory_space<vmem>> -> memref<1x480x128xf32, #tpu.memory_space<vmem>>
          %swap3A_290 = tpu.memref_squeeze %swap3A_289 : memref<1x480x128xf32, #tpu.memory_space<vmem>> -> memref<480x128xf32, #tpu.memory_space<vmem>>
          %swap3A_291 = arith.index_cast %sub3A_162 : i32 to index
          %swap3A_292 = arith.constant 112 : index
          %swap3A_293 = tpu.vector_load %swap3A_290[%swap3A_291, %swap3A_292] {strides = array<i32>} : memref<480x128xf32, #tpu.memory_space<vmem>>, vector<16xf32>,
          tpu.vector_store %swap3A_290[%swap3A_291, %swap3A_292], %get3A_286 {strides = array<i32>} : memref<480x128xf32, #tpu.memory_space<vmem>>, vector<16xf32>,
        } else {
        }
        %add3A_171 = arith.constant 1 : i32
        %add3A_172 = arith.addi %squeeze3A, %add3A_171 : i32
        %sub3A_173 = arith.subi %add3A_172, %mul3A_159 : i32
        %ge3A_174 = arith.constant 0 : i32
        %ge3A_175 = arith.cmpi sge, %sub3A_173, %ge3A_174 : i32
        %lt3A_176 = arith.constant 480 : i32
        %lt3A_177 = arith.cmpi slt, %sub3A_173, %lt3A_176 : i32
        %and3A_178 = arith.andi %ge3A_175, %lt3A_177 : i1
        %convert_element_type3A_179 = arith.extui %and3A_178 : i1 to i32
        %cond3A_180 = arith.constant 0 : i32
        %cond3A_181 = arith.constant 0 : i32
        %cond3A_182 = arith.cmpi ne, %convert_element_type3A_179, %cond3A_181 : i32
        scf.if %cond3A_182 {
          %get3A_207 = arith.constant 1 : i32
          %get3A_208 = arith.index_cast %get3A_207 : i32 to index
          %get3A_209 = arith.constant 0 : index
          %get3A_210 = tpu.vector_load %arg7[%get3A_208, %get3A_209] {strides = array<i32>} : memref<2x128xf32, #tpu.memory_space<vmem>>, vector<16xf32>,
          %swap3A = arith.constant 0 : i32
          %swap3A_211 = arith.constant 0 : i32
          %swap3A_212 = tpu.memref_slice %arg6[%cond3A_180, %swap3A, %swap3A_211] : memref<2x480x128xf32, #tpu.memory_space<vmem>> -> memref<1x480x128xf32, #tpu.memory_space<vmem>>
          %swap3A_213 = tpu.memref_squeeze %swap3A_212 : memref<1x480x128xf32, #tpu.memory_space<vmem>> -> memref<480x128xf32, #tpu.memory_space<vmem>>
          %swap3A_214 = arith.index_cast %sub3A_173 : i32 to index
          %swap3A_215 = arith.constant 0 : index
          %swap3A_216 = tpu.vector_load %swap3A_213[%swap3A_214, %swap3A_215] {strides = array<i32>} : memref<480x128xf32, #tpu.memory_space<vmem>>, vector<16xf32>,
          tpu.vector_store %swap3A_213[%swap3A_214, %swap3A_215], %get3A_210 {strides = array<i32>} : memref<480x128xf32, #tpu.memory_space<vmem>>, vector<16xf32>,
          %get3A_217 = arith.constant 1 : i32
          %get3A_218 = arith.index_cast %get3A_217 : i32 to index
          %get3A_219 = arith.constant 16 : index
          %get3A_220 = tpu.vector_load %arg7[%get3A_218, %get3A_219] {strides = array<i32>} : memref<2x128xf32, #tpu.memory_space<vmem>>, vector<16xf32>,
          %swap3A_221 = arith.constant 0 : i32
          %swap3A_222 = arith.constant 0 : i32
          %swap3A_223 = tpu.memref_slice %arg6[%cond3A_180, %swap3A_221, %swap3A_222] : memref<2x480x128xf32, #tpu.memory_space<vmem>> -> memref<1x480x128xf32, #tpu.memory_space<vmem>>
          %swap3A_224 = tpu.memref_squeeze %swap3A_223 : memref<1x480x128xf32, #tpu.memory_space<vmem>> -> memref<480x128xf32, #tpu.memory_space<vmem>>
          %swap3A_225 = arith.index_cast %sub3A_173 : i32 to index
          %swap3A_226 = arith.constant 16 : index
          %swap3A_227 = tpu.vector_load %swap3A_224[%swap3A_225, %swap3A_226] {strides = array<i32>} : memref<480x128xf32, #tpu.memory_space<vmem>>, vector<16xf32>,
          tpu.vector_store %swap3A_224[%swap3A_225, %swap3A_226], %get3A_220 {strides = array<i32>} : memref<480x128xf32, #tpu.memory_space<vmem>>, vector<16xf32>,
          %get3A_228 = arith.constant 1 : i32
          %get3A_229 = arith.index_cast %get3A_228 : i32 to index
          %get3A_230 = arith.constant 32 : index
          %get3A_231 = tpu.vector_load %arg7[%get3A_229, %get3A_230] {strides = array<i32>} : memref<2x128xf32, #tpu.memory_space<vmem>>, vector<16xf32>,
          %swap3A_232 = arith.constant 0 : i32
          %swap3A_233 = arith.constant 0 : i32
          %swap3A_234 = tpu.memref_slice %arg6[%cond3A_180, %swap3A_232, %swap3A_233] : memref<2x480x128xf32, #tpu.memory_space<vmem>> -> memref<1x480x128xf32, #tpu.memory_space<vmem>>
          %swap3A_235 = tpu.memref_squeeze %swap3A_234 : memref<1x480x128xf32, #tpu.memory_space<vmem>> -> memref<480x128xf32, #tpu.memory_space<vmem>>
          %swap3A_236 = arith.index_cast %sub3A_173 : i32 to index
          %swap3A_237 = arith.constant 32 : index
          %swap3A_238 = tpu.vector_load %swap3A_235[%swap3A_236, %swap3A_237] {strides = array<i32>} : memref<480x128xf32, #tpu.memory_space<vmem>>, vector<16xf32>,
          tpu.vector_store %swap3A_235[%swap3A_236, %swap3A_237], %get3A_231 {strides = array<i32>} : memref<480x128xf32, #tpu.memory_space<vmem>>, vector<16xf32>,
          %get3A_239 = arith.constant 1 : i32
          %get3A_240 = arith.index_cast %get3A_239 : i32 to index
          %get3A_241 = arith.constant 48 : index
          %get3A_242 = tpu.vector_load %arg7[%get3A_240, %get3A_241] {strides = array<i32>} : memref<2x128xf32, #tpu.memory_space<vmem>>, vector<16xf32>,
          %swap3A_243 = arith.constant 0 : i32
          %swap3A_244 = arith.constant 0 : i32
          %swap3A_245 = tpu.memref_slice %arg6[%cond3A_180, %swap3A_243, %swap3A_244] : memref<2x480x128xf32, #tpu.memory_space<vmem>> -> memref<1x480x128xf32, #tpu.memory_space<vmem>>
          %swap3A_246 = tpu.memref_squeeze %swap3A_245 : memref<1x480x128xf32, #tpu.memory_space<vmem>> -> memref<480x128xf32, #tpu.memory_space<vmem>>
          %swap3A_247 = arith.index_cast %sub3A_173 : i32 to index
          %swap3A_248 = arith.constant 48 : index
          %swap3A_249 = tpu.vector_load %swap3A_246[%swap3A_247, %swap3A_248] {strides = array<i32>} : memref<480x128xf32, #tpu.memory_space<vmem>>, vector<16xf32>,
          tpu.vector_store %swap3A_246[%swap3A_247, %swap3A_248], %get3A_242 {strides = array<i32>} : memref<480x128xf32, #tpu.memory_space<vmem>>, vector<16xf32>,
          %get3A_250 = arith.constant 1 : i32
          %get3A_251 = arith.index_cast %get3A_250 : i32 to index
          %get3A_252 = arith.constant 64 : index
          %get3A_253 = tpu.vector_load %arg7[%get3A_251, %get3A_252] {strides = array<i32>} : memref<2x128xf32, #tpu.memory_space<vmem>>, vector<16xf32>,
          %swap3A_254 = arith.constant 0 : i32
          %swap3A_255 = arith.constant 0 : i32
          %swap3A_256 = tpu.memref_slice %arg6[%cond3A_180, %swap3A_254, %swap3A_255] : memref<2x480x128xf32, #tpu.memory_space<vmem>> -> memref<1x480x128xf32, #tpu.memory_space<vmem>>
          %swap3A_257 = tpu.memref_squeeze %swap3A_256 : memref<1x480x128xf32, #tpu.memory_space<vmem>> -> memref<480x128xf32, #tpu.memory_space<vmem>>
          %swap3A_258 = arith.index_cast %sub3A_173 : i32 to index
          %swap3A_259 = arith.constant 64 : index
          %swap3A_260 = tpu.vector_load %swap3A_257[%swap3A_258, %swap3A_259] {strides = array<i32>} : memref<480x128xf32, #tpu.memory_space<vmem>>, vector<16xf32>,
          tpu.vector_store %swap3A_257[%swap3A_258, %swap3A_259], %get3A_253 {strides = array<i32>} : memref<480x128xf32, #tpu.memory_space<vmem>>, vector<16xf32>,
          %get3A_261 = arith.constant 1 : i32
          %get3A_262 = arith.index_cast %get3A_261 : i32 to index
          %get3A_263 = arith.constant 80 : index
          %get3A_264 = tpu.vector_load %arg7[%get3A_262, %get3A_263] {strides = array<i32>} : memref<2x128xf32, #tpu.memory_space<vmem>>, vector<16xf32>,
          %swap3A_265 = arith.constant 0 : i32
          %swap3A_266 = arith.constant 0 : i32
          %swap3A_267 = tpu.memref_slice %arg6[%cond3A_180, %swap3A_265, %swap3A_266] : memref<2x480x128xf32, #tpu.memory_space<vmem>> -> memref<1x480x128xf32, #tpu.memory_space<vmem>>
          %swap3A_268 = tpu.memref_squeeze %swap3A_267 : memref<1x480x128xf32, #tpu.memory_space<vmem>> -> memref<480x128xf32, #tpu.memory_space<vmem>>
          %swap3A_269 = arith.index_cast %sub3A_173 : i32 to index
          %swap3A_270 = arith.constant 80 : index
          %swap3A_271 = tpu.vector_load %swap3A_268[%swap3A_269, %swap3A_270] {strides = array<i32>} : memref<480x128xf32, #tpu.memory_space<vmem>>, vector<16xf32>,
          tpu.vector_store %swap3A_268[%swap3A_269, %swap3A_270], %get3A_264 {strides = array<i32>} : memref<480x128xf32, #tpu.memory_space<vmem>>, vector<16xf32>,
          %get3A_272 = arith.constant 1 : i32
          %get3A_273 = arith.index_cast %get3A_272 : i32 to index
          %get3A_274 = arith.constant 96 : index
          %get3A_275 = tpu.vector_load %arg7[%get3A_273, %get3A_274] {strides = array<i32>} : memref<2x128xf32, #tpu.memory_space<vmem>>, vector<16xf32>,
          %swap3A_276 = arith.constant 0 : i32
          %swap3A_277 = arith.constant 0 : i32
          %swap3A_278 = tpu.memref_slice %arg6[%cond3A_180, %swap3A_276, %swap3A_277] : memref<2x480x128xf32, #tpu.memory_space<vmem>> -> memref<1x480x128xf32, #tpu.memory_space<vmem>>
          %swap3A_279 = tpu.memref_squeeze %swap3A_278 : memref<1x480x128xf32, #tpu.memory_space<vmem>> -> memref<480x128xf32, #tpu.memory_space<vmem>>
          %swap3A_280 = arith.index_cast %sub3A_173 : i32 to index
          %swap3A_281 = arith.constant 96 : index
          %swap3A_282 = tpu.vector_load %swap3A_279[%swap3A_280, %swap3A_281] {strides = array<i32>} : memref<480x128xf32, #tpu.memory_space<vmem>>, vector<16xf32>,
          tpu.vector_store %swap3A_279[%swap3A_280, %swap3A_281], %get3A_275 {strides = array<i32>} : memref<480x128xf32, #tpu.memory_space<vmem>>, vector<16xf32>,
          %get3A_283 = arith.constant 1 : i32
          %get3A_284 = arith.index_cast %get3A_283 : i32 to index
          %get3A_285 = arith.constant 112 : index
          %get3A_286 = tpu.vector_load %arg7[%get3A_284, %get3A_285] {strides = array<i32>} : memref<2x128xf32, #tpu.memory_space<vmem>>, vector<16xf32>,
          %swap3A_287 = arith.constant 0 : i32
          %swap3A_288 = arith.constant 0 : i32
          %swap3A_289 = tpu.memref_slice %arg6[%cond3A_180, %swap3A_287, %swap3A_288] : memref<2x480x128xf32, #tpu.memory_space<vmem>> -> memref<1x480x128xf32, #tpu.memory_space<vmem>>
          %swap3A_290 = tpu.memref_squeeze %swap3A_289 : memref<1x480x128xf32, #tpu.memory_space<vmem>> -> memref<480x128xf32, #tpu.memory_space<vmem>>
          %swap3A_291 = arith.index_cast %sub3A_173 : i32 to index
          %swap3A_292 = arith.constant 112 : index
          %swap3A_293 = tpu.vector_load %swap3A_290[%swap3A_291, %swap3A_292] {strides = array<i32>} : memref<480x128xf32, #tpu.memory_space<vmem>>, vector<16xf32>,
          tpu.vector_store %swap3A_290[%swap3A_291, %swap3A_292], %get3A_286 {strides = array<i32>} : memref<480x128xf32, #tpu.memory_space<vmem>>, vector<16xf32>,
        } else {
        }
        %parallel_loop3A = arith.constant 0 : i32
        %parallel_loop3A_183 = arith.constant 480 : i32
        %parallel_loop3A_184 = arith.constant 1 : i32
        %parallel_loop3A_185 = arith.constant 0 : i32
        scf.for %parallel_loop3A_207 = %parallel_loop3A to %parallel_loop3A_183 step %parallel_loop3A_184  : i32 {
          %parallel_loop3A_208 = arith.constant 0 : i32
          %parallel_loop3A_209 = arith.constant 0 : i32
          %parallel_loop3A_210 = tpu.memref_slice %arg6[%parallel_loop3A_185, %parallel_loop3A_208, %parallel_loop3A_209] : memref<2x480x128xf32, #tpu.memory_space<vmem>> -> memref<1x480x128xf32, #tpu.memory_space<vmem>>
          %parallel_loop3A_211 = tpu.memref_squeeze %parallel_loop3A_210 : memref<1x480x128xf32, #tpu.memory_space<vmem>> -> memref<480x128xf32, #tpu.memory_space<vmem>>
          %parallel_loop3A_212 = arith.index_cast %parallel_loop3A_207 : i32 to index
          %parallel_loop3A_213 = arith.constant 0 : index
          %parallel_loop3A_214 = tpu.vector_load %parallel_loop3A_211[%parallel_loop3A_212, %parallel_loop3A_213] {strides = array<i32>} : memref<480x128xf32, #tpu.memory_space<vmem>>, vector<16xf32>,
          %parallel_loop3A_215 = arith.constant 0 : i32
          %parallel_loop3A_216 = arith.constant 0 : i32
          %parallel_loop3A_217 = tpu.memref_slice %arg6[%parallel_loop3A_185, %parallel_loop3A_215, %parallel_loop3A_216] : memref<2x480x128xf32, #tpu.memory_space<vmem>> -> memref<1x480x128xf32, #tpu.memory_space<vmem>>
          %parallel_loop3A_218 = tpu.memref_squeeze %parallel_loop3A_217 : memref<1x480x128xf32, #tpu.memory_space<vmem>> -> memref<480x128xf32, #tpu.memory_space<vmem>>
          %parallel_loop3A_219 = arith.index_cast %parallel_loop3A_207 : i32 to index
          %parallel_loop3A_220 = arith.constant 16 : index
          %parallel_loop3A_221 = tpu.vector_load %parallel_loop3A_218[%parallel_loop3A_219, %parallel_loop3A_220] {strides = array<i32>} : memref<480x128xf32, #tpu.memory_space<vmem>>, vector<16xf32>,
          %parallel_loop3A_222 = arith.constant 0 : i32
          %parallel_loop3A_223 = arith.constant 0 : i32
          %parallel_loop3A_224 = tpu.memref_slice %arg6[%parallel_loop3A_185, %parallel_loop3A_222, %parallel_loop3A_223] : memref<2x480x128xf32, #tpu.memory_space<vmem>> -> memref<1x480x128xf32, #tpu.memory_space<vmem>>
          %parallel_loop3A_225 = tpu.memref_squeeze %parallel_loop3A_224 : memref<1x480x128xf32, #tpu.memory_space<vmem>> -> memref<480x128xf32, #tpu.memory_space<vmem>>
          %parallel_loop3A_226 = arith.index_cast %parallel_loop3A_207 : i32 to index
          %parallel_loop3A_227 = arith.constant 32 : index
          %parallel_loop3A_228 = tpu.vector_load %parallel_loop3A_225[%parallel_loop3A_226, %parallel_loop3A_227] {strides = array<i32>} : memref<480x128xf32, #tpu.memory_space<vmem>>, vector<16xf32>,
          %parallel_loop3A_229 = arith.constant 0 : i32
          %parallel_loop3A_230 = arith.constant 0 : i32
          %parallel_loop3A_231 = tpu.memref_slice %arg6[%parallel_loop3A_185, %parallel_loop3A_229, %parallel_loop3A_230] : memref<2x480x128xf32, #tpu.memory_space<vmem>> -> memref<1x480x128xf32, #tpu.memory_space<vmem>>
          %parallel_loop3A_232 = tpu.memref_squeeze %parallel_loop3A_231 : memref<1x480x128xf32, #tpu.memory_space<vmem>> -> memref<480x128xf32, #tpu.memory_space<vmem>>
          %parallel_loop3A_233 = arith.index_cast %parallel_loop3A_207 : i32 to index
          %parallel_loop3A_234 = arith.constant 48 : index
          %parallel_loop3A_235 = tpu.vector_load %parallel_loop3A_232[%parallel_loop3A_233, %parallel_loop3A_234] {strides = array<i32>} : memref<480x128xf32, #tpu.memory_space<vmem>>, vector<16xf32>,
          %parallel_loop3A_236 = arith.constant 0 : i32
          %parallel_loop3A_237 = arith.constant 0 : i32
          %parallel_loop3A_238 = tpu.memref_slice %arg6[%parallel_loop3A_185, %parallel_loop3A_236, %parallel_loop3A_237] : memref<2x480x128xf32, #tpu.memory_space<vmem>> -> memref<1x480x128xf32, #tpu.memory_space<vmem>>
          %parallel_loop3A_239 = tpu.memref_squeeze %parallel_loop3A_238 : memref<1x480x128xf32, #tpu.memory_space<vmem>> -> memref<480x128xf32, #tpu.memory_space<vmem>>
          %parallel_loop3A_240 = arith.index_cast %parallel_loop3A_207 : i32 to index
          %parallel_loop3A_241 = arith.constant 64 : index
          %parallel_loop3A_242 = tpu.vector_load %parallel_loop3A_239[%parallel_loop3A_240, %parallel_loop3A_241] {strides = array<i32>} : memref<480x128xf32, #tpu.memory_space<vmem>>, vector<16xf32>,
          %parallel_loop3A_243 = arith.constant 0 : i32
          %parallel_loop3A_244 = arith.constant 0 : i32
          %parallel_loop3A_245 = tpu.memref_slice %arg6[%parallel_loop3A_185, %parallel_loop3A_243, %parallel_loop3A_244] : memref<2x480x128xf32, #tpu.memory_space<vmem>> -> memref<1x480x128xf32, #tpu.memory_space<vmem>>
          %parallel_loop3A_246 = tpu.memref_squeeze %parallel_loop3A_245 : memref<1x480x128xf32, #tpu.memory_space<vmem>> -> memref<480x128xf32, #tpu.memory_space<vmem>>
          %parallel_loop3A_247 = arith.index_cast %parallel_loop3A_207 : i32 to index
          %parallel_loop3A_248 = arith.constant 80 : index
          %parallel_loop3A_249 = tpu.vector_load %parallel_loop3A_246[%parallel_loop3A_247, %parallel_loop3A_248] {strides = array<i32>} : memref<480x128xf32, #tpu.memory_space<vmem>>, vector<16xf32>,
          %parallel_loop3A_250 = arith.constant 0 : i32
          %parallel_loop3A_251 = arith.constant 0 : i32
          %parallel_loop3A_252 = tpu.memref_slice %arg6[%parallel_loop3A_185, %parallel_loop3A_250, %parallel_loop3A_251] : memref<2x480x128xf32, #tpu.memory_space<vmem>> -> memref<1x480x128xf32, #tpu.memory_space<vmem>>
          %parallel_loop3A_253 = tpu.memref_squeeze %parallel_loop3A_252 : memref<1x480x128xf32, #tpu.memory_space<vmem>> -> memref<480x128xf32, #tpu.memory_space<vmem>>
          %parallel_loop3A_254 = arith.index_cast %parallel_loop3A_207 : i32 to index
          %parallel_loop3A_255 = arith.constant 96 : index
          %parallel_loop3A_256 = tpu.vector_load %parallel_loop3A_253[%parallel_loop3A_254, %parallel_loop3A_255] {strides = array<i32>} : memref<480x128xf32, #tpu.memory_space<vmem>>, vector<16xf32>,
          %parallel_loop3A_257 = arith.constant 0 : i32
          %parallel_loop3A_258 = arith.constant 0 : i32
          %parallel_loop3A_259 = tpu.memref_slice %arg6[%parallel_loop3A_185, %parallel_loop3A_257, %parallel_loop3A_258] : memref<2x480x128xf32, #tpu.memory_space<vmem>> -> memref<1x480x128xf32, #tpu.memory_space<vmem>>
          %parallel_loop3A_260 = tpu.memref_squeeze %parallel_loop3A_259 : memref<1x480x128xf32, #tpu.memory_space<vmem>> -> memref<480x128xf32, #tpu.memory_space<vmem>>
          %parallel_loop3A_261 = arith.index_cast %parallel_loop3A_207 : i32 to index
          %parallel_loop3A_262 = arith.constant 112 : index
          %parallel_loop3A_263 = tpu.vector_load %parallel_loop3A_260[%parallel_loop3A_261, %parallel_loop3A_262] {strides = array<i32>} : memref<480x128xf32, #tpu.memory_space<vmem>>, vector<16xf32>,
          %parallel_loop3A_264 = arith.mulf %parallel_loop3A_214, %parallel_loop3A_214 : vector<16xf32>
          %parallel_loop3A_265 = arith.mulf %parallel_loop3A_221, %parallel_loop3A_221 : vector<16xf32>
          %parallel_loop3A_266 = arith.addf %parallel_loop3A_264, %parallel_loop3A_265 : vector<16xf32>
          %parallel_loop3A_267 = arith.mulf %parallel_loop3A_228, %parallel_loop3A_228 : vector<16xf32>
          %parallel_loop3A_268 = arith.addf %parallel_loop3A_266, %parallel_loop3A_267 : vector<16xf32>
          %parallel_loop3A_269 = arith.mulf %parallel_loop3A_235, %parallel_loop3A_235 : vector<16xf32>
          %parallel_loop3A_270 = arith.addf %parallel_loop3A_268, %parallel_loop3A_269 : vector<16xf32>
          %parallel_loop3A_271 = arith.mulf %parallel_loop3A_242, %parallel_loop3A_242 : vector<16xf32>
          %parallel_loop3A_272 = arith.addf %parallel_loop3A_270, %parallel_loop3A_271 : vector<16xf32>
          %parallel_loop3A_273 = arith.mulf %parallel_loop3A_249, %parallel_loop3A_249 : vector<16xf32>
          %parallel_loop3A_274 = arith.addf %parallel_loop3A_272, %parallel_loop3A_273 : vector<16xf32>
          %parallel_loop3A_275 = arith.mulf %parallel_loop3A_256, %parallel_loop3A_256 : vector<16xf32>
          %parallel_loop3A_276 = arith.addf %parallel_loop3A_274, %parallel_loop3A_275 : vector<16xf32>
          %parallel_loop3A_277 = arith.mulf %parallel_loop3A_263, %parallel_loop3A_263 : vector<16xf32>
          %parallel_loop3A_278 = arith.addf %parallel_loop3A_276, %parallel_loop3A_277 : vector<16xf32>
          %parallel_loop3A_279 = arith.constant true
          %parallel_loop3A_280 = vector.broadcast %parallel_loop3A_279 : i1 to vector<16xi1>
          %parallel_loop3A_281 = tpu.scan <sum>, %parallel_loop3A_278 masked %parallel_loop3A_280 : vector<16xf32>, vector<16xi1> -> vector<16xf32>
          %parallel_loop3A_282 = vector.extract %parallel_loop3A_281[15] : f32 from vector<16xf32>
          %parallel_loop3A_283 = arith.bitcast %parallel_loop3A_282 : f32 to i32
          %parallel_loop3A_284 = arith.constant 1 : i32
          %parallel_loop3A_285 = arith.shrui %parallel_loop3A_283, %parallel_loop3A_284 : i32
          %parallel_loop3A_286 = arith.constant 1597463007 : i32
          %parallel_loop3A_287 = arith.subi %parallel_loop3A_286, %parallel_loop3A_285 : i32
          %parallel_loop3A_288 = arith.bitcast %parallel_loop3A_287 : i32 to f32
          %parallel_loop3A_289 = arith.constant 5.000000e-01 : f32
          %parallel_loop3A_290 = arith.mulf %parallel_loop3A_282, %parallel_loop3A_289 : f32
          %parallel_loop3A_291 = arith.mulf %parallel_loop3A_290, %parallel_loop3A_288 : f32
          %parallel_loop3A_292 = arith.mulf %parallel_loop3A_291, %parallel_loop3A_288 : f32
          %parallel_loop3A_293 = arith.constant 1.500000e+00 : f32
          %parallel_loop3A_294 = arith.subf %parallel_loop3A_293, %parallel_loop3A_292 : f32
          %parallel_loop3A_295 = arith.mulf %parallel_loop3A_288, %parallel_loop3A_294 : f32
          %parallel_loop3A_296 = arith.mulf %parallel_loop3A_290, %parallel_loop3A_295 : f32
          %parallel_loop3A_297 = arith.mulf %parallel_loop3A_296, %parallel_loop3A_295 : f32
          %parallel_loop3A_298 = arith.constant 1.500000e+00 : f32
          %parallel_loop3A_299 = arith.subf %parallel_loop3A_298, %parallel_loop3A_297 : f32
          %parallel_loop3A_300 = arith.mulf %parallel_loop3A_295, %parallel_loop3A_299 : f32
          %parallel_loop3A_301 = arith.mulf %parallel_loop3A_282, %parallel_loop3A_300 : f32
          %parallel_loop3A_302 = arith.constant 9.99999996E-13 : f32
          %parallel_loop3A_303 = arith.cmpf ogt, %parallel_loop3A_301, %parallel_loop3A_302 : f32
          %parallel_loop3A_304 = arith.constant 9.99999995E+11 : f32
          %parallel_loop3A_305 = arith.select %parallel_loop3A_303, %parallel_loop3A_300, %parallel_loop3A_304 : f32
          %parallel_loop3A_306 = vector.broadcast %parallel_loop3A_305 : f32 to vector<16xf32>
          %parallel_loop3A_307 = arith.mulf %parallel_loop3A_214, %parallel_loop3A_306 : vector<16xf32>
          %parallel_loop3A_308 = arith.constant 0 : i32
          %parallel_loop3A_309 = arith.constant 0 : i32
          %parallel_loop3A_310 = tpu.memref_slice %arg6[%parallel_loop3A_185, %parallel_loop3A_308, %parallel_loop3A_309] : memref<2x480x128xf32, #tpu.memory_space<vmem>> -> memref<1x480x128xf32, #tpu.memory_space<vmem>>
          %parallel_loop3A_311 = tpu.memref_squeeze %parallel_loop3A_310 : memref<1x480x128xf32, #tpu.memory_space<vmem>> -> memref<480x128xf32, #tpu.memory_space<vmem>>
          %parallel_loop3A_312 = arith.index_cast %parallel_loop3A_207 : i32 to index
          %parallel_loop3A_313 = arith.constant 0 : index
          %parallel_loop3A_314 = tpu.vector_load %parallel_loop3A_311[%parallel_loop3A_312, %parallel_loop3A_313] {strides = array<i32>} : memref<480x128xf32, #tpu.memory_space<vmem>>, vector<16xf32>,
          tpu.vector_store %parallel_loop3A_311[%parallel_loop3A_312, %parallel_loop3A_313], %parallel_loop3A_307 {strides = array<i32>} : memref<480x128xf32, #tpu.memory_space<vmem>>, vector<16xf32>,
          %parallel_loop3A_315 = arith.mulf %parallel_loop3A_221, %parallel_loop3A_306 : vector<16xf32>
          %parallel_loop3A_316 = arith.constant 0 : i32
          %parallel_loop3A_317 = arith.constant 0 : i32
          %parallel_loop3A_318 = tpu.memref_slice %arg6[%parallel_loop3A_185, %parallel_loop3A_316, %parallel_loop3A_317] : memref<2x480x128xf32, #tpu.memory_space<vmem>> -> memref<1x480x128xf32, #tpu.memory_space<vmem>>
          %parallel_loop3A_319 = tpu.memref_squeeze %parallel_loop3A_318 : memref<1x480x128xf32, #tpu.memory_space<vmem>> -> memref<480x128xf32, #tpu.memory_space<vmem>>
          %parallel_loop3A_320 = arith.index_cast %parallel_loop3A_207 : i32 to index
          %parallel_loop3A_321 = arith.constant 16 : index
          %parallel_loop3A_322 = tpu.vector_load %parallel_loop3A_319[%parallel_loop3A_320, %parallel_loop3A_321] {strides = array<i32>} : memref<480x128xf32, #tpu.memory_space<vmem>>, vector<16xf32>,
          tpu.vector_store %parallel_loop3A_319[%parallel_loop3A_320, %parallel_loop3A_321], %parallel_loop3A_315 {strides = array<i32>} : memref<480x128xf32, #tpu.memory_space<vmem>>, vector<16xf32>,
          %parallel_loop3A_323 = arith.mulf %parallel_loop3A_228, %parallel_loop3A_306 : vector<16xf32>
          %parallel_loop3A_324 = arith.constant 0 : i32
          %parallel_loop3A_325 = arith.constant 0 : i32
          %parallel_loop3A_326 = tpu.memref_slice %arg6[%parallel_loop3A_185, %parallel_loop3A_324, %parallel_loop3A_325] : memref<2x480x128xf32, #tpu.memory_space<vmem>> -> memref<1x480x128xf32, #tpu.memory_space<vmem>>
          %parallel_loop3A_327 = tpu.memref_squeeze %parallel_loop3A_326 : memref<1x480x128xf32, #tpu.memory_space<vmem>> -> memref<480x128xf32, #tpu.memory_space<vmem>>
          %parallel_loop3A_328 = arith.index_cast %parallel_loop3A_207 : i32 to index
          %parallel_loop3A_329 = arith.constant 32 : index
          %parallel_loop3A_330 = tpu.vector_load %parallel_loop3A_327[%parallel_loop3A_328, %parallel_loop3A_329] {strides = array<i32>} : memref<480x128xf32, #tpu.memory_space<vmem>>, vector<16xf32>,
          tpu.vector_store %parallel_loop3A_327[%parallel_loop3A_328, %parallel_loop3A_329], %parallel_loop3A_323 {strides = array<i32>} : memref<480x128xf32, #tpu.memory_space<vmem>>, vector<16xf32>,
          %parallel_loop3A_331 = arith.mulf %parallel_loop3A_235, %parallel_loop3A_306 : vector<16xf32>
          %parallel_loop3A_332 = arith.constant 0 : i32
          %parallel_loop3A_333 = arith.constant 0 : i32
          %parallel_loop3A_334 = tpu.memref_slice %arg6[%parallel_loop3A_185, %parallel_loop3A_332, %parallel_loop3A_333] : memref<2x480x128xf32, #tpu.memory_space<vmem>> -> memref<1x480x128xf32, #tpu.memory_space<vmem>>
          %parallel_loop3A_335 = tpu.memref_squeeze %parallel_loop3A_334 : memref<1x480x128xf32, #tpu.memory_space<vmem>> -> memref<480x128xf32, #tpu.memory_space<vmem>>
          %parallel_loop3A_336 = arith.index_cast %parallel_loop3A_207 : i32 to index
          %parallel_loop3A_337 = arith.constant 48 : index
          %parallel_loop3A_338 = tpu.vector_load %parallel_loop3A_335[%parallel_loop3A_336, %parallel_loop3A_337] {strides = array<i32>} : memref<480x128xf32, #tpu.memory_space<vmem>>, vector<16xf32>,
          tpu.vector_store %parallel_loop3A_335[%parallel_loop3A_336, %parallel_loop3A_337], %parallel_loop3A_331 {strides = array<i32>} : memref<480x128xf32, #tpu.memory_space<vmem>>, vector<16xf32>,
          %parallel_loop3A_339 = arith.mulf %parallel_loop3A_242, %parallel_loop3A_306 : vector<16xf32>
          %parallel_loop3A_340 = arith.constant 0 : i32
          %parallel_loop3A_341 = arith.constant 0 : i32
          %parallel_loop3A_342 = tpu.memref_slice %arg6[%parallel_loop3A_185, %parallel_loop3A_340, %parallel_loop3A_341] : memref<2x480x128xf32, #tpu.memory_space<vmem>> -> memref<1x480x128xf32, #tpu.memory_space<vmem>>
          %parallel_loop3A_343 = tpu.memref_squeeze %parallel_loop3A_342 : memref<1x480x128xf32, #tpu.memory_space<vmem>> -> memref<480x128xf32, #tpu.memory_space<vmem>>
          %parallel_loop3A_344 = arith.index_cast %parallel_loop3A_207 : i32 to index
          %parallel_loop3A_345 = arith.constant 64 : index
          %parallel_loop3A_346 = tpu.vector_load %parallel_loop3A_343[%parallel_loop3A_344, %parallel_loop3A_345] {strides = array<i32>} : memref<480x128xf32, #tpu.memory_space<vmem>>, vector<16xf32>,
          tpu.vector_store %parallel_loop3A_343[%parallel_loop3A_344, %parallel_loop3A_345], %parallel_loop3A_339 {strides = array<i32>} : memref<480x128xf32, #tpu.memory_space<vmem>>, vector<16xf32>,
          %parallel_loop3A_347 = arith.mulf %parallel_loop3A_249, %parallel_loop3A_306 : vector<16xf32>
          %parallel_loop3A_348 = arith.constant 0 : i32
          %parallel_loop3A_349 = arith.constant 0 : i32
          %parallel_loop3A_350 = tpu.memref_slice %arg6[%parallel_loop3A_185, %parallel_loop3A_348, %parallel_loop3A_349] : memref<2x480x128xf32, #tpu.memory_space<vmem>> -> memref<1x480x128xf32, #tpu.memory_space<vmem>>
          %parallel_loop3A_351 = tpu.memref_squeeze %parallel_loop3A_350 : memref<1x480x128xf32, #tpu.memory_space<vmem>> -> memref<480x128xf32, #tpu.memory_space<vmem>>
          %parallel_loop3A_352 = arith.index_cast %parallel_loop3A_207 : i32 to index
          %parallel_loop3A_353 = arith.constant 80 : index
          %parallel_loop3A_354 = tpu.vector_load %parallel_loop3A_351[%parallel_loop3A_352, %parallel_loop3A_353] {strides = array<i32>} : memref<480x128xf32, #tpu.memory_space<vmem>>, vector<16xf32>,
          tpu.vector_store %parallel_loop3A_351[%parallel_loop3A_352, %parallel_loop3A_353], %parallel_loop3A_347 {strides = array<i32>} : memref<480x128xf32, #tpu.memory_space<vmem>>, vector<16xf32>,
          %parallel_loop3A_355 = arith.mulf %parallel_loop3A_256, %parallel_loop3A_306 : vector<16xf32>
          %parallel_loop3A_356 = arith.constant 0 : i32
          %parallel_loop3A_357 = arith.constant 0 : i32
          %parallel_loop3A_358 = tpu.memref_slice %arg6[%parallel_loop3A_185, %parallel_loop3A_356, %parallel_loop3A_357] : memref<2x480x128xf32, #tpu.memory_space<vmem>> -> memref<1x480x128xf32, #tpu.memory_space<vmem>>
          %parallel_loop3A_359 = tpu.memref_squeeze %parallel_loop3A_358 : memref<1x480x128xf32, #tpu.memory_space<vmem>> -> memref<480x128xf32, #tpu.memory_space<vmem>>
          %parallel_loop3A_360 = arith.index_cast %parallel_loop3A_207 : i32 to index
          %parallel_loop3A_361 = arith.constant 96 : index
          %parallel_loop3A_362 = tpu.vector_load %parallel_loop3A_359[%parallel_loop3A_360, %parallel_loop3A_361] {strides = array<i32>} : memref<480x128xf32, #tpu.memory_space<vmem>>, vector<16xf32>,
          tpu.vector_store %parallel_loop3A_359[%parallel_loop3A_360, %parallel_loop3A_361], %parallel_loop3A_355 {strides = array<i32>} : memref<480x128xf32, #tpu.memory_space<vmem>>, vector<16xf32>,
          %parallel_loop3A_363 = arith.mulf %parallel_loop3A_263, %parallel_loop3A_306 : vector<16xf32>
          %parallel_loop3A_364 = arith.constant 0 : i32
          %parallel_loop3A_365 = arith.constant 0 : i32
          %parallel_loop3A_366 = tpu.memref_slice %arg6[%parallel_loop3A_185, %parallel_loop3A_364, %parallel_loop3A_365] : memref<2x480x128xf32, #tpu.memory_space<vmem>> -> memref<1x480x128xf32, #tpu.memory_space<vmem>>
          %parallel_loop3A_367 = tpu.memref_squeeze %parallel_loop3A_366 : memref<1x480x128xf32, #tpu.memory_space<vmem>> -> memref<480x128xf32, #tpu.memory_space<vmem>>
          %parallel_loop3A_368 = arith.index_cast %parallel_loop3A_207 : i32 to index
          %parallel_loop3A_369 = arith.constant 112 : index
          %parallel_loop3A_370 = tpu.vector_load %parallel_loop3A_367[%parallel_loop3A_368, %parallel_loop3A_369] {strides = array<i32>} : memref<480x128xf32, #tpu.memory_space<vmem>>, vector<16xf32>,
          tpu.vector_store %parallel_loop3A_367[%parallel_loop3A_368, %parallel_loop3A_369], %parallel_loop3A_363 {strides = array<i32>} : memref<480x128xf32, #tpu.memory_space<vmem>>, vector<16xf32>,
        } {sc.loop_unroll_factor = 2 : i64, sc.parallel_access}
        %mul3A_186 = arith.constant 32 : i32
        %mul3A_187 = arith.muli %mul3A_186, %add3A_119 : i32
        %add3A_188 = arith.addi %add3A, %mul3A_187 : i32
        %mul3A_189 = arith.constant 480 : i32
        %mul3A_190 = arith.muli %add3A_188, %mul3A_189 : i32
        %dma_start3A_191 = arith.constant 0 : i32
        %dma_start3A_192 = arith.constant 0 : i32
        %dma_start3A_193 = arith.constant 0 : i32
        %dma_start3A_194 = arith.constant 0 : i32
        %dma_start3A_195 = tpu.memref_slice %arg6[%dma_start3A_191, %dma_start3A_193, %dma_start3A_194] : memref<2x480x128xf32, #tpu.memory_space<vmem>> -> memref<1x480x128xf32, #tpu.memory_space<vmem>>
        %dma_start3A_196 = tpu.memref_squeeze %dma_start3A_195 : memref<1x480x128xf32, #tpu.memory_space<vmem>> -> memref<480x128xf32, #tpu.memory_space<vmem>>
        %dma_start3A_197 = arith.constant 0 : i32
        %dma_start3A_198 = tpu.memref_slice %arg5[%mul3A_190, %dma_start3A_197] : memref<300000x128xf32, #tpu.memory_space<hbm>> -> memref<480x128xf32, #tpu.memory_space<hbm>>
        %dma_start3A_199 = tpu.memref_slice %arg10[%dma_start3A_192] : memref<2x!tpu.dma_semaphore, #tpu.memory_space<semaphore_mem>> -> memref<1x!tpu.dma_semaphore, #tpu.memory_space<semaphore_mem>>
        %dma_start3A_200 = tpu.memref_squeeze %dma_start3A_199 : memref<1x!tpu.dma_semaphore, #tpu.memory_space<semaphore_mem>> -> memref<!tpu.dma_semaphore, #tpu.memory_space<semaphore_mem>>
        %dma_start3A_201 = arith.constant 0 : i32
        %dma_start3A_202 = tpu.memref_slice %arg5[%mul3A_190, %dma_start3A_201] : memref<300000x128xf32, #tpu.memory_space<hbm>> -> memref<480x128xf32, #tpu.memory_space<hbm>>
        %dma_start3A_203 = arith.constant 0 : i32
        %dma_start3A_204 = arith.constant 0 : i32
        %dma_start3A_205 = tpu.memref_slice %arg6[%dma_start3A_191, %dma_start3A_203, %dma_start3A_204] : memref<2x480x128xf32, #tpu.memory_space<vmem>> -> memref<1x480x128xf32, #tpu.memory_space<vmem>>
        %dma_start3A_206 = tpu.memref_squeeze %dma_start3A_205 : memref<1x480x128xf32, #tpu.memory_space<vmem>> -> memref<480x128xf32, #tpu.memory_space<vmem>>
        tpu.enqueue_dma source(%dma_start3A_206 : memref<480x128xf32, #tpu.memory_space<vmem>>) target(%dma_start3A_202 : memref<480x128xf32, #tpu.memory_space<hbm>>) target_semaphore(%dma_start3A_200 : memref<!tpu.dma_semaphore, #tpu.memory_space<semaphore_mem>>)
      } else {
      }
      %mul3A_121 = arith.constant 2 : i32
      %mul3A_122 = arith.muli %mul3A_121, %while3A_115 : i32
      %add3A_123 = arith.constant 1 : i32
      %add3A_124 = arith.addi %mul3A_122, %add3A_123 : i32
      %lt3A_125 = arith.cmpi slt, %add3A_124, %select_n3A : i32
      %convert_element_type3A_126 = arith.extui %lt3A_125 : i1 to i32
      %cond3A_127 = arith.constant 0 : i32
      %cond3A_128 = arith.cmpi ne, %convert_element_type3A_126, %cond3A_127 : i32
      scf.if %cond3A_128 {
        %dma_wait3A_129 = arith.constant 1 : i32
        %dma_wait3A_130 = arith.constant 1 : i32
        %dma_wait3A_131 = arith.constant 0 : i32
        %dma_wait3A_132 = arith.constant 0 : i32
        %dma_wait3A_133 = tpu.memref_slice %arg6[%dma_wait3A_129, %dma_wait3A_131, %dma_wait3A_132] : memref<2x480x128xf32, #tpu.memory_space<vmem>> -> memref<1x480x128xf32, #tpu.memory_space<vmem>>
        %dma_wait3A_134 = tpu.memref_squeeze %dma_wait3A_133 : memref<1x480x128xf32, #tpu.memory_space<vmem>> -> memref<480x128xf32, #tpu.memory_space<vmem>>
        %dma_wait3A_135 = arith.constant 0 : i32
        %dma_wait3A_136 = arith.constant 0 : i32
        %dma_wait3A_137 = tpu.memref_slice %arg4[%dma_wait3A_135, %dma_wait3A_136] : memref<300000x128xf32, #tpu.memory_space<hbm>> -> memref<480x128xf32, #tpu.memory_space<hbm>>
        %dma_wait3A_138 = tpu.memref_slice %arg9[%dma_wait3A_130] : memref<2x!tpu.dma_semaphore, #tpu.memory_space<semaphore_mem>> -> memref<1x!tpu.dma_semaphore, #tpu.memory_space<semaphore_mem>>
        %dma_wait3A_139 = tpu.memref_squeeze %dma_wait3A_138 : memref<1x!tpu.dma_semaphore, #tpu.memory_space<semaphore_mem>> -> memref<!tpu.dma_semaphore, #tpu.memory_space<semaphore_mem>>
        %dma_wait3A_140 = arith.constant 0 : i32
        %dma_wait3A_141 = arith.constant 0 : i32
        %dma_wait3A_142 = tpu.memref_slice %arg6[%dma_wait3A_129, %dma_wait3A_140, %dma_wait3A_141] : memref<2x480x128xf32, #tpu.memory_space<vmem>> -> memref<1x480x128xf32, #tpu.memory_space<vmem>>
        %dma_wait3A_143 = tpu.memref_squeeze %dma_wait3A_142 : memref<1x480x128xf32, #tpu.memory_space<vmem>> -> memref<480x128xf32, #tpu.memory_space<vmem>>
        %dma_wait3A_144 = arith.constant 0 : i32
        %dma_wait3A_145 = arith.constant 0 : i32
        %dma_wait3A_146 = tpu.memref_slice %arg4[%dma_wait3A_144, %dma_wait3A_145] : memref<300000x128xf32, #tpu.memory_space<hbm>> -> memref<480x128xf32, #tpu.memory_space<hbm>>
        tpu.wait_dma2 semaphore(%dma_wait3A_139 : memref<!tpu.dma_semaphore, #tpu.memory_space<semaphore_mem>>) src(%dma_wait3A_146 : memref<480x128xf32, #tpu.memory_space<hbm>>) dst(%dma_wait3A_143 : memref<480x128xf32, #tpu.memory_space<vmem>>)
        %add3A_147 = arith.constant 2 : i32
        %add3A_148 = arith.addi %add3A_124, %add3A_147 : i32
        %sub3A_149 = arith.constant 1 : i32
        %sub3A_150 = arith.subi %add3A_148, %sub3A_149 : i32
        %lt3A_151 = arith.cmpi slt, %sub3A_150, %select_n3A : i32
        %convert_element_type3A_152 = arith.extui %lt3A_151 : i1 to i32
        %cond3A_153 = arith.constant 0 : i32
        %cond3A_154 = arith.cmpi ne, %convert_element_type3A_152, %cond3A_153 : i32
        scf.if %cond3A_154 {
          %ge3A_207 = arith.constant 1 : i32
          %ge3A_208 = arith.cmpi sge, %add3A_124, %ge3A_207 : i32
          %convert_element_type3A_209 = arith.extui %ge3A_208 : i1 to i32
          %cond3A_210 = arith.constant 0 : i32
          %cond3A_211 = arith.cmpi ne, %convert_element_type3A_209, %cond3A_210 : i32
          scf.if %cond3A_211 {
            %sub3A_246 = arith.constant 1 : i32
            %sub3A_247 = arith.subi %add3A_124, %sub3A_246 : i32
            %jit3A_248 = arith.constant 2 : i32
            %eq3A_249 = arith.constant 0 : i32
            %eq3A_250 = arith.cmpi eq, %jit3A_248, %eq3A_249 : i32
            %jit3A_251 = arith.constant 1 : i32
            %select_n3A_252 = arith.select %eq3A_250, %jit3A_251, %jit3A_248 : i32
            %rem3A_253 = arith.remsi %sub3A_247, %select_n3A_252 : i32
            %ne3A_254 = arith.constant 0 : i32
            %ne3A_255 = arith.cmpi ne, %rem3A_253, %ne3A_254 : i32
            %lt3A_256 = arith.constant 0 : i32
            %lt3A_257 = arith.cmpi slt, %rem3A_253, %lt3A_256 : i32
            %lt3A_258 = arith.constant 0 : i32
            %lt3A_259 = arith.cmpi slt, %select_n3A_252, %lt3A_258 : i32
            %ne3A_260 = arith.xori %lt3A_257, %lt3A_259 : i1
            %and3A_261 = arith.andi %ne3A_260, %ne3A_255 : i1
            %add3A_262 = arith.addi %rem3A_253, %select_n3A_252 : i32
            %select_n3A_263 = arith.select %and3A_261, %add3A_262, %rem3A_253 : i32
            %dma_wait3A_264 = arith.constant 0 : i32
            %dma_wait3A_265 = arith.constant 0 : i32
            %dma_wait3A_266 = tpu.memref_slice %arg6[%select_n3A_263, %dma_wait3A_264, %dma_wait3A_265] : memref<2x480x128xf32, #tpu.memory_space<vmem>> -> memref<1x480x128xf32, #tpu.memory_space<vmem>>
            %dma_wait3A_267 = tpu.memref_squeeze %dma_wait3A_266 : memref<1x480x128xf32, #tpu.memory_space<vmem>> -> memref<480x128xf32, #tpu.memory_space<vmem>>
            %dma_wait3A_268 = arith.constant 0 : i32
            %dma_wait3A_269 = arith.constant 0 : i32
            %dma_wait3A_270 = tpu.memref_slice %arg5[%dma_wait3A_268, %dma_wait3A_269] : memref<300000x128xf32, #tpu.memory_space<hbm>> -> memref<480x128xf32, #tpu.memory_space<hbm>>
            %dma_wait3A_271 = tpu.memref_slice %arg10[%select_n3A_263] : memref<2x!tpu.dma_semaphore, #tpu.memory_space<semaphore_mem>> -> memref<1x!tpu.dma_semaphore, #tpu.memory_space<semaphore_mem>>
            %dma_wait3A_272 = tpu.memref_squeeze %dma_wait3A_271 : memref<1x!tpu.dma_semaphore, #tpu.memory_space<semaphore_mem>> -> memref<!tpu.dma_semaphore, #tpu.memory_space<semaphore_mem>>
            %dma_wait3A_273 = arith.constant 0 : i32
            %dma_wait3A_274 = arith.constant 0 : i32
            %dma_wait3A_275 = tpu.memref_slice %arg5[%dma_wait3A_273, %dma_wait3A_274] : memref<300000x128xf32, #tpu.memory_space<hbm>> -> memref<480x128xf32, #tpu.memory_space<hbm>>
            %dma_wait3A_276 = arith.constant 0 : i32
            %dma_wait3A_277 = arith.constant 0 : i32
            %dma_wait3A_278 = tpu.memref_slice %arg6[%select_n3A_263, %dma_wait3A_276, %dma_wait3A_277] : memref<2x480x128xf32, #tpu.memory_space<vmem>> -> memref<1x480x128xf32, #tpu.memory_space<vmem>>
            %dma_wait3A_279 = tpu.memref_squeeze %dma_wait3A_278 : memref<1x480x128xf32, #tpu.memory_space<vmem>> -> memref<480x128xf32, #tpu.memory_space<vmem>>
            tpu.wait_dma2 semaphore(%dma_wait3A_272 : memref<!tpu.dma_semaphore, #tpu.memory_space<semaphore_mem>>) src(%dma_wait3A_279 : memref<480x128xf32, #tpu.memory_space<vmem>>) dst(%dma_wait3A_275 : memref<480x128xf32, #tpu.memory_space<hbm>>)
          } else {
          }
          %jit3A_212 = arith.constant 2 : i32
          %eq3A = arith.constant 0 : i32
          %eq3A_213 = arith.cmpi eq, %jit3A_212, %eq3A : i32
          %jit3A_214 = arith.constant 1 : i32
          %select_n3A_215 = arith.select %eq3A_213, %jit3A_214, %jit3A_212 : i32
          %rem3A_216 = arith.remsi %sub3A_150, %select_n3A_215 : i32
          %ne3A_217 = arith.constant 0 : i32
          %ne3A_218 = arith.cmpi ne, %rem3A_216, %ne3A_217 : i32
          %lt3A_219 = arith.constant 0 : i32
          %lt3A_220 = arith.cmpi slt, %rem3A_216, %lt3A_219 : i32
          %lt3A_221 = arith.constant 0 : i32
          %lt3A_222 = arith.cmpi slt, %select_n3A_215, %lt3A_221 : i32
          %ne3A_223 = arith.xori %lt3A_220, %lt3A_222 : i1
          %and3A_224 = arith.andi %ne3A_223, %ne3A_218 : i1
          %add3A_225 = arith.addi %rem3A_216, %select_n3A_215 : i32
          %select_n3A_226 = arith.select %and3A_224, %add3A_225, %rem3A_216 : i32
          %mul3A_227 = arith.constant 32 : i32
          %mul3A_228 = arith.muli %mul3A_227, %sub3A_150 : i32
          %add3A_229 = arith.addi %add3A, %mul3A_228 : i32
          %mul3A_230 = arith.constant 480 : i32
          %mul3A_231 = arith.muli %add3A_229, %mul3A_230 : i32
          %dma_start3A_232 = arith.constant 0 : i32
          %dma_start3A_233 = arith.constant 0 : i32
          %dma_start3A_234 = tpu.memref_slice %arg6[%select_n3A_226, %dma_start3A_232, %dma_start3A_233] : memref<2x480x128xf32, #tpu.memory_space<vmem>> -> memref<1x480x128xf32, #tpu.memory_space<vmem>>
          %dma_start3A_235 = tpu.memref_squeeze %dma_start3A_234 : memref<1x480x128xf32, #tpu.memory_space<vmem>> -> memref<480x128xf32, #tpu.memory_space<vmem>>
          %dma_start3A_236 = arith.constant 0 : i32
          %dma_start3A_237 = tpu.memref_slice %arg4[%mul3A_231, %dma_start3A_236] : memref<300000x128xf32, #tpu.memory_space<hbm>> -> memref<480x128xf32, #tpu.memory_space<hbm>>
          %dma_start3A_238 = tpu.memref_slice %arg9[%select_n3A_226] : memref<2x!tpu.dma_semaphore, #tpu.memory_space<semaphore_mem>> -> memref<1x!tpu.dma_semaphore, #tpu.memory_space<semaphore_mem>>
          %dma_start3A_239 = tpu.memref_squeeze %dma_start3A_238 : memref<1x!tpu.dma_semaphore, #tpu.memory_space<semaphore_mem>> -> memref<!tpu.dma_semaphore, #tpu.memory_space<semaphore_mem>>
          %dma_start3A_240 = arith.constant 0 : i32
          %dma_start3A_241 = arith.constant 0 : i32
          %dma_start3A_242 = tpu.memref_slice %arg6[%select_n3A_226, %dma_start3A_240, %dma_start3A_241] : memref<2x480x128xf32, #tpu.memory_space<vmem>> -> memref<1x480x128xf32, #tpu.memory_space<vmem>>
          %dma_start3A_243 = tpu.memref_squeeze %dma_start3A_242 : memref<1x480x128xf32, #tpu.memory_space<vmem>> -> memref<480x128xf32, #tpu.memory_space<vmem>>
          %dma_start3A_244 = arith.constant 0 : i32
          %dma_start3A_245 = tpu.memref_slice %arg4[%mul3A_231, %dma_start3A_244] : memref<300000x128xf32, #tpu.memory_space<hbm>> -> memref<480x128xf32, #tpu.memory_space<hbm>>
          tpu.enqueue_dma source(%dma_start3A_245 : memref<480x128xf32, #tpu.memory_space<hbm>>) target(%dma_start3A_243 : memref<480x128xf32, #tpu.memory_space<vmem>>) target_semaphore(%dma_start3A_239 : memref<!tpu.dma_semaphore, #tpu.memory_space<semaphore_mem>>)
        } else {
        }
        %mul3A_155 = arith.constant 32 : i32
        %mul3A_156 = arith.muli %mul3A_155, %add3A_124 : i32
        %add3A_157 = arith.addi %add3A, %mul3A_156 : i32
        %mul3A_158 = arith.constant 480 : i32
        %mul3A_159 = arith.muli %add3A_157, %mul3A_158 : i32
        %add3A_160 = arith.constant 0 : i32
        %add3A_161 = arith.addi %squeeze3A, %add3A_160 : i32
        %sub3A_162 = arith.subi %add3A_161, %mul3A_159 : i32
        %ge3A = arith.constant 0 : i32
        %ge3A_163 = arith.cmpi sge, %sub3A_162, %ge3A : i32
        %lt3A_164 = arith.constant 480 : i32
        %lt3A_165 = arith.cmpi slt, %sub3A_162, %lt3A_164 : i32
        %and3A_166 = arith.andi %ge3A_163, %lt3A_165 : i1
        %convert_element_type3A_167 = arith.extui %and3A_166 : i1 to i32
        %cond3A_168 = arith.constant 1 : i32
        %cond3A_169 = arith.constant 0 : i32
        %cond3A_170 = arith.cmpi ne, %convert_element_type3A_167, %cond3A_169 : i32
        scf.if %cond3A_170 {
          %get3A_207 = arith.constant 0 : i32
          %get3A_208 = arith.index_cast %get3A_207 : i32 to index
          %get3A_209 = arith.constant 0 : index
          %get3A_210 = tpu.vector_load %arg7[%get3A_208, %get3A_209] {strides = array<i32>} : memref<2x128xf32, #tpu.memory_space<vmem>>, vector<16xf32>,
          %swap3A = arith.constant 0 : i32
          %swap3A_211 = arith.constant 0 : i32
          %swap3A_212 = tpu.memref_slice %arg6[%cond3A_168, %swap3A, %swap3A_211] : memref<2x480x128xf32, #tpu.memory_space<vmem>> -> memref<1x480x128xf32, #tpu.memory_space<vmem>>
          %swap3A_213 = tpu.memref_squeeze %swap3A_212 : memref<1x480x128xf32, #tpu.memory_space<vmem>> -> memref<480x128xf32, #tpu.memory_space<vmem>>
          %swap3A_214 = arith.index_cast %sub3A_162 : i32 to index
          %swap3A_215 = arith.constant 0 : index
          %swap3A_216 = tpu.vector_load %swap3A_213[%swap3A_214, %swap3A_215] {strides = array<i32>} : memref<480x128xf32, #tpu.memory_space<vmem>>, vector<16xf32>,
          tpu.vector_store %swap3A_213[%swap3A_214, %swap3A_215], %get3A_210 {strides = array<i32>} : memref<480x128xf32, #tpu.memory_space<vmem>>, vector<16xf32>,
          %get3A_217 = arith.constant 0 : i32
          %get3A_218 = arith.index_cast %get3A_217 : i32 to index
          %get3A_219 = arith.constant 16 : index
          %get3A_220 = tpu.vector_load %arg7[%get3A_218, %get3A_219] {strides = array<i32>} : memref<2x128xf32, #tpu.memory_space<vmem>>, vector<16xf32>,
          %swap3A_221 = arith.constant 0 : i32
          %swap3A_222 = arith.constant 0 : i32
          %swap3A_223 = tpu.memref_slice %arg6[%cond3A_168, %swap3A_221, %swap3A_222] : memref<2x480x128xf32, #tpu.memory_space<vmem>> -> memref<1x480x128xf32, #tpu.memory_space<vmem>>
          %swap3A_224 = tpu.memref_squeeze %swap3A_223 : memref<1x480x128xf32, #tpu.memory_space<vmem>> -> memref<480x128xf32, #tpu.memory_space<vmem>>
          %swap3A_225 = arith.index_cast %sub3A_162 : i32 to index
          %swap3A_226 = arith.constant 16 : index
          %swap3A_227 = tpu.vector_load %swap3A_224[%swap3A_225, %swap3A_226] {strides = array<i32>} : memref<480x128xf32, #tpu.memory_space<vmem>>, vector<16xf32>,
          tpu.vector_store %swap3A_224[%swap3A_225, %swap3A_226], %get3A_220 {strides = array<i32>} : memref<480x128xf32, #tpu.memory_space<vmem>>, vector<16xf32>,
          %get3A_228 = arith.constant 0 : i32
          %get3A_229 = arith.index_cast %get3A_228 : i32 to index
          %get3A_230 = arith.constant 32 : index
          %get3A_231 = tpu.vector_load %arg7[%get3A_229, %get3A_230] {strides = array<i32>} : memref<2x128xf32, #tpu.memory_space<vmem>>, vector<16xf32>,
          %swap3A_232 = arith.constant 0 : i32
          %swap3A_233 = arith.constant 0 : i32
          %swap3A_234 = tpu.memref_slice %arg6[%cond3A_168, %swap3A_232, %swap3A_233] : memref<2x480x128xf32, #tpu.memory_space<vmem>> -> memref<1x480x128xf32, #tpu.memory_space<vmem>>
          %swap3A_235 = tpu.memref_squeeze %swap3A_234 : memref<1x480x128xf32, #tpu.memory_space<vmem>> -> memref<480x128xf32, #tpu.memory_space<vmem>>
          %swap3A_236 = arith.index_cast %sub3A_162 : i32 to index
          %swap3A_237 = arith.constant 32 : index
          %swap3A_238 = tpu.vector_load %swap3A_235[%swap3A_236, %swap3A_237] {strides = array<i32>} : memref<480x128xf32, #tpu.memory_space<vmem>>, vector<16xf32>,
          tpu.vector_store %swap3A_235[%swap3A_236, %swap3A_237], %get3A_231 {strides = array<i32>} : memref<480x128xf32, #tpu.memory_space<vmem>>, vector<16xf32>,
          %get3A_239 = arith.constant 0 : i32
          %get3A_240 = arith.index_cast %get3A_239 : i32 to index
          %get3A_241 = arith.constant 48 : index
          %get3A_242 = tpu.vector_load %arg7[%get3A_240, %get3A_241] {strides = array<i32>} : memref<2x128xf32, #tpu.memory_space<vmem>>, vector<16xf32>,
          %swap3A_243 = arith.constant 0 : i32
          %swap3A_244 = arith.constant 0 : i32
          %swap3A_245 = tpu.memref_slice %arg6[%cond3A_168, %swap3A_243, %swap3A_244] : memref<2x480x128xf32, #tpu.memory_space<vmem>> -> memref<1x480x128xf32, #tpu.memory_space<vmem>>
          %swap3A_246 = tpu.memref_squeeze %swap3A_245 : memref<1x480x128xf32, #tpu.memory_space<vmem>> -> memref<480x128xf32, #tpu.memory_space<vmem>>
          %swap3A_247 = arith.index_cast %sub3A_162 : i32 to index
          %swap3A_248 = arith.constant 48 : index
          %swap3A_249 = tpu.vector_load %swap3A_246[%swap3A_247, %swap3A_248] {strides = array<i32>} : memref<480x128xf32, #tpu.memory_space<vmem>>, vector<16xf32>,
          tpu.vector_store %swap3A_246[%swap3A_247, %swap3A_248], %get3A_242 {strides = array<i32>} : memref<480x128xf32, #tpu.memory_space<vmem>>, vector<16xf32>,
          %get3A_250 = arith.constant 0 : i32
          %get3A_251 = arith.index_cast %get3A_250 : i32 to index
          %get3A_252 = arith.constant 64 : index
          %get3A_253 = tpu.vector_load %arg7[%get3A_251, %get3A_252] {strides = array<i32>} : memref<2x128xf32, #tpu.memory_space<vmem>>, vector<16xf32>,
          %swap3A_254 = arith.constant 0 : i32
          %swap3A_255 = arith.constant 0 : i32
          %swap3A_256 = tpu.memref_slice %arg6[%cond3A_168, %swap3A_254, %swap3A_255] : memref<2x480x128xf32, #tpu.memory_space<vmem>> -> memref<1x480x128xf32, #tpu.memory_space<vmem>>
          %swap3A_257 = tpu.memref_squeeze %swap3A_256 : memref<1x480x128xf32, #tpu.memory_space<vmem>> -> memref<480x128xf32, #tpu.memory_space<vmem>>
          %swap3A_258 = arith.index_cast %sub3A_162 : i32 to index
          %swap3A_259 = arith.constant 64 : index
          %swap3A_260 = tpu.vector_load %swap3A_257[%swap3A_258, %swap3A_259] {strides = array<i32>} : memref<480x128xf32, #tpu.memory_space<vmem>>, vector<16xf32>,
          tpu.vector_store %swap3A_257[%swap3A_258, %swap3A_259], %get3A_253 {strides = array<i32>} : memref<480x128xf32, #tpu.memory_space<vmem>>, vector<16xf32>,
          %get3A_261 = arith.constant 0 : i32
          %get3A_262 = arith.index_cast %get3A_261 : i32 to index
          %get3A_263 = arith.constant 80 : index
          %get3A_264 = tpu.vector_load %arg7[%get3A_262, %get3A_263] {strides = array<i32>} : memref<2x128xf32, #tpu.memory_space<vmem>>, vector<16xf32>,
          %swap3A_265 = arith.constant 0 : i32
          %swap3A_266 = arith.constant 0 : i32
          %swap3A_267 = tpu.memref_slice %arg6[%cond3A_168, %swap3A_265, %swap3A_266] : memref<2x480x128xf32, #tpu.memory_space<vmem>> -> memref<1x480x128xf32, #tpu.memory_space<vmem>>
          %swap3A_268 = tpu.memref_squeeze %swap3A_267 : memref<1x480x128xf32, #tpu.memory_space<vmem>> -> memref<480x128xf32, #tpu.memory_space<vmem>>
          %swap3A_269 = arith.index_cast %sub3A_162 : i32 to index
          %swap3A_270 = arith.constant 80 : index
          %swap3A_271 = tpu.vector_load %swap3A_268[%swap3A_269, %swap3A_270] {strides = array<i32>} : memref<480x128xf32, #tpu.memory_space<vmem>>, vector<16xf32>,
          tpu.vector_store %swap3A_268[%swap3A_269, %swap3A_270], %get3A_264 {strides = array<i32>} : memref<480x128xf32, #tpu.memory_space<vmem>>, vector<16xf32>,
          %get3A_272 = arith.constant 0 : i32
          %get3A_273 = arith.index_cast %get3A_272 : i32 to index
          %get3A_274 = arith.constant 96 : index
          %get3A_275 = tpu.vector_load %arg7[%get3A_273, %get3A_274] {strides = array<i32>} : memref<2x128xf32, #tpu.memory_space<vmem>>, vector<16xf32>,
          %swap3A_276 = arith.constant 0 : i32
          %swap3A_277 = arith.constant 0 : i32
          %swap3A_278 = tpu.memref_slice %arg6[%cond3A_168, %swap3A_276, %swap3A_277] : memref<2x480x128xf32, #tpu.memory_space<vmem>> -> memref<1x480x128xf32, #tpu.memory_space<vmem>>
          %swap3A_279 = tpu.memref_squeeze %swap3A_278 : memref<1x480x128xf32, #tpu.memory_space<vmem>> -> memref<480x128xf32, #tpu.memory_space<vmem>>
          %swap3A_280 = arith.index_cast %sub3A_162 : i32 to index
          %swap3A_281 = arith.constant 96 : index
          %swap3A_282 = tpu.vector_load %swap3A_279[%swap3A_280, %swap3A_281] {strides = array<i32>} : memref<480x128xf32, #tpu.memory_space<vmem>>, vector<16xf32>,
          tpu.vector_store %swap3A_279[%swap3A_280, %swap3A_281], %get3A_275 {strides = array<i32>} : memref<480x128xf32, #tpu.memory_space<vmem>>, vector<16xf32>,
          %get3A_283 = arith.constant 0 : i32
          %get3A_284 = arith.index_cast %get3A_283 : i32 to index
          %get3A_285 = arith.constant 112 : index
          %get3A_286 = tpu.vector_load %arg7[%get3A_284, %get3A_285] {strides = array<i32>} : memref<2x128xf32, #tpu.memory_space<vmem>>, vector<16xf32>,
          %swap3A_287 = arith.constant 0 : i32
          %swap3A_288 = arith.constant 0 : i32
          %swap3A_289 = tpu.memref_slice %arg6[%cond3A_168, %swap3A_287, %swap3A_288] : memref<2x480x128xf32, #tpu.memory_space<vmem>> -> memref<1x480x128xf32, #tpu.memory_space<vmem>>
          %swap3A_290 = tpu.memref_squeeze %swap3A_289 : memref<1x480x128xf32, #tpu.memory_space<vmem>> -> memref<480x128xf32, #tpu.memory_space<vmem>>
          %swap3A_291 = arith.index_cast %sub3A_162 : i32 to index
          %swap3A_292 = arith.constant 112 : index
          %swap3A_293 = tpu.vector_load %swap3A_290[%swap3A_291, %swap3A_292] {strides = array<i32>} : memref<480x128xf32, #tpu.memory_space<vmem>>, vector<16xf32>,
          tpu.vector_store %swap3A_290[%swap3A_291, %swap3A_292], %get3A_286 {strides = array<i32>} : memref<480x128xf32, #tpu.memory_space<vmem>>, vector<16xf32>,
        } else {
        }
        %add3A_171 = arith.constant 1 : i32
        %add3A_172 = arith.addi %squeeze3A, %add3A_171 : i32
        %sub3A_173 = arith.subi %add3A_172, %mul3A_159 : i32
        %ge3A_174 = arith.constant 0 : i32
        %ge3A_175 = arith.cmpi sge, %sub3A_173, %ge3A_174 : i32
        %lt3A_176 = arith.constant 480 : i32
        %lt3A_177 = arith.cmpi slt, %sub3A_173, %lt3A_176 : i32
        %and3A_178 = arith.andi %ge3A_175, %lt3A_177 : i1
        %convert_element_type3A_179 = arith.extui %and3A_178 : i1 to i32
        %cond3A_180 = arith.constant 1 : i32
        %cond3A_181 = arith.constant 0 : i32
        %cond3A_182 = arith.cmpi ne, %convert_element_type3A_179, %cond3A_181 : i32
        scf.if %cond3A_182 {
          %get3A_207 = arith.constant 1 : i32
          %get3A_208 = arith.index_cast %get3A_207 : i32 to index
          %get3A_209 = arith.constant 0 : index
          %get3A_210 = tpu.vector_load %arg7[%get3A_208, %get3A_209] {strides = array<i32>} : memref<2x128xf32, #tpu.memory_space<vmem>>, vector<16xf32>,
          %swap3A = arith.constant 0 : i32
          %swap3A_211 = arith.constant 0 : i32
          %swap3A_212 = tpu.memref_slice %arg6[%cond3A_180, %swap3A, %swap3A_211] : memref<2x480x128xf32, #tpu.memory_space<vmem>> -> memref<1x480x128xf32, #tpu.memory_space<vmem>>
          %swap3A_213 = tpu.memref_squeeze %swap3A_212 : memref<1x480x128xf32, #tpu.memory_space<vmem>> -> memref<480x128xf32, #tpu.memory_space<vmem>>
          %swap3A_214 = arith.index_cast %sub3A_173 : i32 to index
          %swap3A_215 = arith.constant 0 : index
          %swap3A_216 = tpu.vector_load %swap3A_213[%swap3A_214, %swap3A_215] {strides = array<i32>} : memref<480x128xf32, #tpu.memory_space<vmem>>, vector<16xf32>,
          tpu.vector_store %swap3A_213[%swap3A_214, %swap3A_215], %get3A_210 {strides = array<i32>} : memref<480x128xf32, #tpu.memory_space<vmem>>, vector<16xf32>,
          %get3A_217 = arith.constant 1 : i32
          %get3A_218 = arith.index_cast %get3A_217 : i32 to index
          %get3A_219 = arith.constant 16 : index
          %get3A_220 = tpu.vector_load %arg7[%get3A_218, %get3A_219] {strides = array<i32>} : memref<2x128xf32, #tpu.memory_space<vmem>>, vector<16xf32>,
          %swap3A_221 = arith.constant 0 : i32
          %swap3A_222 = arith.constant 0 : i32
          %swap3A_223 = tpu.memref_slice %arg6[%cond3A_180, %swap3A_221, %swap3A_222] : memref<2x480x128xf32, #tpu.memory_space<vmem>> -> memref<1x480x128xf32, #tpu.memory_space<vmem>>
          %swap3A_224 = tpu.memref_squeeze %swap3A_223 : memref<1x480x128xf32, #tpu.memory_space<vmem>> -> memref<480x128xf32, #tpu.memory_space<vmem>>
          %swap3A_225 = arith.index_cast %sub3A_173 : i32 to index
          %swap3A_226 = arith.constant 16 : index
          %swap3A_227 = tpu.vector_load %swap3A_224[%swap3A_225, %swap3A_226] {strides = array<i32>} : memref<480x128xf32, #tpu.memory_space<vmem>>, vector<16xf32>,
          tpu.vector_store %swap3A_224[%swap3A_225, %swap3A_226], %get3A_220 {strides = array<i32>} : memref<480x128xf32, #tpu.memory_space<vmem>>, vector<16xf32>,
          %get3A_228 = arith.constant 1 : i32
          %get3A_229 = arith.index_cast %get3A_228 : i32 to index
          %get3A_230 = arith.constant 32 : index
          %get3A_231 = tpu.vector_load %arg7[%get3A_229, %get3A_230] {strides = array<i32>} : memref<2x128xf32, #tpu.memory_space<vmem>>, vector<16xf32>,
          %swap3A_232 = arith.constant 0 : i32
          %swap3A_233 = arith.constant 0 : i32
          %swap3A_234 = tpu.memref_slice %arg6[%cond3A_180, %swap3A_232, %swap3A_233] : memref<2x480x128xf32, #tpu.memory_space<vmem>> -> memref<1x480x128xf32, #tpu.memory_space<vmem>>
          %swap3A_235 = tpu.memref_squeeze %swap3A_234 : memref<1x480x128xf32, #tpu.memory_space<vmem>> -> memref<480x128xf32, #tpu.memory_space<vmem>>
          %swap3A_236 = arith.index_cast %sub3A_173 : i32 to index
          %swap3A_237 = arith.constant 32 : index
          %swap3A_238 = tpu.vector_load %swap3A_235[%swap3A_236, %swap3A_237] {strides = array<i32>} : memref<480x128xf32, #tpu.memory_space<vmem>>, vector<16xf32>,
          tpu.vector_store %swap3A_235[%swap3A_236, %swap3A_237], %get3A_231 {strides = array<i32>} : memref<480x128xf32, #tpu.memory_space<vmem>>, vector<16xf32>,
          %get3A_239 = arith.constant 1 : i32
          %get3A_240 = arith.index_cast %get3A_239 : i32 to index
          %get3A_241 = arith.constant 48 : index
          %get3A_242 = tpu.vector_load %arg7[%get3A_240, %get3A_241] {strides = array<i32>} : memref<2x128xf32, #tpu.memory_space<vmem>>, vector<16xf32>,
          %swap3A_243 = arith.constant 0 : i32
          %swap3A_244 = arith.constant 0 : i32
          %swap3A_245 = tpu.memref_slice %arg6[%cond3A_180, %swap3A_243, %swap3A_244] : memref<2x480x128xf32, #tpu.memory_space<vmem>> -> memref<1x480x128xf32, #tpu.memory_space<vmem>>
          %swap3A_246 = tpu.memref_squeeze %swap3A_245 : memref<1x480x128xf32, #tpu.memory_space<vmem>> -> memref<480x128xf32, #tpu.memory_space<vmem>>
          %swap3A_247 = arith.index_cast %sub3A_173 : i32 to index
          %swap3A_248 = arith.constant 48 : index
          %swap3A_249 = tpu.vector_load %swap3A_246[%swap3A_247, %swap3A_248] {strides = array<i32>} : memref<480x128xf32, #tpu.memory_space<vmem>>, vector<16xf32>,
          tpu.vector_store %swap3A_246[%swap3A_247, %swap3A_248], %get3A_242 {strides = array<i32>} : memref<480x128xf32, #tpu.memory_space<vmem>>, vector<16xf32>,
          %get3A_250 = arith.constant 1 : i32
          %get3A_251 = arith.index_cast %get3A_250 : i32 to index
          %get3A_252 = arith.constant 64 : index
          %get3A_253 = tpu.vector_load %arg7[%get3A_251, %get3A_252] {strides = array<i32>} : memref<2x128xf32, #tpu.memory_space<vmem>>, vector<16xf32>,
          %swap3A_254 = arith.constant 0 : i32
          %swap3A_255 = arith.constant 0 : i32
          %swap3A_256 = tpu.memref_slice %arg6[%cond3A_180, %swap3A_254, %swap3A_255] : memref<2x480x128xf32, #tpu.memory_space<vmem>> -> memref<1x480x128xf32, #tpu.memory_space<vmem>>
          %swap3A_257 = tpu.memref_squeeze %swap3A_256 : memref<1x480x128xf32, #tpu.memory_space<vmem>> -> memref<480x128xf32, #tpu.memory_space<vmem>>
          %swap3A_258 = arith.index_cast %sub3A_173 : i32 to index
          %swap3A_259 = arith.constant 64 : index
          %swap3A_260 = tpu.vector_load %swap3A_257[%swap3A_258, %swap3A_259] {strides = array<i32>} : memref<480x128xf32, #tpu.memory_space<vmem>>, vector<16xf32>,
          tpu.vector_store %swap3A_257[%swap3A_258, %swap3A_259], %get3A_253 {strides = array<i32>} : memref<480x128xf32, #tpu.memory_space<vmem>>, vector<16xf32>,
          %get3A_261 = arith.constant 1 : i32
          %get3A_262 = arith.index_cast %get3A_261 : i32 to index
          %get3A_263 = arith.constant 80 : index
          %get3A_264 = tpu.vector_load %arg7[%get3A_262, %get3A_263] {strides = array<i32>} : memref<2x128xf32, #tpu.memory_space<vmem>>, vector<16xf32>,
          %swap3A_265 = arith.constant 0 : i32
          %swap3A_266 = arith.constant 0 : i32
          %swap3A_267 = tpu.memref_slice %arg6[%cond3A_180, %swap3A_265, %swap3A_266] : memref<2x480x128xf32, #tpu.memory_space<vmem>> -> memref<1x480x128xf32, #tpu.memory_space<vmem>>
          %swap3A_268 = tpu.memref_squeeze %swap3A_267 : memref<1x480x128xf32, #tpu.memory_space<vmem>> -> memref<480x128xf32, #tpu.memory_space<vmem>>
          %swap3A_269 = arith.index_cast %sub3A_173 : i32 to index
          %swap3A_270 = arith.constant 80 : index
          %swap3A_271 = tpu.vector_load %swap3A_268[%swap3A_269, %swap3A_270] {strides = array<i32>} : memref<480x128xf32, #tpu.memory_space<vmem>>, vector<16xf32>,
          tpu.vector_store %swap3A_268[%swap3A_269, %swap3A_270], %get3A_264 {strides = array<i32>} : memref<480x128xf32, #tpu.memory_space<vmem>>, vector<16xf32>,
          %get3A_272 = arith.constant 1 : i32
          %get3A_273 = arith.index_cast %get3A_272 : i32 to index
          %get3A_274 = arith.constant 96 : index
          %get3A_275 = tpu.vector_load %arg7[%get3A_273, %get3A_274] {strides = array<i32>} : memref<2x128xf32, #tpu.memory_space<vmem>>, vector<16xf32>,
          %swap3A_276 = arith.constant 0 : i32
          %swap3A_277 = arith.constant 0 : i32
          %swap3A_278 = tpu.memref_slice %arg6[%cond3A_180, %swap3A_276, %swap3A_277] : memref<2x480x128xf32, #tpu.memory_space<vmem>> -> memref<1x480x128xf32, #tpu.memory_space<vmem>>
          %swap3A_279 = tpu.memref_squeeze %swap3A_278 : memref<1x480x128xf32, #tpu.memory_space<vmem>> -> memref<480x128xf32, #tpu.memory_space<vmem>>
          %swap3A_280 = arith.index_cast %sub3A_173 : i32 to index
          %swap3A_281 = arith.constant 96 : index
          %swap3A_282 = tpu.vector_load %swap3A_279[%swap3A_280, %swap3A_281] {strides = array<i32>} : memref<480x128xf32, #tpu.memory_space<vmem>>, vector<16xf32>,
          tpu.vector_store %swap3A_279[%swap3A_280, %swap3A_281], %get3A_275 {strides = array<i32>} : memref<480x128xf32, #tpu.memory_space<vmem>>, vector<16xf32>,
          %get3A_283 = arith.constant 1 : i32
          %get3A_284 = arith.index_cast %get3A_283 : i32 to index
          %get3A_285 = arith.constant 112 : index
          %get3A_286 = tpu.vector_load %arg7[%get3A_284, %get3A_285] {strides = array<i32>} : memref<2x128xf32, #tpu.memory_space<vmem>>, vector<16xf32>,
          %swap3A_287 = arith.constant 0 : i32
          %swap3A_288 = arith.constant 0 : i32
          %swap3A_289 = tpu.memref_slice %arg6[%cond3A_180, %swap3A_287, %swap3A_288] : memref<2x480x128xf32, #tpu.memory_space<vmem>> -> memref<1x480x128xf32, #tpu.memory_space<vmem>>
          %swap3A_290 = tpu.memref_squeeze %swap3A_289 : memref<1x480x128xf32, #tpu.memory_space<vmem>> -> memref<480x128xf32, #tpu.memory_space<vmem>>
          %swap3A_291 = arith.index_cast %sub3A_173 : i32 to index
          %swap3A_292 = arith.constant 112 : index
          %swap3A_293 = tpu.vector_load %swap3A_290[%swap3A_291, %swap3A_292] {strides = array<i32>} : memref<480x128xf32, #tpu.memory_space<vmem>>, vector<16xf32>,
          tpu.vector_store %swap3A_290[%swap3A_291, %swap3A_292], %get3A_286 {strides = array<i32>} : memref<480x128xf32, #tpu.memory_space<vmem>>, vector<16xf32>,
        } else {
        }
        %parallel_loop3A = arith.constant 0 : i32
        %parallel_loop3A_183 = arith.constant 480 : i32
        %parallel_loop3A_184 = arith.constant 1 : i32
        %parallel_loop3A_185 = arith.constant 1 : i32
        scf.for %parallel_loop3A_207 = %parallel_loop3A to %parallel_loop3A_183 step %parallel_loop3A_184  : i32 {
          %parallel_loop3A_208 = arith.constant 0 : i32
          %parallel_loop3A_209 = arith.constant 0 : i32
          %parallel_loop3A_210 = tpu.memref_slice %arg6[%parallel_loop3A_185, %parallel_loop3A_208, %parallel_loop3A_209] : memref<2x480x128xf32, #tpu.memory_space<vmem>> -> memref<1x480x128xf32, #tpu.memory_space<vmem>>
          %parallel_loop3A_211 = tpu.memref_squeeze %parallel_loop3A_210 : memref<1x480x128xf32, #tpu.memory_space<vmem>> -> memref<480x128xf32, #tpu.memory_space<vmem>>
          %parallel_loop3A_212 = arith.index_cast %parallel_loop3A_207 : i32 to index
          %parallel_loop3A_213 = arith.constant 0 : index
          %parallel_loop3A_214 = tpu.vector_load %parallel_loop3A_211[%parallel_loop3A_212, %parallel_loop3A_213] {strides = array<i32>} : memref<480x128xf32, #tpu.memory_space<vmem>>, vector<16xf32>,
          %parallel_loop3A_215 = arith.constant 0 : i32
          %parallel_loop3A_216 = arith.constant 0 : i32
          %parallel_loop3A_217 = tpu.memref_slice %arg6[%parallel_loop3A_185, %parallel_loop3A_215, %parallel_loop3A_216] : memref<2x480x128xf32, #tpu.memory_space<vmem>> -> memref<1x480x128xf32, #tpu.memory_space<vmem>>
          %parallel_loop3A_218 = tpu.memref_squeeze %parallel_loop3A_217 : memref<1x480x128xf32, #tpu.memory_space<vmem>> -> memref<480x128xf32, #tpu.memory_space<vmem>>
          %parallel_loop3A_219 = arith.index_cast %parallel_loop3A_207 : i32 to index
          %parallel_loop3A_220 = arith.constant 16 : index
          %parallel_loop3A_221 = tpu.vector_load %parallel_loop3A_218[%parallel_loop3A_219, %parallel_loop3A_220] {strides = array<i32>} : memref<480x128xf32, #tpu.memory_space<vmem>>, vector<16xf32>,
          %parallel_loop3A_222 = arith.constant 0 : i32
          %parallel_loop3A_223 = arith.constant 0 : i32
          %parallel_loop3A_224 = tpu.memref_slice %arg6[%parallel_loop3A_185, %parallel_loop3A_222, %parallel_loop3A_223] : memref<2x480x128xf32, #tpu.memory_space<vmem>> -> memref<1x480x128xf32, #tpu.memory_space<vmem>>
          %parallel_loop3A_225 = tpu.memref_squeeze %parallel_loop3A_224 : memref<1x480x128xf32, #tpu.memory_space<vmem>> -> memref<480x128xf32, #tpu.memory_space<vmem>>
          %parallel_loop3A_226 = arith.index_cast %parallel_loop3A_207 : i32 to index
          %parallel_loop3A_227 = arith.constant 32 : index
          %parallel_loop3A_228 = tpu.vector_load %parallel_loop3A_225[%parallel_loop3A_226, %parallel_loop3A_227] {strides = array<i32>} : memref<480x128xf32, #tpu.memory_space<vmem>>, vector<16xf32>,
          %parallel_loop3A_229 = arith.constant 0 : i32
          %parallel_loop3A_230 = arith.constant 0 : i32
          %parallel_loop3A_231 = tpu.memref_slice %arg6[%parallel_loop3A_185, %parallel_loop3A_229, %parallel_loop3A_230] : memref<2x480x128xf32, #tpu.memory_space<vmem>> -> memref<1x480x128xf32, #tpu.memory_space<vmem>>
          %parallel_loop3A_232 = tpu.memref_squeeze %parallel_loop3A_231 : memref<1x480x128xf32, #tpu.memory_space<vmem>> -> memref<480x128xf32, #tpu.memory_space<vmem>>
          %parallel_loop3A_233 = arith.index_cast %parallel_loop3A_207 : i32 to index
          %parallel_loop3A_234 = arith.constant 48 : index
          %parallel_loop3A_235 = tpu.vector_load %parallel_loop3A_232[%parallel_loop3A_233, %parallel_loop3A_234] {strides = array<i32>} : memref<480x128xf32, #tpu.memory_space<vmem>>, vector<16xf32>,
          %parallel_loop3A_236 = arith.constant 0 : i32
          %parallel_loop3A_237 = arith.constant 0 : i32
          %parallel_loop3A_238 = tpu.memref_slice %arg6[%parallel_loop3A_185, %parallel_loop3A_236, %parallel_loop3A_237] : memref<2x480x128xf32, #tpu.memory_space<vmem>> -> memref<1x480x128xf32, #tpu.memory_space<vmem>>
          %parallel_loop3A_239 = tpu.memref_squeeze %parallel_loop3A_238 : memref<1x480x128xf32, #tpu.memory_space<vmem>> -> memref<480x128xf32, #tpu.memory_space<vmem>>
          %parallel_loop3A_240 = arith.index_cast %parallel_loop3A_207 : i32 to index
          %parallel_loop3A_241 = arith.constant 64 : index
          %parallel_loop3A_242 = tpu.vector_load %parallel_loop3A_239[%parallel_loop3A_240, %parallel_loop3A_241] {strides = array<i32>} : memref<480x128xf32, #tpu.memory_space<vmem>>, vector<16xf32>,
          %parallel_loop3A_243 = arith.constant 0 : i32
          %parallel_loop3A_244 = arith.constant 0 : i32
          %parallel_loop3A_245 = tpu.memref_slice %arg6[%parallel_loop3A_185, %parallel_loop3A_243, %parallel_loop3A_244] : memref<2x480x128xf32, #tpu.memory_space<vmem>> -> memref<1x480x128xf32, #tpu.memory_space<vmem>>
          %parallel_loop3A_246 = tpu.memref_squeeze %parallel_loop3A_245 : memref<1x480x128xf32, #tpu.memory_space<vmem>> -> memref<480x128xf32, #tpu.memory_space<vmem>>
          %parallel_loop3A_247 = arith.index_cast %parallel_loop3A_207 : i32 to index
          %parallel_loop3A_248 = arith.constant 80 : index
          %parallel_loop3A_249 = tpu.vector_load %parallel_loop3A_246[%parallel_loop3A_247, %parallel_loop3A_248] {strides = array<i32>} : memref<480x128xf32, #tpu.memory_space<vmem>>, vector<16xf32>,
          %parallel_loop3A_250 = arith.constant 0 : i32
          %parallel_loop3A_251 = arith.constant 0 : i32
          %parallel_loop3A_252 = tpu.memref_slice %arg6[%parallel_loop3A_185, %parallel_loop3A_250, %parallel_loop3A_251] : memref<2x480x128xf32, #tpu.memory_space<vmem>> -> memref<1x480x128xf32, #tpu.memory_space<vmem>>
          %parallel_loop3A_253 = tpu.memref_squeeze %parallel_loop3A_252 : memref<1x480x128xf32, #tpu.memory_space<vmem>> -> memref<480x128xf32, #tpu.memory_space<vmem>>
          %parallel_loop3A_254 = arith.index_cast %parallel_loop3A_207 : i32 to index
          %parallel_loop3A_255 = arith.constant 96 : index
          %parallel_loop3A_256 = tpu.vector_load %parallel_loop3A_253[%parallel_loop3A_254, %parallel_loop3A_255] {strides = array<i32>} : memref<480x128xf32, #tpu.memory_space<vmem>>, vector<16xf32>,
          %parallel_loop3A_257 = arith.constant 0 : i32
          %parallel_loop3A_258 = arith.constant 0 : i32
          %parallel_loop3A_259 = tpu.memref_slice %arg6[%parallel_loop3A_185, %parallel_loop3A_257, %parallel_loop3A_258] : memref<2x480x128xf32, #tpu.memory_space<vmem>> -> memref<1x480x128xf32, #tpu.memory_space<vmem>>
          %parallel_loop3A_260 = tpu.memref_squeeze %parallel_loop3A_259 : memref<1x480x128xf32, #tpu.memory_space<vmem>> -> memref<480x128xf32, #tpu.memory_space<vmem>>
          %parallel_loop3A_261 = arith.index_cast %parallel_loop3A_207 : i32 to index
          %parallel_loop3A_262 = arith.constant 112 : index
          %parallel_loop3A_263 = tpu.vector_load %parallel_loop3A_260[%parallel_loop3A_261, %parallel_loop3A_262] {strides = array<i32>} : memref<480x128xf32, #tpu.memory_space<vmem>>, vector<16xf32>,
          %parallel_loop3A_264 = arith.mulf %parallel_loop3A_214, %parallel_loop3A_214 : vector<16xf32>
          %parallel_loop3A_265 = arith.mulf %parallel_loop3A_221, %parallel_loop3A_221 : vector<16xf32>
          %parallel_loop3A_266 = arith.addf %parallel_loop3A_264, %parallel_loop3A_265 : vector<16xf32>
          %parallel_loop3A_267 = arith.mulf %parallel_loop3A_228, %parallel_loop3A_228 : vector<16xf32>
          %parallel_loop3A_268 = arith.addf %parallel_loop3A_266, %parallel_loop3A_267 : vector<16xf32>
          %parallel_loop3A_269 = arith.mulf %parallel_loop3A_235, %parallel_loop3A_235 : vector<16xf32>
          %parallel_loop3A_270 = arith.addf %parallel_loop3A_268, %parallel_loop3A_269 : vector<16xf32>
          %parallel_loop3A_271 = arith.mulf %parallel_loop3A_242, %parallel_loop3A_242 : vector<16xf32>
          %parallel_loop3A_272 = arith.addf %parallel_loop3A_270, %parallel_loop3A_271 : vector<16xf32>
          %parallel_loop3A_273 = arith.mulf %parallel_loop3A_249, %parallel_loop3A_249 : vector<16xf32>
          %parallel_loop3A_274 = arith.addf %parallel_loop3A_272, %parallel_loop3A_273 : vector<16xf32>
          %parallel_loop3A_275 = arith.mulf %parallel_loop3A_256, %parallel_loop3A_256 : vector<16xf32>
          %parallel_loop3A_276 = arith.addf %parallel_loop3A_274, %parallel_loop3A_275 : vector<16xf32>
          %parallel_loop3A_277 = arith.mulf %parallel_loop3A_263, %parallel_loop3A_263 : vector<16xf32>
          %parallel_loop3A_278 = arith.addf %parallel_loop3A_276, %parallel_loop3A_277 : vector<16xf32>
          %parallel_loop3A_279 = arith.constant true
          %parallel_loop3A_280 = vector.broadcast %parallel_loop3A_279 : i1 to vector<16xi1>
          %parallel_loop3A_281 = tpu.scan <sum>, %parallel_loop3A_278 masked %parallel_loop3A_280 : vector<16xf32>, vector<16xi1> -> vector<16xf32>
          %parallel_loop3A_282 = vector.extract %parallel_loop3A_281[15] : f32 from vector<16xf32>
          %parallel_loop3A_283 = arith.bitcast %parallel_loop3A_282 : f32 to i32
          %parallel_loop3A_284 = arith.constant 1 : i32
          %parallel_loop3A_285 = arith.shrui %parallel_loop3A_283, %parallel_loop3A_284 : i32
          %parallel_loop3A_286 = arith.constant 1597463007 : i32
          %parallel_loop3A_287 = arith.subi %parallel_loop3A_286, %parallel_loop3A_285 : i32
          %parallel_loop3A_288 = arith.bitcast %parallel_loop3A_287 : i32 to f32
          %parallel_loop3A_289 = arith.constant 5.000000e-01 : f32
          %parallel_loop3A_290 = arith.mulf %parallel_loop3A_282, %parallel_loop3A_289 : f32
          %parallel_loop3A_291 = arith.mulf %parallel_loop3A_290, %parallel_loop3A_288 : f32
          %parallel_loop3A_292 = arith.mulf %parallel_loop3A_291, %parallel_loop3A_288 : f32
          %parallel_loop3A_293 = arith.constant 1.500000e+00 : f32
          %parallel_loop3A_294 = arith.subf %parallel_loop3A_293, %parallel_loop3A_292 : f32
          %parallel_loop3A_295 = arith.mulf %parallel_loop3A_288, %parallel_loop3A_294 : f32
          %parallel_loop3A_296 = arith.mulf %parallel_loop3A_290, %parallel_loop3A_295 : f32
          %parallel_loop3A_297 = arith.mulf %parallel_loop3A_296, %parallel_loop3A_295 : f32
          %parallel_loop3A_298 = arith.constant 1.500000e+00 : f32
          %parallel_loop3A_299 = arith.subf %parallel_loop3A_298, %parallel_loop3A_297 : f32
          %parallel_loop3A_300 = arith.mulf %parallel_loop3A_295, %parallel_loop3A_299 : f32
          %parallel_loop3A_301 = arith.mulf %parallel_loop3A_282, %parallel_loop3A_300 : f32
          %parallel_loop3A_302 = arith.constant 9.99999996E-13 : f32
          %parallel_loop3A_303 = arith.cmpf ogt, %parallel_loop3A_301, %parallel_loop3A_302 : f32
          %parallel_loop3A_304 = arith.constant 9.99999995E+11 : f32
          %parallel_loop3A_305 = arith.select %parallel_loop3A_303, %parallel_loop3A_300, %parallel_loop3A_304 : f32
          %parallel_loop3A_306 = vector.broadcast %parallel_loop3A_305 : f32 to vector<16xf32>
          %parallel_loop3A_307 = arith.mulf %parallel_loop3A_214, %parallel_loop3A_306 : vector<16xf32>
          %parallel_loop3A_308 = arith.constant 0 : i32
          %parallel_loop3A_309 = arith.constant 0 : i32
          %parallel_loop3A_310 = tpu.memref_slice %arg6[%parallel_loop3A_185, %parallel_loop3A_308, %parallel_loop3A_309] : memref<2x480x128xf32, #tpu.memory_space<vmem>> -> memref<1x480x128xf32, #tpu.memory_space<vmem>>
          %parallel_loop3A_311 = tpu.memref_squeeze %parallel_loop3A_310 : memref<1x480x128xf32, #tpu.memory_space<vmem>> -> memref<480x128xf32, #tpu.memory_space<vmem>>
          %parallel_loop3A_312 = arith.index_cast %parallel_loop3A_207 : i32 to index
          %parallel_loop3A_313 = arith.constant 0 : index
          %parallel_loop3A_314 = tpu.vector_load %parallel_loop3A_311[%parallel_loop3A_312, %parallel_loop3A_313] {strides = array<i32>} : memref<480x128xf32, #tpu.memory_space<vmem>>, vector<16xf32>,
          tpu.vector_store %parallel_loop3A_311[%parallel_loop3A_312, %parallel_loop3A_313], %parallel_loop3A_307 {strides = array<i32>} : memref<480x128xf32, #tpu.memory_space<vmem>>, vector<16xf32>,
          %parallel_loop3A_315 = arith.mulf %parallel_loop3A_221, %parallel_loop3A_306 : vector<16xf32>
          %parallel_loop3A_316 = arith.constant 0 : i32
          %parallel_loop3A_317 = arith.constant 0 : i32
          %parallel_loop3A_318 = tpu.memref_slice %arg6[%parallel_loop3A_185, %parallel_loop3A_316, %parallel_loop3A_317] : memref<2x480x128xf32, #tpu.memory_space<vmem>> -> memref<1x480x128xf32, #tpu.memory_space<vmem>>
          %parallel_loop3A_319 = tpu.memref_squeeze %parallel_loop3A_318 : memref<1x480x128xf32, #tpu.memory_space<vmem>> -> memref<480x128xf32, #tpu.memory_space<vmem>>
          %parallel_loop3A_320 = arith.index_cast %parallel_loop3A_207 : i32 to index
          %parallel_loop3A_321 = arith.constant 16 : index
          %parallel_loop3A_322 = tpu.vector_load %parallel_loop3A_319[%parallel_loop3A_320, %parallel_loop3A_321] {strides = array<i32>} : memref<480x128xf32, #tpu.memory_space<vmem>>, vector<16xf32>,
          tpu.vector_store %parallel_loop3A_319[%parallel_loop3A_320, %parallel_loop3A_321], %parallel_loop3A_315 {strides = array<i32>} : memref<480x128xf32, #tpu.memory_space<vmem>>, vector<16xf32>,
          %parallel_loop3A_323 = arith.mulf %parallel_loop3A_228, %parallel_loop3A_306 : vector<16xf32>
          %parallel_loop3A_324 = arith.constant 0 : i32
          %parallel_loop3A_325 = arith.constant 0 : i32
          %parallel_loop3A_326 = tpu.memref_slice %arg6[%parallel_loop3A_185, %parallel_loop3A_324, %parallel_loop3A_325] : memref<2x480x128xf32, #tpu.memory_space<vmem>> -> memref<1x480x128xf32, #tpu.memory_space<vmem>>
          %parallel_loop3A_327 = tpu.memref_squeeze %parallel_loop3A_326 : memref<1x480x128xf32, #tpu.memory_space<vmem>> -> memref<480x128xf32, #tpu.memory_space<vmem>>
          %parallel_loop3A_328 = arith.index_cast %parallel_loop3A_207 : i32 to index
          %parallel_loop3A_329 = arith.constant 32 : index
          %parallel_loop3A_330 = tpu.vector_load %parallel_loop3A_327[%parallel_loop3A_328, %parallel_loop3A_329] {strides = array<i32>} : memref<480x128xf32, #tpu.memory_space<vmem>>, vector<16xf32>,
          tpu.vector_store %parallel_loop3A_327[%parallel_loop3A_328, %parallel_loop3A_329], %parallel_loop3A_323 {strides = array<i32>} : memref<480x128xf32, #tpu.memory_space<vmem>>, vector<16xf32>,
          %parallel_loop3A_331 = arith.mulf %parallel_loop3A_235, %parallel_loop3A_306 : vector<16xf32>
          %parallel_loop3A_332 = arith.constant 0 : i32
          %parallel_loop3A_333 = arith.constant 0 : i32
          %parallel_loop3A_334 = tpu.memref_slice %arg6[%parallel_loop3A_185, %parallel_loop3A_332, %parallel_loop3A_333] : memref<2x480x128xf32, #tpu.memory_space<vmem>> -> memref<1x480x128xf32, #tpu.memory_space<vmem>>
          %parallel_loop3A_335 = tpu.memref_squeeze %parallel_loop3A_334 : memref<1x480x128xf32, #tpu.memory_space<vmem>> -> memref<480x128xf32, #tpu.memory_space<vmem>>
          %parallel_loop3A_336 = arith.index_cast %parallel_loop3A_207 : i32 to index
          %parallel_loop3A_337 = arith.constant 48 : index
          %parallel_loop3A_338 = tpu.vector_load %parallel_loop3A_335[%parallel_loop3A_336, %parallel_loop3A_337] {strides = array<i32>} : memref<480x128xf32, #tpu.memory_space<vmem>>, vector<16xf32>,
          tpu.vector_store %parallel_loop3A_335[%parallel_loop3A_336, %parallel_loop3A_337], %parallel_loop3A_331 {strides = array<i32>} : memref<480x128xf32, #tpu.memory_space<vmem>>, vector<16xf32>,
          %parallel_loop3A_339 = arith.mulf %parallel_loop3A_242, %parallel_loop3A_306 : vector<16xf32>
          %parallel_loop3A_340 = arith.constant 0 : i32
          %parallel_loop3A_341 = arith.constant 0 : i32
          %parallel_loop3A_342 = tpu.memref_slice %arg6[%parallel_loop3A_185, %parallel_loop3A_340, %parallel_loop3A_341] : memref<2x480x128xf32, #tpu.memory_space<vmem>> -> memref<1x480x128xf32, #tpu.memory_space<vmem>>
          %parallel_loop3A_343 = tpu.memref_squeeze %parallel_loop3A_342 : memref<1x480x128xf32, #tpu.memory_space<vmem>> -> memref<480x128xf32, #tpu.memory_space<vmem>>
          %parallel_loop3A_344 = arith.index_cast %parallel_loop3A_207 : i32 to index
          %parallel_loop3A_345 = arith.constant 64 : index
          %parallel_loop3A_346 = tpu.vector_load %parallel_loop3A_343[%parallel_loop3A_344, %parallel_loop3A_345] {strides = array<i32>} : memref<480x128xf32, #tpu.memory_space<vmem>>, vector<16xf32>,
          tpu.vector_store %parallel_loop3A_343[%parallel_loop3A_344, %parallel_loop3A_345], %parallel_loop3A_339 {strides = array<i32>} : memref<480x128xf32, #tpu.memory_space<vmem>>, vector<16xf32>,
          %parallel_loop3A_347 = arith.mulf %parallel_loop3A_249, %parallel_loop3A_306 : vector<16xf32>
          %parallel_loop3A_348 = arith.constant 0 : i32
          %parallel_loop3A_349 = arith.constant 0 : i32
          %parallel_loop3A_350 = tpu.memref_slice %arg6[%parallel_loop3A_185, %parallel_loop3A_348, %parallel_loop3A_349] : memref<2x480x128xf32, #tpu.memory_space<vmem>> -> memref<1x480x128xf32, #tpu.memory_space<vmem>>
          %parallel_loop3A_351 = tpu.memref_squeeze %parallel_loop3A_350 : memref<1x480x128xf32, #tpu.memory_space<vmem>> -> memref<480x128xf32, #tpu.memory_space<vmem>>
          %parallel_loop3A_352 = arith.index_cast %parallel_loop3A_207 : i32 to index
          %parallel_loop3A_353 = arith.constant 80 : index
          %parallel_loop3A_354 = tpu.vector_load %parallel_loop3A_351[%parallel_loop3A_352, %parallel_loop3A_353] {strides = array<i32>} : memref<480x128xf32, #tpu.memory_space<vmem>>, vector<16xf32>,
          tpu.vector_store %parallel_loop3A_351[%parallel_loop3A_352, %parallel_loop3A_353], %parallel_loop3A_347 {strides = array<i32>} : memref<480x128xf32, #tpu.memory_space<vmem>>, vector<16xf32>,
          %parallel_loop3A_355 = arith.mulf %parallel_loop3A_256, %parallel_loop3A_306 : vector<16xf32>
          %parallel_loop3A_356 = arith.constant 0 : i32
          %parallel_loop3A_357 = arith.constant 0 : i32
          %parallel_loop3A_358 = tpu.memref_slice %arg6[%parallel_loop3A_185, %parallel_loop3A_356, %parallel_loop3A_357] : memref<2x480x128xf32, #tpu.memory_space<vmem>> -> memref<1x480x128xf32, #tpu.memory_space<vmem>>
          %parallel_loop3A_359 = tpu.memref_squeeze %parallel_loop3A_358 : memref<1x480x128xf32, #tpu.memory_space<vmem>> -> memref<480x128xf32, #tpu.memory_space<vmem>>
          %parallel_loop3A_360 = arith.index_cast %parallel_loop3A_207 : i32 to index
          %parallel_loop3A_361 = arith.constant 96 : index
          %parallel_loop3A_362 = tpu.vector_load %parallel_loop3A_359[%parallel_loop3A_360, %parallel_loop3A_361] {strides = array<i32>} : memref<480x128xf32, #tpu.memory_space<vmem>>, vector<16xf32>,
          tpu.vector_store %parallel_loop3A_359[%parallel_loop3A_360, %parallel_loop3A_361], %parallel_loop3A_355 {strides = array<i32>} : memref<480x128xf32, #tpu.memory_space<vmem>>, vector<16xf32>,
          %parallel_loop3A_363 = arith.mulf %parallel_loop3A_263, %parallel_loop3A_306 : vector<16xf32>
          %parallel_loop3A_364 = arith.constant 0 : i32
          %parallel_loop3A_365 = arith.constant 0 : i32
          %parallel_loop3A_366 = tpu.memref_slice %arg6[%parallel_loop3A_185, %parallel_loop3A_364, %parallel_loop3A_365] : memref<2x480x128xf32, #tpu.memory_space<vmem>> -> memref<1x480x128xf32, #tpu.memory_space<vmem>>
          %parallel_loop3A_367 = tpu.memref_squeeze %parallel_loop3A_366 : memref<1x480x128xf32, #tpu.memory_space<vmem>> -> memref<480x128xf32, #tpu.memory_space<vmem>>
          %parallel_loop3A_368 = arith.index_cast %parallel_loop3A_207 : i32 to index
          %parallel_loop3A_369 = arith.constant 112 : index
          %parallel_loop3A_370 = tpu.vector_load %parallel_loop3A_367[%parallel_loop3A_368, %parallel_loop3A_369] {strides = array<i32>} : memref<480x128xf32, #tpu.memory_space<vmem>>, vector<16xf32>,
          tpu.vector_store %parallel_loop3A_367[%parallel_loop3A_368, %parallel_loop3A_369], %parallel_loop3A_363 {strides = array<i32>} : memref<480x128xf32, #tpu.memory_space<vmem>>, vector<16xf32>,
        } {sc.loop_unroll_factor = 2 : i64, sc.parallel_access}
        %mul3A_186 = arith.constant 32 : i32
        %mul3A_187 = arith.muli %mul3A_186, %add3A_124 : i32
        %add3A_188 = arith.addi %add3A, %mul3A_187 : i32
        %mul3A_189 = arith.constant 480 : i32
        %mul3A_190 = arith.muli %add3A_188, %mul3A_189 : i32
        %dma_start3A_191 = arith.constant 1 : i32
        %dma_start3A_192 = arith.constant 1 : i32
        %dma_start3A_193 = arith.constant 0 : i32
        %dma_start3A_194 = arith.constant 0 : i32
        %dma_start3A_195 = tpu.memref_slice %arg6[%dma_start3A_191, %dma_start3A_193, %dma_start3A_194] : memref<2x480x128xf32, #tpu.memory_space<vmem>> -> memref<1x480x128xf32, #tpu.memory_space<vmem>>
        %dma_start3A_196 = tpu.memref_squeeze %dma_start3A_195 : memref<1x480x128xf32, #tpu.memory_space<vmem>> -> memref<480x128xf32, #tpu.memory_space<vmem>>
        %dma_start3A_197 = arith.constant 0 : i32
        %dma_start3A_198 = tpu.memref_slice %arg5[%mul3A_190, %dma_start3A_197] : memref<300000x128xf32, #tpu.memory_space<hbm>> -> memref<480x128xf32, #tpu.memory_space<hbm>>
        %dma_start3A_199 = tpu.memref_slice %arg10[%dma_start3A_192] : memref<2x!tpu.dma_semaphore, #tpu.memory_space<semaphore_mem>> -> memref<1x!tpu.dma_semaphore, #tpu.memory_space<semaphore_mem>>
        %dma_start3A_200 = tpu.memref_squeeze %dma_start3A_199 : memref<1x!tpu.dma_semaphore, #tpu.memory_space<semaphore_mem>> -> memref<!tpu.dma_semaphore, #tpu.memory_space<semaphore_mem>>
        %dma_start3A_201 = arith.constant 0 : i32
        %dma_start3A_202 = tpu.memref_slice %arg5[%mul3A_190, %dma_start3A_201] : memref<300000x128xf32, #tpu.memory_space<hbm>> -> memref<480x128xf32, #tpu.memory_space<hbm>>
        %dma_start3A_203 = arith.constant 0 : i32
        %dma_start3A_204 = arith.constant 0 : i32
        %dma_start3A_205 = tpu.memref_slice %arg6[%dma_start3A_191, %dma_start3A_203, %dma_start3A_204] : memref<2x480x128xf32, #tpu.memory_space<vmem>> -> memref<1x480x128xf32, #tpu.memory_space<vmem>>
        %dma_start3A_206 = tpu.memref_squeeze %dma_start3A_205 : memref<1x480x128xf32, #tpu.memory_space<vmem>> -> memref<480x128xf32, #tpu.memory_space<vmem>>
        tpu.enqueue_dma source(%dma_start3A_206 : memref<480x128xf32, #tpu.memory_space<vmem>>) target(%dma_start3A_202 : memref<480x128xf32, #tpu.memory_space<hbm>>) target_semaphore(%dma_start3A_200 : memref<!tpu.dma_semaphore, #tpu.memory_space<semaphore_mem>>)
      } else {
      }
    }
    %dma_wait3A = arith.constant 0 : i32
    %dma_wait3A_80 = arith.constant 0 : i32
    %dma_wait3A_81 = arith.constant 0 : i32
    %dma_wait3A_82 = arith.constant 0 : i32
    %dma_wait3A_83 = tpu.memref_slice %arg6[%dma_wait3A, %dma_wait3A_81, %dma_wait3A_82] : memref<2x480x128xf32, #tpu.memory_space<vmem>> -> memref<1x480x128xf32, #tpu.memory_space<vmem>>
    %dma_wait3A_84 = tpu.memref_squeeze %dma_wait3A_83 : memref<1x480x128xf32, #tpu.memory_space<vmem>> -> memref<480x128xf32, #tpu.memory_space<vmem>>
    %dma_wait3A_85 = arith.constant 0 : i32
    %dma_wait3A_86 = arith.constant 0 : i32
    %dma_wait3A_87 = tpu.memref_slice %arg5[%dma_wait3A_85, %dma_wait3A_86] : memref<300000x128xf32, #tpu.memory_space<hbm>> -> memref<480x128xf32, #tpu.memory_space<hbm>>
    %dma_wait3A_88 = tpu.memref_slice %arg10[%dma_wait3A_80] : memref<2x!tpu.dma_semaphore, #tpu.memory_space<semaphore_mem>> -> memref<1x!tpu.dma_semaphore, #tpu.memory_space<semaphore_mem>>
    %dma_wait3A_89 = tpu.memref_squeeze %dma_wait3A_88 : memref<1x!tpu.dma_semaphore, #tpu.memory_space<semaphore_mem>> -> memref<!tpu.dma_semaphore, #tpu.memory_space<semaphore_mem>>
    %dma_wait3A_90 = arith.constant 0 : i32
    %dma_wait3A_91 = arith.constant 0 : i32
    %dma_wait3A_92 = tpu.memref_slice %arg5[%dma_wait3A_90, %dma_wait3A_91] : memref<300000x128xf32, #tpu.memory_space<hbm>> -> memref<480x128xf32, #tpu.memory_space<hbm>>
    %dma_wait3A_93 = arith.constant 0 : i32
    %dma_wait3A_94 = arith.constant 0 : i32
    %dma_wait3A_95 = tpu.memref_slice %arg6[%dma_wait3A, %dma_wait3A_93, %dma_wait3A_94] : memref<2x480x128xf32, #tpu.memory_space<vmem>> -> memref<1x480x128xf32, #tpu.memory_space<vmem>>
    %dma_wait3A_96 = tpu.memref_squeeze %dma_wait3A_95 : memref<1x480x128xf32, #tpu.memory_space<vmem>> -> memref<480x128xf32, #tpu.memory_space<vmem>>
    tpu.wait_dma2 semaphore(%dma_wait3A_89 : memref<!tpu.dma_semaphore, #tpu.memory_space<semaphore_mem>>) src(%dma_wait3A_96 : memref<480x128xf32, #tpu.memory_space<vmem>>) dst(%dma_wait3A_92 : memref<480x128xf32, #tpu.memory_space<hbm>>)
    %dma_wait3A_97 = arith.constant 1 : i32
    %dma_wait3A_98 = arith.constant 1 : i32
    %dma_wait3A_99 = arith.constant 0 : i32
    %dma_wait3A_100 = arith.constant 0 : i32
    %dma_wait3A_101 = tpu.memref_slice %arg6[%dma_wait3A_97, %dma_wait3A_99, %dma_wait3A_100] : memref<2x480x128xf32, #tpu.memory_space<vmem>> -> memref<1x480x128xf32, #tpu.memory_space<vmem>>
    %dma_wait3A_102 = tpu.memref_squeeze %dma_wait3A_101 : memref<1x480x128xf32, #tpu.memory_space<vmem>> -> memref<480x128xf32, #tpu.memory_space<vmem>>
    %dma_wait3A_103 = arith.constant 0 : i32
    %dma_wait3A_104 = arith.constant 0 : i32
    %dma_wait3A_105 = tpu.memref_slice %arg5[%dma_wait3A_103, %dma_wait3A_104] : memref<300000x128xf32, #tpu.memory_space<hbm>> -> memref<480x128xf32, #tpu.memory_space<hbm>>
    %dma_wait3A_106 = tpu.memref_slice %arg10[%dma_wait3A_98] : memref<2x!tpu.dma_semaphore, #tpu.memory_space<semaphore_mem>> -> memref<1x!tpu.dma_semaphore, #tpu.memory_space<semaphore_mem>>
    %dma_wait3A_107 = tpu.memref_squeeze %dma_wait3A_106 : memref<1x!tpu.dma_semaphore, #tpu.memory_space<semaphore_mem>> -> memref<!tpu.dma_semaphore, #tpu.memory_space<semaphore_mem>>
    %dma_wait3A_108 = arith.constant 0 : i32
    %dma_wait3A_109 = arith.constant 0 : i32
    %dma_wait3A_110 = tpu.memref_slice %arg5[%dma_wait3A_108, %dma_wait3A_109] : memref<300000x128xf32, #tpu.memory_space<hbm>> -> memref<480x128xf32, #tpu.memory_space<hbm>>
    %dma_wait3A_111 = arith.constant 0 : i32
    %dma_wait3A_112 = arith.constant 0 : i32
    %dma_wait3A_113 = tpu.memref_slice %arg6[%dma_wait3A_97, %dma_wait3A_111, %dma_wait3A_112] : memref<2x480x128xf32, #tpu.memory_space<vmem>> -> memref<1x480x128xf32, #tpu.memory_space<vmem>>
    %dma_wait3A_114 = tpu.memref_squeeze %dma_wait3A_113 : memref<1x480x128xf32, #tpu.memory_space<vmem>> -> memref<480x128xf32, #tpu.memory_space<vmem>>
    tpu.wait_dma2 semaphore(%dma_wait3A_107 : memref<!tpu.dma_semaphore, #tpu.memory_space<semaphore_mem>>) src(%dma_wait3A_114 : memref<480x128xf32, #tpu.memory_space<vmem>>) dst(%dma_wait3A_110 : memref<480x128xf32, #tpu.memory_space<hbm>>)
    return
  }
}

</mosaic_0001>

<sc_bundles>
// kernel: _sc_normalize.3.cloned.1.call-start
scs
__scs_entry_jumppad:
0x0: {  	(pc) =	sbr.rel $0x88, $3  }
0x1: {  	(tag) =	ssettag $0x0;
	lr =	simm.s32 $0x1  }
0x2: {  	[smem:$0x3F9E] =	sst lr;
	_ =	strace $0xD0000000  }
0x3: {  	_ = 	snop  }
0x4: {  	_ = 	snop  }
0x5: {  	_ = 	snop  }
0x6: {  	_ = 	snop  }
0x7: {  	_ = 	snop  }
__scs_overlays_trampoline_lowered:
0x8: {  	[smem:$0x3FAD] =	sst s0  }
0x9: {  	[smem:$0x3FAE] =	sst s1  }
0xa: {  	[smem:$0x3FAF] =	sst s2  }
0xb: {  	[smem:$0x3FB0] =	sst s3  }
0xc: {  	[smem:$0x3FB1] =	sst s4  }
0xd: {  	[smem:$0x3FB2] =	sst s5  }
0xe: {  	[smem:$0x3FB3] =	sst s6  }
0xf: {  	[smem:$0x3FB4] =	sst s7  }
0x10: {  	[smem:$0x3FB5] =	sst s8  }
0x11: {  	[smem:$0x3FB6] =	sst s9;
	s0 =	simm.s32 @!p0 $0x0  }
0x12: {  	s1 =	sld [smem:$0x3F9C];
	s0 =	simm.s32 @p0 $0x1  }
0x13: {  	[smem:$0x3FB7] =	sst s0;
	s0 =	simm.s32 @!p1 $0x0  }
0x14: {  	s2 =	sld [smem:$0x3F9B];
	s0 =	simm.s32 @p1 $0x1  }
0x15: {  	[smem:$0x3FB8] =	sst s0;
	s0 =	simm.s32 @!p2 $0x0  }
0x16: {  	s3 =	sld [smem:$0x3FDB];
	s0 =	simm.s32 @p2 $0x1  }
0x17: {  	s4 =	simm.s32 $0x1BF5;
	[smem:$0x3FBA] =	sst s0  }
0x18: {  	s0 =	sld [smem:$0x3F9D];
	_ =	swait.ge [sflag:s4], $0x0  }
0x19: {  	s7 =	sld [smem:$0x3F9E]  }
0x1a: {  	s8 =	sadd.s32 $0xFFFFE003, lr  }
0x1b: {  	s9 =	sadd.s32 $0xFFFFFEF7, lr;
	s5 =	simm.s32 $0xFFFFFFFF;
	p2 =	slt.u32 s8, $0xFFFFF086  }
0x1c: {  	p1 =	slt.u32 s9, $0xF7A;
	s5 =	simm.s32 @!p2 $0x0  }
0x1d: {  	s5 =	simm.s32 @p1 $0x1;
	p0 =	seq.s32 s7, s2  }
0x1e: {  	s7 =	smul.u32 @!p0 $0xF7A, s2;
	p2 =	seq.s32 @!p0 s5, $0x0  }
0x1f: {  	s9 =	smul.u32 $0xF7A, s1;
	s8 =	simm.s32 @!p0 $0x1BF5;
	p2 =	por !p2, p0  }
0x20: {  	[sflag:s8] =	ssyncset.s32 @!p0 $0xFFFFF086;
	s6 =	sadd.s32 @!p0 s3, s7;
	s7 =	simm.s32 @!p0 $0x108  }
0x21: {  	s3 =	sadd.s32 s3, s9;
	s6 =	sadd.s32 @!p0 $0x88, s6;
	s7 =	simm.s32 @p2 $0x1082  }
0x22: {  	[simem:s7], [sflag:s8] =	dma.local @!p0 [hbm:s6], $0xF7A  }
0x23: {  	s9 =	sor.u32 $0xD0000000, s2;
	s6 =	simm.s32 $0x108;
	_ =	swait.ge @!p0 [sflag:s8], $0x0  }
0x24: {  	s3 =	sadd.s32 $0x88, s3;
	s6 =	simm.s32 @!p1 $0x1082;
	[sflag:s4] =	ssyncset.s32 $0xFFFFF086  }
0x25: {  	[simem:s6], [sflag:s4] =	dma.local [hbm:s3], $0xF7A  }
0x26: {  	[smem:$0x3F9E] =	sst s1;
	(tag) =	ssettag s2;
	_ =	strace s9  }
0x27: {  	s1 =	sld [smem:$0x3FAE]  }
0x28: {  	s2 =	sld [smem:$0x3FAF]  }
0x29: {  	s4 =	sld [smem:$0x3FB1]  }
0x2a: {  	p0 =	seq.s32 s5, $0x0;
	s5 =	sld [smem:$0x3FB2]  }
0x2b: {  	s6 =	sld [smem:$0x3FB3]  }
0x2c: {  	s7 =	sld [smem:$0x3FB4]  }
0x2d: {  	s3 =	simm.s32 $0x108;
	s8 =	sld [smem:$0x3FB5]  }
0x2e: {  	s3 =	simm.s32 @!p0 $0x1082;
	s9 =	sld [smem:$0x3FB6]  }
0x2f: {  	lr =	sadd.s32 s0, s3;
	s0 =	sld [smem:$0x3FAD]  }
0x30: {  	s3 =	sld [smem:$0x3FB0]  }
0x31: {  	[smem:$0x3FB9] =	sst s10  }
0x32: {  	s10 =	sld [smem:$0x3FB7];
	_ =	sdelay $0x3  }
0x33: {  	p0 =	seq.s32 s10, $0x1;
	s10 =	sld [smem:$0x3FB9];
	_ =	sdelay $0x3  }
0x34: {  	[smem:$0x3FB9] =	sst s10  }
0x35: {  	s10 =	sld [smem:$0x3FB8];
	_ =	sdelay $0x3  }
0x36: {  	p1 =	seq.s32 s10, $0x1;
	s10 =	sld [smem:$0x3FB9];
	_ =	sdelay $0x3  }
0x37: {  	[smem:$0x3FB9] =	sst s10  }
0x38: {  	s10 =	sld [smem:$0x3FBA]  }
0x39: {  	_ = 	snop;
	(pc) =	sbr.ind lr, $3  }
0x3a: {  	_ = 	snop  }
0x3b: {  	_ = 	snop  }
0x3c: {  	p2 =	seq.s32 s10, $0x1;
	s10 =	sld [smem:$0x3FB9]  }
0x3d: {  	_ =	shalt  }
0x3e: {  	_ =	shalt  }
0x3f: {  	_ =	shalt  }
0x40: {  	_ =	shalt  }
0x41: {  	_ =	shalt  }
0x42: {  	_ =	shalt  }
0x43: {  	_ =	shalt  }
0x44: {  	_ =	shalt  }
0x45: {  	_ =	shalt  }
0x46: {  	_ =	shalt  }
0x47: {  	_ =	shalt  }
0x48: {  	_ =	shalt  }
0x49: {  	_ =	shalt  }
0x4a: {  	_ =	shalt  }
0x4b: {  	_ =	shalt  }
0x4c: {  	_ =	shalt  }
0x4d: {  	_ =	shalt  }
0x4e: {  	_ =	shalt  }
0x4f: {  	_ =	shalt  }
0x50: {  	_ =	shalt  }
0x51: {  	_ =	shalt  }
0x52: {  	_ =	shalt  }
0x53: {  	_ =	shalt  }
0x54: {  	_ =	shalt  }
0x55: {  	_ =	shalt  }
0x56: {  	_ =	shalt  }
0x57: {  	_ =	shalt  }
0x58: {  	_ =	shalt  }
0x59: {  	_ =	shalt  }
0x5a: {  	_ =	shalt  }
0x5b: {  	_ =	shalt  }
0x5c: {  	_ =	shalt  }
0x5d: {  	_ =	shalt  }
0x5e: {  	_ =	shalt  }
0x5f: {  	_ =	shalt  }
0x60: {  	_ =	shalt  }
0x61: {  	_ =	shalt  }
0x62: {  	_ =	shalt  }
0x63: {  	_ =	shalt  }
0x64: {  	_ =	shalt  }
0x65: {  	_ =	shalt  }
0x66: {  	_ =	shalt  }
0x67: {  	_ =	shalt  }
0x68: {  	_ =	shalt  }
0x69: {  	_ =	shalt  }
0x6a: {  	_ =	shalt  }
0x6b: {  	_ =	shalt  }
0x6c: {  	_ =	shalt  }
0x6d: {  	_ =	shalt  }
0x6e: {  	_ =	shalt  }
0x6f: {  	_ =	shalt  }
0x70: {  	_ =	shalt  }
0x71: {  	_ =	shalt  }
0x72: {  	_ =	shalt  }
0x73: {  	_ =	shalt  }
0x74: {  	_ =	shalt  }
0x75: {  	_ =	shalt  }
0x76: {  	_ =	shalt  }
0x77: {  	_ =	shalt  }
0x78: {  	_ =	shalt  }
0x79: {  	_ =	shalt  }
0x7a: {  	_ =	shalt  }
0x7b: {  	_ =	shalt  }
0x7c: {  	_ =	shalt  }
0x7d: {  	_ =	shalt  }
0x7e: {  	_ =	shalt  }
0x7f: {  	_ =	shalt  }
0x80: {  	_ =	shalt  }
0x81: {  	_ =	shalt  }
0x82: {  	_ =	shalt  }
0x83: {  	_ =	shalt  }
0x84: {  	_ =	shalt  }
0x85: {  	_ =	shalt  }
0x86: {  	_ =	shalt  }
0x87: {  	_ =	shalt  }
.Lfunc_end0:
.L_simem_size_0:
called_computation_lowered:
.L_overlay_start_0:
0x88: {  	s2 =	sld [smem:$0x3FD9]  }
0x89: {  	s3 =	sld [smem:$0x3FFE];
	_ =	sdelay $0x1  }
0x8a: {  	s1 =	srdreg.scid  }
0x8b: {  	s0 =	sand.u32 $0x1, s1  }
0x8c: {  	s18 =	sshll.u32 s0, $0xA;
	s2 =	sadd.s32 s3, s2  }
0x8d: {  	s2 =	sadd.s32 s2, s18  }
0x8e: {  	[smem:$0x3FC5] =	sst s2  }
0x8f: {  	_ = 	snop  }
0x90: {  	s2 =	sld [smem:$0x3FC9]  }
0x91: {  	s19 =	sld [smem:$0x3FC8]  }
0x92: {  	s4 =	sld [smem:$0x3FC7]  }
0x93: {  	s5 =	sld [smem:$0x3FD0];
	(tm) =	ssettm $0x1  }
0x94: {  	s6 =	sld [smem:$0x3FFB];
	_ =	sdelay $0x3  }
0x95: {  	_ =	strace s6  }
0x96: {  	s6 =	sld [smem:$0x3FFC];
	_ =	sdelay $0x3  }
0x97: {  	_ =	strace s6  }
0x98: {  	s6 =	sld [smem:$0x3FFD];
	_ =	sdelay $0x3  }
0x99: {  	_ =	strace s6  }
0x9a: {  	_ =	strace $0x8FFFFFFF  }
0x9b: {  	s20 =	sld [smem:$0x3FDB];
	_ =	sdelay $0x1  }
0x9c: {  	s7 =	simm.s32 $_scs_section_size  }
0x9d: {  	s8 =	simm.s32 $_size__tile_overlayer_lowered;
	s9 =	simm.s32 $_tile_overlayer_lowered  }
0x9e: {  	s23 =	simm.s32 $0x1BFF;
	s22 =	sshll.u32 s9, $0x1;
	s6 =	sadd.s32 s7, s20  }
0x9f: {  	s10 =	simm.s32 $0x0;
	s21 =	sshll.u32 s8, $0x1;
	s8 =	sadd.s32 s22, s6  }
0xa0: {  	[timem:s10], [sflag:s23] =	dma.local [hbm:s8], s21  }
0xa1: {  	_ =	swait.ge [sflag:s23], s21  }
0xa2: {  	s7 =	ssub.s32 $0x0, s21;
	[sflag:s23] =	ssyncset.done $0x0  }
0xa3: {  	[sflag:s23] =	ssyncadd.s32 s7;
	_ =	sdelay $0x1  }
0xa4: {  	s24 =	simm.s32 $0x1B8B  }
0xa5: {  	_ =	swait.ge [sflag:s24], $0x1  }
0xa6: {  	[sflag:s24] =	ssyncset.done $0x0  }
0xa7: {  	s25 =	simm.s32 $0x1B8E;
	[sflag:s24] =	ssyncadd.s32 $0xFFFFFFFF  }
0xa8: {  	s26 =	simm.s32 $execute0_lowered;
	[smem:$0x3FD2] =	sst s25  }
0xa9: {  	s7 =	sshll.u32 s26, $0x1;
	_ =	strace $0x80000046;
	[dreg:$0x1] =	wrdreg $0xFFFFFFFF  }
0xaa: {  	s28 =	simm.s32 $_size_execute0_lowered;
	s6 =	sadd.s32 s6, s7;
	[dreg:$0x0] =	wrdreg $0x0  }
0xab: {  	s7 =	sshll.u32 s28, $0x1;
	[dreg:$0x2] =	wrdreg s6  }
0xac: {  	[dreg:$0x3] =	wrdreg s7  }
0xad: {  	[dreg:$0x4] =	wrdreg $0xC0  }
0xae: {  	_ =	task [dreg:s10], $0x5FFFF  }
0xaf: {  	[dreg:$0x1] =	wrdreg $0xFFFFFFFF  }
0xb0: {  	[dreg:$0x0] =	wrdreg $0x60  }
0xb1: {  	[dreg:$0x2] =	wrdreg s2  }
0xb2: {  	[dreg:$0x3] =	wrdreg s19  }
0xb3: {  	[dreg:$0x4] =	wrdreg s4  }
0xb4: {  	[dreg:$0x5] =	wrdreg s5  }
0xb5: {  	[dreg:$0x6] =	wrdreg $0x9  }
0xb6: {  	_ =	task.clear_ibuf [dreg:s10], $0x7FFFF;
	_ =	strace $0x90000046  }
0xb7: {  	s29 =	simm.s32 $0x9;
	_ =	strace $0x80000048  }
0xb8: {  	_ =	swait.ge [sflag:s29], $0x1  }
0xb9: {  	[sflag:s29] =	ssyncadd.s32 $0xFFFFFFFF  }
0xba: {  	_ =	strace $0x90000048  }
0xbb: {  	_ =	sfence  }
0xbc: {  	s30 =	sld [smem:$0x0];
	_ =	sdelay $0x2  }
0xbd: {  	s31 =	sshll.u32 s1, $0xD;
	s1 =	sshrl.u32 s1, $0x2  }
0xbe: {  	s3 =	sand.u32 $0x4000, s31;
	s1 =	sadd.s32 s1, s30  }
0xbf: {  	s0 =	sor.u32 s3, s0;
	s1 =	sshll.u32 s1, $0x11  }
0xc0: {  	s0 =	sor.u32 s1, s0  }
0xc1: {  	s0 =	sadd.s32 $0x8F2B, s0  }
0xc2: {  	[sflag:s0] =	ssyncadd.remote.s32 $0x1  }
0xc3: {  	_ =	sfence.sel $0xFFFF  }
0xc4: {  	[dreg:$0x0] =	wrdreg $0xFFFFFFFF;
	(pc) =	sbr.abs _section_cstart, $3  }
0xc5: {  	[dreg:$0x1] =	wrdreg $0xFFFFFFFF  }
0xc6: {  	_ =	task.clear_ibuf [dreg:s10], $0x2FFFF;
	_ =	strace $0x9FFFFFFF  }
0xc7: {  	(tm) =	ssettm $0x7FFFFFFF  }
tec
execute0_lowered:
.L_overlay_start_1:
0x0: {  	(tag) =	ssettag $0x1  }
0x1: {  	s0 =	srdreg.scid;
	s1 =	stileid.u32  }
0x2: {  	s4 =	rddreg [dreg:$0x2];
	s0 =	sand.u32 $0x1, s0;
	s1 =	sshll.u32 s1, $0x1  }
0x3: {  	s5 =	rddreg [dreg:$0x3];
	s7 =	sor.u32 s0, s1  }
0x4: {  	s6 =	simm.s32 $0x0;
	s14 =	simm.s32 $0x1;
	s1 =	smul.u32 $0x1E00, s7  }
.Ltmp0:
0x5: {  	s15 =	simm.s32 $0x2;
	s2 =	ssub.s32 $0x2, s0;
	(pc) =	sbr.rel .LBB2_1-.Ltmp0, $4  }
0x6: {  	s16 =	simm.s32 $0xF000;
	[smem:$0x7FF] =	sst s6;
	s30 =	sshrl.u32 s2, $0x1  }
0x7: {  	_ =	strace $0x80000047;
	s0 =	ssub.s32 s2, s30;
	s1 =	sadd.s32 s4, s1  }
0x8: {  	s31 =	ssub.s32 $0x290, s7;
	s0 =	smax.u32 s0, $0x1;
	[dreg:$0x5] =	wrdreg s1  }
0x9: {  	s8 =	sshrl.u32 s31, $0x5;
	s2 =	simm.s32 $0x0;
	[dreg:$0x6] =	wrdreg s0  }
.LBB2_9:
0xa: {  	s0 =	simm.s32 $0x3  }
0xb: {  	_ =	swait.ge [sflag:s0], $0xF000  }
0xc: {  	[sflag:s0] =	ssyncset.done $0x0  }
0xd: {  	s1 =	simm.s32 $0x4;
	[sflag:s0] =	ssyncadd.s32 $0xFFFF1000  }
0xe: {  	_ =	swait.ge [sflag:s1], $0xF000  }
0xf: {  	s2 =	rddreg [dreg:$0x7]  }
0x10: {  	s31 =	rddreg [dreg:$0x6];
	s2 =	sadd.s32 $0x1, s2  }
0x11: {  	p0 =	sne.s32 s2, s31  }
.Ltmp1:
0x12: {  	_ = 	snop;
	(pc) =	sbr.rel @!p0 .LBB2_10-.Ltmp1, $3  }
0x13: {  	_ =	sdelay $0x1  }
0x14: {  	[sflag:s1] =	ssyncset.done $0x0  }
0x15: {  	[sflag:s1] =	ssyncadd.s32 $0xFFFF1000  }
.LBB2_1:
0x16: {  	[dreg:$0x7] =	wrdreg s2  }
0x17: {  	s0 =	rddreg [dreg:$0x0];
	s1 =	simm.s32 $0x1E000;
	s28 =	simm.s32 $0x5  }
0x18: {  	[tilespmem:s1], [sflag:$0x5] =	stream.linear.gather [hbm4b:s0+s6], $0x100, $0x38;
	[tilespmem:$0x1E180] =	vst v63  }
0x19: {  	_ =	swait.ge [sflag:s28], $0x100  }
0x1a: {  	[sflag:s28] =	ssyncset.done $0x0  }
0x1b: {  	[sflag:s28] =	ssyncadd.s32 $0xFFFFFF00  }
0x1c: {  	s30 =	simm.s32 $0x1E100;
	s29 =	rddreg [dreg:$0x1]  }
0x1d: {  	[tilespmem:s30], [sflag:$0x5] =	stream.linear.gather [hbm4b:s29+s6], $0x80, $0x38;
	[tilespmem:$0x1E180] =	vst v63  }
0x1e: {  	_ =	swait.ge [sflag:s28], $0x80  }
0x1f: {  	[sflag:s28] =	ssyncset.done $0x0  }
0x20: {  	[sflag:s28] =	ssyncadd.s32 $0xFFFFFF80  }
0x21: {  	v0 =	vld [tilespmem:$0x1E100];
	_ =	sdelay $0x4  }
0x22: {  	(v2sf) =	vpush v0, $0x0;
	_ =	sdelay $0xb  }
.Ltmp2:
0x23: {  	_ = 	snop;
	(pc) =	sbr.rel .LBB2_2-.Ltmp2, $4  }
0x24: {  	s31 =	rddreg [dreg:$0x5]  }
0x25: {  	[tilespmem:s6], [sflag:$0x1] =	stream.linear.gather [hbm4b:s31+s6], $0xF000, $0x38;
	[tilespmem:$0x1E180] =	vst v63  }
0x26: {  	s20 =	spop (v2sf)  }
0x27: {  	s22 =	simm.s32 $0x0;
	s21 =	sadd.s32 $0x1, s20  }
.LBB2_8:
0x28: {  	s22 =	sadd.s32 $0x1, s22  }
0x29: {  	p0 =	sne.s32 s22, $0xA  }
.Ltmp3:
0x2a: {  	_ = 	snop;
	(pc) =	sbr.rel @!p0 .LBB2_9-.Ltmp3, $1  }
0x2b: {  	_ =	sdelay $0x3  }
.LBB2_2:
0x2c: {  	s23 =	sshllo.u32 s22, $0x1  }
0x2d: {  	p0 =	sge.u32 s23, s8  }
0x2e: {  	_ =	swait.ge [sflag:s14], $0xF000;
	s2 =	sshll.u32 s22, $0x6;
	p1 =	seq.s32 @!p0 s22, $0x0  }
0x2f: {  	[sflag:s14] =	ssyncset.done $0x0;
	s0 =	sshll.u32 @!p0 s23, $0x5;
	p1 =	por p1, p0  }
0x30: {  	[sflag:s14] =	ssyncadd.s32 $0xFFFF1000;
	s0 =	sor.u32 @!p0 s7, s0;
	s1 =	simm.s32 @!p1 $0x4  }
0x31: {  	s24 =	sor.u32 s7, s2;
	s0 =	smul.u32 @!p0 $0x1E00, s0;
	_ =	swait.ge @!p1 [sflag:s1], $0xF000  }
0x32: {  	s2 =	simm.s32 @!p0 $0xF000;
	s3 =	smul.u32 $0x1E0, s24;
	[sflag:s1] =	ssyncset.done @!p1 $0x0  }
0x33: {  	s0 =	sadd.s32 @!p0 s4, s0;
	[sflag:s1] =	ssyncadd.s32 @!p1 $0xFFFF1000;
	s1 =	simm.s32 @!p0 $0x0  }
0x34: {  	[tilespmem:s2], [sflag:$0x2] =	stream.linear.gather @!p0 [hbm4b:s0+s1], $0xF000, $0x38;
	[tilespmem:$0x1E180] =	vst v63  }
0x35: {  	s0 =	ssub.s32 s20, s3  }
0x36: {  	p1 =	sgt.u32 s0, $0x1DF  }
0x37: {  	v0 =	vld @!p1 [tilespmem:$0x1E000];
	_ =	sdelay $0x2  }
0x38: {  	s0 =	sshll.u32 @!p1 s0, $0x7  }
0x39: {  	s0 =	sand.u32 @!p1 $0x3FFFFF80, s0  }
0x3a: {  	[tilespmem:s0+$0x0] =	vst @!p1 v0  }
0x3b: {  	v0 =	vld @!p1 [tilespmem:$0x1E010];
	_ =	sdelay $0x4  }
0x3c: {  	[tilespmem:s0+$0x10] =	vst @!p1 v0  }
0x3d: {  	v0 =	vld @!p1 [tilespmem:$0x1E020];
	_ =	sdelay $0x4  }
0x3e: {  	[tilespmem:s0+$0x20] =	vst @!p1 v0  }
0x3f: {  	v0 =	vld @!p1 [tilespmem:$0x1E030];
	_ =	sdelay $0x4  }
0x40: {  	[tilespmem:s0+$0x30] =	vst @!p1 v0  }
0x41: {  	v0 =	vld @!p1 [tilespmem:$0x1E040];
	_ =	sdelay $0x4  }
0x42: {  	[tilespmem:s0+$0x40] =	vst @!p1 v0  }
0x43: {  	v0 =	vld @!p1 [tilespmem:$0x1E050];
	_ =	sdelay $0x4  }
0x44: {  	[tilespmem:s0+$0x50] =	vst @!p1 v0  }
0x45: {  	v0 =	vld @!p1 [tilespmem:$0x1E060];
	_ =	sdelay $0x4  }
0x46: {  	[tilespmem:s0+$0x60] =	vst @!p1 v0  }
0x47: {  	v0 =	vld @!p1 [tilespmem:$0x1E070];
	_ =	sdelay $0x3  }
0x48: {  	s1 =	ssub.s32 s21, s3  }
0x49: {  	[tilespmem:s0+$0x70] =	vst @!p1 v0;
	p1 =	sgt.u32 s1, $0x1DF  }
0x4a: {  	v0 =	vld @!p1 [tilespmem:$0x1E080];
	_ =	sdelay $0x2  }
0x4b: {  	s0 =	sshll.u32 @!p1 s1, $0x7  }
0x4c: {  	s0 =	sand.u32 @!p1 $0x3FFFFF80, s0  }
0x4d: {  	[tilespmem:s0+$0x0] =	vst @!p1 v0  }
0x4e: {  	v0 =	vld @!p1 [tilespmem:$0x1E090];
	_ =	sdelay $0x4  }
0x4f: {  	[tilespmem:s0+$0x10] =	vst @!p1 v0  }
0x50: {  	v0 =	vld @!p1 [tilespmem:$0x1E0A0];
	_ =	sdelay $0x4  }
0x51: {  	[tilespmem:s0+$0x20] =	vst @!p1 v0  }
0x52: {  	v0 =	vld @!p1 [tilespmem:$0x1E0B0];
	_ =	sdelay $0x4  }
0x53: {  	[tilespmem:s0+$0x30] =	vst @!p1 v0  }
0x54: {  	v0 =	vld @!p1 [tilespmem:$0x1E0C0];
	_ =	sdelay $0x4  }
0x55: {  	[tilespmem:s0+$0x40] =	vst @!p1 v0  }
0x56: {  	v0 =	vld @!p1 [tilespmem:$0x1E0D0];
	_ =	sdelay $0x4  }
0x57: {  	[tilespmem:s0+$0x50] =	vst @!p1 v0  }
0x58: {  	v0 =	vld @!p1 [tilespmem:$0x1E0E0];
	_ =	sdelay $0x4  }
0x59: {  	[tilespmem:s0+$0x60] =	vst @!p1 v0  }
0x5a: {  	v0 =	vld @!p1 [tilespmem:$0x1E0F0];
	_ =	sdelay $0x4  }
0x5b: {  	s28 =	simm.s32 $0x80;
	[tilespmem:s0+$0x70] =	vst @!p1 v0  }
0x5c: {  	v42 =	vld [tilespmem:s28+$0x0]  }
0x5d: {  	v41 =	vld [tilespmem:s28+$0x10]  }
0x5e: {  	v43 =	vld [tilespmem:s28+$0xFFFFFF90]  }
0x5f: {  	v52 =	vld [tilespmem:s28+$0x20]  }
0x60: {  	v44 =	vld [tilespmem:s28+$0xFFFFFF80]  }
0x61: {  	v50 =	vld [tilespmem:s28+$0x30]  }
0x62: {  	v46 =	vld [tilespmem:s28+$0xFFFFFFA0];
	v0 =	vmul.f32 v42, v42;
	v1 =	vmul.f32 v41, v41  }
0x63: {  	v49 =	vld [tilespmem:s28+$0x40]  }
0x64: {  	v47 =	vld [tilespmem:s28+$0xFFFFFFB0];
	v0 =	vadd.f32 v1, v0;
	v1 =	vmul.f32 v52, v52  }
0x65: {  	v51 =	vld [tilespmem:s28+$0x50];
	v2 =	vmul.f32 v43, v43;
	v3 =	vmul.f32 v44, v44  }
0x66: {  	v53 =	vld [tilespmem:s28+$0xFFFFFFC0];
	v0 =	vadd.f32 v1, v0;
	v1 =	vmul.f32 v50, v50  }
0x67: {  	v23 =	vld [tilespmem:s28+$0x60];
	v2 =	vadd.f32 v2, v3;
	v3 =	vmul.f32 v46, v46  }
0x68: {  	v54 =	vld [tilespmem:s28+$0xFFFFFFD0];
	v0 =	vadd.f32 v1, v0;
	v1 =	vmul.f32 v49, v49  }
0x69: {  	v39 =	vld [tilespmem:s28+$0x70];
	v2 =	vadd.f32 v3, v2;
	v3 =	vmul.f32 v47, v47  }
0x6a: {  	v55 =	vld [tilespmem:s28+$0xFFFFFFE0];
	v0 =	vadd.f32 v1, v0;
	v1 =	vmul.f32 v51, v51  }
0x6b: {  	v2 =	vadd.f32 v3, v2;
	v3 =	vmul.f32 v53, v53  }
0x6c: {  	v56 =	vld [tilespmem:s28+$0xFFFFFFF0];
	v0 =	vadd.f32 v1, v0;
	v1 =	vmul.f32 v23, v23  }
0x6d: {  	v2 =	vadd.f32 v3, v2;
	v3 =	vmul.f32 v54, v54  }
0x6e: {  	v0 =	vadd.f32 v1, v0;
	v1 =	vmul.f32 v39, v39  }
0x6f: {  	s25 =	simm.s32 $0x180;
	v2 =	vadd.f32 v3, v2;
	v3 =	vmul.f32 v55, v55  }
0x70: {  	v14 =	vld [tilespmem:s25+$0x0];
	v0 =	vadd.f32 v1, v0  }
0x71: {  	v15 =	vld [tilespmem:s25+$0x10];
	v2 =	vadd.f32 v3, v2;
	v1 =	vmul.f32 v56, v56  }
0x72: {  	v18 =	vld [tilespmem:s25+$0xFFFFFF90];
	(xrf2) =	vadd.scan.msk.f32 $0xffff, v0  }
0x73: {  	v19 =	vld [tilespmem:s25+$0xFFFFFF80];
	v0 =	vadd.f32 v1, v2  }
0x74: {  	v2 =	vld [tilespmem:s25+$0x20]  }
0x75: {  	v6 =	vld [tilespmem:s25+$0x30];
	(xrf2) =	vadd.scan.msk.f32 $0xffff, v0  }
0x76: {  	v32 =	vld [tilespmem:s25+$0xFFFFFFA0]  }
0x77: {  	v3 =	vmul.f32 v15, v15;
	v0 =	vmul.f32 v14, v14  }
0x78: {  	v1 =	vld [tilespmem:s25+$0x40]  }
0x79: {  	v17 =	vld [tilespmem:s25+$0xFFFFFFB0];
	v0 =	vadd.f32 v3, v0;
	[tilespmem:$0x1FFF0] =	vst v2;
	v4 =	vmul.f32 v2, v2  }
0x7a: {  	v5 =	vmul.f32 v18, v18;
	v2 =	vmul.f32 v19, v19;
	v10 =	vld [tilespmem:s25+$0x50]  }
0x7b: {  	v9 =	vmul.f32 v32, v32;
	v13 =	vld [tilespmem:s25+$0xFFFFFFC0];
	v0 =	vadd.f32 v4, v0;
	v4 =	vmul.f32 v6, v6  }
0x7c: {  	v7 =	vmov v6;
	v5 =	vadd.f32 v5, v2;
	v6 =	vld [tilespmem:s25+$0x60];
	v8, _, _ =	vpop (xrf2)  }
0x7d: {  	v25 =	vld [tilespmem:s25+$0xFFFFFFD0];
	v0 =	vadd.f32 v4, v0;
	v4 =	vmul.f32 v1, v1;
	(v2sf) =	vpush v8, $0xF  }
0x7e: {  	v34 =	vld [tilespmem:s25+$0x70];
	v5 =	vadd.f32 v9, v5;
	v8 =	vmul.f32 v17, v17  }
0x7f: {  	v22 =	vld [tilespmem:s25+$0xFFFFFFE0];
	v2 =	vmov v1;
	v0 =	vadd.f32 v4, v0;
	v1 =	vmul.f32 v10, v10;
	v9, _, _ =	vpop (xrf2)  }
0x80: {  	(v2sf) =	vpush v9, $0xF;
	v5 =	vadd.f32 v8, v5;
	v8 =	vmul.f32 v13, v13  }
0x81: {  	v24 =	vld [tilespmem:s25+$0xFFFFFFF0];
	v0 =	vadd.f32 v1, v0;
	v1 =	vmul.f32 v6, v6  }
0x82: {  	v5 =	vadd.f32 v8, v5;
	v8 =	vmul.f32 v25, v25  }
0x83: {  	v0 =	vadd.f32 v1, v0;
	v1 =	vmul.f32 v34, v34  }
0x84: {  	v5 =	vadd.f32 v8, v5;
	v8 =	vmul.f32 v22, v22  }
0x85: {  	s26 =	simm.s32 $0x280;
	v0 =	vadd.f32 v1, v0  }
0x86: {  	v16 =	vld [tilespmem:s26+$0x10];
	v1 =	vmul.f32 v24, v24;
	v5 =	vadd.f32 v8, v5  }
0x87: {  	v4 =	vmov v10;
	v10 =	vld [tilespmem:s26+$0x0];
	(xrf2) =	vadd.scan.msk.f32 $0xffff, v0  }
0x88: {  	v0 =	vadd.f32 v1, v5;
	v1 =	vld [tilespmem:s26+$0x20];
	_ =	sdelay $0x1  }
0x89: {  	v11 =	vld [tilespmem:s26+$0xFFFFFF90]  }
0x8a: {  	v36 =	vld [tilespmem:s26+$0xFFFFFF80];
	(xrf2) =	vadd.scan.msk.f32 $0xffff, v0  }
0x8b: {  	v9 =	vmul.f32 v16, v16;
	v0 =	vld [tilespmem:s26+$0x30];
	s1 =	spop (v2sf)  }
0x8c: {  	v21 =	vld [tilespmem:s26+$0xFFFFFFA0];
	v8 =	vmul.f32 v10, v10;
	v26 =	vmul.f32 v1, v1;
	s19 =	sshrl.u32 s1, $0x1;
	s2 =	smul.f32 $5.000000000e-01, s1  }
0x8d: {  	v31 =	vld [tilespmem:s26+$0x40];
	s0 =	ssub.s32 $0x5F3759DF, s19  }
0x8e: {  	v12 =	vld [tilespmem:s26+$0xFFFFFFB0];
	v9 =	vadd.f32 v9, v8;
	s12 =	spop (v2sf);
	s9 =	smul.f32 s0, s2  }
0x8f: {  	v27 =	vmul.f32 v11, v11;
	v28 =	vmul.f32 v36, v36;
	v8 =	vld [tilespmem:s26+$0x50];
	s10 =	sshrl.u32 s12, $0x1;
	s11 =	smul.f32 $5.000000000e-01, s12  }
0x90: {  	v20 =	vld [tilespmem:s26+$0xFFFFFFC0];
	v29 =	vadd.f32 v26, v9;
	v30 =	vmul.f32 v0, v0;
	s10 =	ssub.s32 $0x5F3759DF, s10;
	v26, _, _ =	vpop (xrf2);
	s9 =	smul.f32 s0, s9  }
0x91: {  	v27 =	vadd.f32 v27, v28;
	v28 =	vmul.f32 v21, v21;
	v9 =	vld [tilespmem:s26+$0x60];
	s13 =	smul.f32 s10, s11;
	(v2sf) =	vpush v26, $0xF  }
0x92: {  	v37 =	vld [tilespmem:s26+$0x70];
	v29 =	vadd.f32 v30, v29;
	v30 =	vmul.f32 v31, v31;
	s9 =	ssub.f32 $1.500000000e+00, s9  }
0x93: {  	v27 =	vadd.f32 v28, v27;
	v5 =	vmov v31;
	v31 =	vmul.f32 v12, v12;
	v26 =	vld [tilespmem:s26+$0xFFFFFFD0];
	s13 =	smul.f32 s10, s13  }
0x94: {  	v29 =	vadd.f32 v30, v29;
	v30 =	vmul.f32 v8, v8;
	v33, _, _ =	vpop (xrf2);
	s0 =	smul.f32 s0, s9  }
0x95: {  	v59 =	vmul.f32 v20, v20;
	v28 =	vld [tilespmem:s26+$0xFFFFFFE0];
	v27 =	vadd.f32 v31, v27;
	(v2sf) =	vpush v33, $0xF;
	s17 =	ssub.f32 $1.500000000e+00, s13  }
0x96: {  	v29 =	vadd.f32 v30, v29;
	v30 =	vmul.f32 v9, v9;
	s3 =	smul.f32 s0, s2  }
0x97: {  	v31 =	vld [tilespmem:s26+$0xFFFFFFF0];
	v27 =	vadd.f32 v59, v27;
	s9 =	smul.f32 s10, s17  }
0x98: {  	v60 =	vmul.f32 v26, v26;
	v29 =	vadd.f32 v30, v29;
	v30 =	vmul.f32 v37, v37;
	s3 =	smul.f32 s3, s0  }
0x99: {  	s10 =	smul.f32 s9, s11  }
0x9a: {  	s29 =	simm.s32 $0x380;
	v61 =	vmul.f32 v28, v28;
	v27 =	vadd.f32 v60, v27;
	v30 =	vadd.f32 v30, v29;
	s3 =	ssub.f32 $1.500000000e+00, s3  }
0x9b: {  	v29 =	vld [tilespmem:s29+$0x0];
	s10 =	smul.f32 s10, s9  }
0x9c: {  	v35 =	vmul.f32 v31, v31;
	v27 =	vadd.f32 v61, v27;
	(xrf2) =	vadd.scan.msk.f32 $0xffff, v30;
	v30 =	vld [tilespmem:s29+$0x10];
	s0 =	smul.f32 s3, s0  }
0x9d: {  	s18 =	ssub.f32 $1.500000000e+00, s10  }
0x9e: {  	v33 =	vadd.f32 v35, v27;
	v35 =	vld [tilespmem:s29+$0xFFFFFF90];
	s19 =	smul.f32 s0, s1  }
0x9f: {  	v27 =	vld [tilespmem:s29+$0x20];
	s1 =	smul.f32 s18, s9  }
0xa0: {  	(xrf2) =	vadd.scan.msk.f32 $0xffff, v33;
	v33 =	vld [tilespmem:s29+$0xFFFFFF80];
	s31 =	spop (v2sf)  }
0xa1: {  	v45 =	vmul.f32 v29, v29;
	v48 =	vmul.f32 v30, v30;
	p1 =	sgt.f32 s19, $9.999999960e-13;
	s2 =	smul.f32 s1, s12;
	s11 =	sshrl.u32 s31, $0x1  }
0xa2: {  	v38 =	vld [tilespmem:s29+$0x30];
	s12 =	smul.f32 $5.000000000e-01, s31;
	s3 =	ssub.s32 $0x5F3759DF, s11  }
0xa3: {  	v40 =	vld [tilespmem:s29+$0xFFFFFFA0];
	v58 =	vmul.f32 v35, v35;
	v45 =	vadd.f32 v48, v45;
	s0 =	simm.s32 @!p1 $0x5368D4A5;
	p1 =	sgt.f32 s2, $9.999999960e-13  }
0xa4: {  	v48 =	vmul.f32 v27, v27;
	s13 =	smul.f32 s3, s12;
	s2 =	spop (v2sf);
	v57 =	vmul.f32 s0, v39;
	v39 =	vld [tilespmem:s29+$0x40]  }
0xa5: {  	v61 =	vmul.f32 v33, v33;
	v59 =	vmul.f32 s0, v42;
	v42 =	vld [tilespmem:s29+$0xFFFFFFB0];
	s17 =	sshrl.u32 s2, $0x1;
	s18 =	smul.f32 $5.000000000e-01, s2;
	s1 =	simm.s32 @!p1 $0x5368D4A5  }
0xa6: {  	v48 =	vadd.f32 v48, v45;
	v60 =	vmul.f32 s0, v41;
	v41 =	vld [tilespmem:s29+$0x50];
	s11 =	ssub.s32 $0x5F3759DF, s17;
	s10 =	smul.f32 s3, s13;
	v62 =	vmul.f32 s1, v44;
	[tilespmem:s28+$0x70] =	vst v57  }
0xa7: {  	v45, _, _ =	vpop (xrf2);
	v58 =	vadd.f32 v58, v61;
	v44 =	vld [tilespmem:s29+$0xFFFFFFC0];
	v57 =	vmul.f32 v38, v38;
	s30 =	smul.f32 s11, s18;
	v63 =	vmul.f32 s1, v43;
	[tilespmem:s28+$0x0] =	vst v59  }
0xa8: {  	v59 =	vmul.f32 v40, v40;
	v43 =	vld [tilespmem:s29+$0x60];
	(v2sf) =	vpush v45, $0xF;
	[tilespmem:s28+$0x10] =	vst v60;
	v60 =	vmul.f32 s1, v46;
	s10 =	ssub.f32 $1.500000000e+00, s10  }
0xa9: {  	v45 =	vld [tilespmem:s29+$0xFFFFFFD0];
	v53 =	vmul.f32 s1, v53;
	v48 =	vadd.f32 v57, v48;
	s30 =	smul.f32 s11, s30;
	[tilespmem:s28+$0xFFFFFF80] =	vst v62;
	v57 =	vmul.f32 v39, v39  }
0xaa: {  	v46 =	vld [tilespmem:s29+$0x70];
	v54 =	vmul.f32 s1, v54;
	v58 =	vadd.f32 v59, v58;
	[tilespmem:s28+$0xFFFFFF90] =	vst v63;
	v59 =	vmul.f32 v42, v42;
	s17 =	smul.f32 s3, s10  }
0xab: {  	v62 =	vmul.f32 s1, v47;
	v47 =	vld [tilespmem:s29+$0xFFFFFFE0];
	[tilespmem:s28+$0xFFFFFFA0] =	vst v60;
	v63 =	vmul.f32 v41, v41;
	s19 =	ssub.f32 $1.500000000e+00, s30;
	v57 =	vadd.f32 v57, v48  }
0xac: {  	[tilespmem:s28+$0xFFFFFFC0] =	vst v53;
	v53 =	vmul.f32 s1, v55;
	v48 =	vld [tilespmem:s29+$0xFFFFFFF0];
	v58 =	vadd.f32 v59, v58;
	v59 =	vmul.f32 v44, v44;
	s10 =	smul.f32 s17, s12  }
0xad: {  	v61, _, _ =	vpop (xrf2);
	[tilespmem:s28+$0xFFFFFFD0] =	vst v54;
	v54 =	vmul.f32 s1, v56;
	v60 =	vmul.f32 v43, v43;
	s9 =	smul.f32 s11, s19;
	v57 =	vadd.f32 v63, v57  }
0xae: {  	(v2sf) =	vpush v61, $0xF;
	[tilespmem:s28+$0xFFFFFFB0] =	vst v62;
	v62 =	vmul.f32 v45, v45;
	v58 =	vadd.f32 v59, v58;
	s12 =	smul.f32 s10, s17  }
0xaf: {  	[tilespmem:s28+$0xFFFFFFF0] =	vst v54;
	v54 =	vmul.f32 s0, v51;
	v63 =	vmul.f32 s0, v52;
	s18 =	smul.f32 s9, s18;
	v55 =	vadd.f32 v60, v57  }
0xb0: {  	v57 =	vmul.f32 v46, v46;
	v59 =	vadd.f32 v62, v58;
	v60 =	vmul.f32 v47, v47;
	s19 =	ssub.f32 $1.500000000e+00, s12  }
0xb1: {  	v3 =	vmovc v6;
	v6 =	vmov v1;
	s1 =	simm.s32 $0x6;
	[tilespmem:s28+$0xFFFFFFE0] =	vst v53;
	v52 =	vmul.f32 s0, v50;
	v56 =	vmul.f32 v48, v48;
	s10 =	smul.f32 s18, s9  }
0xb2: {  	v1 =	vmovc v0;
	s3 =	simm.s32 $0x480;
	s30 =	sshll.u32 s22, $0x1;
	[tilespmem:s28+$0x20] =	vst v63;
	v58 =	vadd.f32 v57, v55;
	v57 =	vadd.f32 v60, v59;
	s11 =	smul.f32 s19, s17;
	v55 =	vmul.f32 s0, v49  }
.LBB2_3:
0xb3: {  	v59 =	vld [tilespmem:s3+$0x0];
	[tilespmem:s28+$0x30] =	vst v52  }
0xb4: {  	v49 =	vmovc v1;
	v1 =	vmov v38;
	v50 =	vmov v2;
	v2 =	vmov v5;
	s10 =	ssub.f32 $1.500000000e+00, s10;
	s17 =	smul.f32 s11, s31;
	v61 =	vld [tilespmem:s3+$0x10]  }
0xb5: {  	v5 =	vmovc v39;
	v60 =	vmovc v17;
	v17 =	vmov v12;
	v52 =	vmov v40;
	v40 =	vadd.f32 v56, v57;
	v57 =	vld [tilespmem:s3+$0xFFFFFF80]  }
0xb6: {  	v12 =	vmovc v42;
	v51 =	vmovc v4;
	v4 =	vmov v8;
	v8 =	vmov v41;
	v62 =	vmov v24;
	[tilespmem:s28+$0x40] =	vst v55;
	v55 =	vld [tilespmem:s3+$0xFFFFFF90];
	s13 =	smul.f32 s10, s9;
	p2 =	sgt.f32 s17, $9.999999960e-13  }
0xb7: {  	v24 =	vmovc v31;
	v31 =	vmov v48;
	(xrf2) =	vadd.scan.msk.f32 $0xffff, v58;
	v58 =	vmul.f32 s0, v23;
	[tilespmem:s28+$0x50] =	vst v54;
	s0 =	smov.u32 s11  }
0xb8: {  	v23 =	vmovc v3;
	v3 =	vmov v9;
	v9 =	vmov v43;
	(xrf2) =	vadd.scan.msk.f32 $0xffff, v40;
	v40 =	vld [tilespmem:s3+$0xFFFFFFA0];
	s2 =	smul.f32 s13, s2;
	v41 =	vmul.f32 v59, v59;
	s0 =	simm.s32 @!p2 $0x5368D4A5  }
0xb9: {  	v56 =	vmovc v25;
	v53 =	vld [tilespmem:s3+$0x20];
	v63 =	vmul.f32 s0, v34;
	v34 =	vmovc v37;
	v37 =	vmov v46;
	v48 =	vmul.f32 v61, v61  }
0xba: {  	v42 =	vld [tilespmem:s3+$0xFFFFFFB0];
	[tilespmem:s28+$0x60] =	vst v58;
	v46 =	vmul.f32 s0, v14;
	v14 =	vmovc v10;
	v10 =	vmovc v29;
	v29 =	vmov v59;
	v59 =	vmul.f32 v57, v57;
	s31 =	spop (v2sf);
	p2 =	sgt.f32 s2, $9.999999960e-13  }
0xbb: {  	v25 =	vmovc v26;
	v26 =	vmovc v45;
	v38 =	vld [tilespmem:s3+$0x30];
	v45 =	vmul.f32 v55, v55;
	s18 =	sshrl.u32 s31, $0x1;
	s19 =	smul.f32 $5.000000000e-01, s31;
	v43 =	vadd.f32 v48, v41;
	v48 =	vmul.f32 s0, v15  }
0xbc: {  	v54 =	vmovc v13;
	v13 =	vmovc v20;
	v20 =	vmov v44;
	v44 =	vld [tilespmem:s3+$0xFFFFFFC0];
	s28 =	smov.u32 s25;
	s10 =	ssub.s32 $0x5F3759DF, s18;
	s13 =	simm.s32 @!p2 $0x5368D4A5;
	v15 =	vmov v16;
	v16 =	vmov v30  }
0xbd: {  	v39 =	vld [tilespmem:s3+$0x40];
	s2 =	spop (v2sf);
	v30 =	vmovc v61;
	s17 =	smul.f32 s10, s19;
	v61 =	vmul.f32 s13, v18;
	[tilespmem:s28+$0x10] =	vst v48;
	v48 =	vadd.f32 v45, v59;
	v59 =	vmul.f32 v40, v40  }
0xbe: {  	v58 =	vmov v22;
	v0 =	vmul.f32 v53, v53;
	[tilespmem:s28+$0x70] =	vst v63;
	s18 =	sshrl.u32 s2, $0x1;
	s11 =	smul.f32 $5.000000000e-01, s2;
	v45 =	vld [tilespmem:s3+$0xFFFFFFD0]  }
0xbf: {  	v22 =	vmovc v28;
	v28 =	vmov v47;
	v41 =	vld [tilespmem:s3+$0x50];
	s18 =	ssub.s32 $0x5F3759DF, s18;
	s17 =	smul.f32 s10, s17;
	[tilespmem:s28+$0xFFFFFF90] =	vst v61;
	v61 =	vmul.f32 v42, v42;
	v59 =	vadd.f32 v59, v48  }
0xc0: {  	[tilespmem:s28+$0x0] =	vst v46;
	v46 =	vmul.f32 v38, v38;
	v63 =	vmul.f32 s13, v19;
	v19 =	vmovc v36;
	v36 =	vadd.f32 v0, v43;
	s12 =	smul.f32 s18, s11  }
0xc1: {  	v18 =	vmovc v11;
	v11 =	vmovc v35;
	v35 =	vmov v55;
	s17 =	ssub.f32 $1.500000000e+00, s17;
	v55 =	vadd.f32 v61, v59;
	v59 =	vmul.f32 v44, v44  }
0xc2: {  	v32 =	vmul.f32 s13, v32;
	v47, _, _ =	vpop (xrf2);
	v43 =	vld [tilespmem:s3+$0x60];
	[tilespmem:s28+$0xFFFFFF80] =	vst v63;
	v63 =	vmul.f32 v39, v39;
	v36 =	vadd.f32 v46, v36;
	s12 =	smul.f32 s18, s12  }
0xc3: {  	(v2sf) =	vpush v47, $0xF;
	v47 =	vld [tilespmem:s3+$0xFFFFFFE0];
	s17 =	smul.f32 s10, s17;
	v61 =	vmul.f32 v45, v45;
	v55 =	vadd.f32 v59, v55  }
0xc4: {  	v60 =	vmul.f32 s13, v60;
	v46 =	vld [tilespmem:s3+$0x70];
	v0 =	vmul.f32 v41, v41;
	v63 =	vadd.f32 v63, v36;
	s12 =	ssub.f32 $1.500000000e+00, s12  }
0xc5: {  	v54 =	vmul.f32 s13, v54;
	v56 =	vmul.f32 s13, v56;
	[tilespmem:s28+$0xFFFFFFA0] =	vst v32;
	v48, _, _ =	vpop (xrf2);
	s19 =	smul.f32 s17, s19;
	v55 =	vadd.f32 v61, v55;
	v61 =	vld [tilespmem:$0x1FFF0]  }
0xc6: {  	s1 =	sadd.s32 $0x2, s1;
	[tilespmem:s28+$0xFFFFFFB0] =	vst v60;
	(v2sf) =	vpush v48, $0xF;
	v48 =	vld [tilespmem:s3+$0xFFFFFFF0];
	v0 =	vadd.f32 v0, v63;
	v63 =	vmul.f32 s13, v58;
	s9 =	smul.f32 s18, s12  }
0xc7: {  	p1 =	slt.u32 s1, $0x1DE;
	v60 =	vmul.f32 v43, v43;
	[tilespmem:s28+$0xFFFFFFC0] =	vst v54;
	s19 =	smul.f32 s19, s17  }
.Ltmp4:
0xc8: {  	v32 =	vmov v21;
	[tilespmem:s28+$0xFFFFFFD0] =	vst v56;
	v59 =	vmul.f32 s13, v62;
	(pc) =	sbr.rel @p1 .LBB2_3-.Ltmp4, $4  }
0xc9: {  	v21 =	vmovc v52;
	v52 =	vmul.f32 s0, v7;
	v58 =	vmul.f32 v46, v46;
	v0 =	vadd.f32 v60, v0;
	[tilespmem:s28+$0xFFFFFFE0] =	vst v63;
	s11 =	smul.f32 s9, s11  }
0xca: {  	v7 =	vmovc v49;
	v60 =	vmul.f32 v47, v47;
	[tilespmem:s28+$0xFFFFFFF0] =	vst v59;
	v63 =	vmov v6;
	s12 =	ssub.f32 $1.500000000e+00, s19;
	v62 =	vmul.f32 s0, v61  }
0xcb: {  	s25 =	smov.u32 s26;
	s26 =	smov.u32 s29;
	v54 =	vmul.f32 s0, v51;
	v36 =	vmovc v33;
	v56 =	vmul.f32 v48, v48;
	v58 =	vadd.f32 v58, v0;
	[tilespmem:$0x1FFF0] =	vst v63;
	s10 =	smul.f32 s11, s9  }
0xcc: {  	s29 =	smov.u32 s3;
	s3 =	sadd.s32 $0x100, s3;
	v33 =	vmovc v57;
	v6 =	vmovc v27;
	v57 =	vadd.f32 v60, v55;
	v55 =	vmul.f32 s0, v50;
	v27 =	vmov v53;
	s11 =	smul.f32 s12, s17;
	[tilespmem:s28+$0x20] =	vst v62  }
0xcd: {  	(xrf2) =	vadd.scan.msk.f32 $0xffff, v58;
	_ =	sdelay $0x2  }
0xce: {  	v0 =	vadd.f32 v56, v57  }
0xcf: {  	s1 =	ssub.f32 $1.500000000e+00, s10  }
0xd0: {  	s31 =	smul.f32 s11, s31;
	(xrf2) =	vadd.scan.msk.f32 $0xffff, v0  }
0xd1: {  	s9 =	smul.f32 s1, s9;
	s3 =	spop (v2sf)  }
0xd2: {  	s18 =	sshrl.u32 s3, $0x1;
	s12 =	smul.f32 $5.000000000e-01, s3  }
0xd3: {  	s2 =	smul.f32 s9, s2;
	s1 =	ssub.s32 $0x5F3759DF, s18  }
0xd4: {  	s10 =	smul.f32 s1, s12;
	s13 =	spop (v2sf)  }
0xd5: {  	s17 =	sshrl.u32 s13, $0x1;
	s18 =	smul.f32 $5.000000000e-01, s13;
	v49, _, _ =	vpop (xrf2)  }
0xd6: {  	p1 =	sgt.f32 s31, $9.999999960e-13;
	s17 =	ssub.s32 $0x5F3759DF, s17;
	s10 =	smul.f32 s1, s10;
	(v2sf) =	vpush v49, $0xF  }
0xd7: {  	[tilespmem:s28+$0x30] =	vst v52;
	s19 =	smul.f32 s17, s18  }
0xd8: {  	v51 =	vmul.f32 s0, v23;
	[tilespmem:s28+$0x50] =	vst v54;
	s11 =	simm.s32 @!p1 $0x5368D4A5;
	s10 =	ssub.f32 $1.500000000e+00, s10  }
0xd9: {  	[tilespmem:s28+$0x40] =	vst v55;
	p1 =	sgt.f32 s2, $9.999999960e-13;
	v52 =	vmul.f32 s11, v34;
	s19 =	smul.f32 s17, s19  }
0xda: {  	[tilespmem:s28+$0x60] =	vst v51;
	v53 =	vmul.f32 s11, v14;
	v50, _, _ =	vpop (xrf2);
	s1 =	smul.f32 s1, s10  }
0xdb: {  	v54 =	vmul.f32 s11, v15;
	s9 =	simm.s32 @!p1 $0x5368D4A5;
	[tilespmem:s25+$0x70] =	vst v52;
	(v2sf) =	vpush v50, $0xF;
	s19 =	ssub.f32 $1.500000000e+00, s19  }
0xdc: {  	[tilespmem:s25+$0x0] =	vst v53;
	v55 =	vmul.f32 s9, v19;
	s31 =	smul.f32 s1, s12  }
0xdd: {  	[tilespmem:s25+$0x10] =	vst v54;
	v56 =	vmul.f32 s9, v18;
	s12 =	smul.f32 s17, s19  }
0xde: {  	v57 =	vmul.f32 s9, v32;
	[tilespmem:s25+$0xFFFFFF80] =	vst v55;
	s0 =	smul.f32 s31, s1  }
0xdf: {  	v58 =	vmul.f32 s9, v17;
	[tilespmem:s25+$0xFFFFFF90] =	vst v56;
	s10 =	smul.f32 s12, s18  }
0xe0: {  	v13 =	vmul.f32 s9, v13;
	[tilespmem:s25+$0xFFFFFFA0] =	vst v57;
	s0 =	ssub.f32 $1.500000000e+00, s0  }
0xe1: {  	v59 =	vmul.f32 s9, v25;
	[tilespmem:s25+$0xFFFFFFB0] =	vst v58;
	s10 =	smul.f32 s10, s12  }
0xe2: {  	v60 =	vmul.f32 s9, v22;
	[tilespmem:s25+$0xFFFFFFC0] =	vst v13;
	s0 =	smul.f32 s0, s1  }
0xe3: {  	[tilespmem:s25+$0xFFFFFFD0] =	vst v59;
	s17 =	ssub.f32 $1.500000000e+00, s10  }
0xe4: {  	[tilespmem:s25+$0xFFFFFFE0] =	vst v60;
	s18 =	smul.f32 s0, s3  }
0xe5: {  	v13 =	vld [tilespmem:$0x1FFF0];
	s3 =	smul.f32 s17, s12;
	s1 =	spop (v2sf)  }
0xe6: {  	s28 =	sshrl.u32 s1, $0x1;
	s12 =	smul.f32 $5.000000000e-01, s1  }
0xe7: {  	v61 =	vmul.f32 s9, v24;
	s9 =	smul.f32 s3, s13;
	s13 =	ssub.s32 $0x5F3759DF, s28  }
0xe8: {  	v62 =	vmul.f32 s11, v7;
	s17 =	smul.f32 s13, s12  }
0xe9: {  	v63 =	vmul.f32 s11, v2;
	[tilespmem:s25+$0xFFFFFFF0] =	vst v61;
	p1 =	sgt.f32 s18, $9.999999960e-13  }
0xea: {  	[tilespmem:s25+$0x30] =	vst v62;
	v13 =	vmul.f32 s11, v13;
	s2 =	spop (v2sf);
	s17 =	smul.f32 s13, s17  }
0xeb: {  	v4 =	vmul.f32 s11, v4;
	[tilespmem:s25+$0x40] =	vst v63;
	s0 =	simm.s32 @!p1 $0x5368D4A5;
	s31 =	sshrl.u32 s2, $0x1  }
0xec: {  	[tilespmem:s25+$0x20] =	vst v13;
	v13 =	vmul.f32 s11, v3;
	s28 =	ssub.s32 $0x5F3759DF, s31;
	s31 =	ssub.f32 $1.500000000e+00, s17  }
0xed: {  	[tilespmem:s25+$0x50] =	vst v4;
	v14 =	vmul.f32 s0, v37;
	s19 =	smul.f32 $5.000000000e-01, s2  }
0xee: {  	[tilespmem:s25+$0x60] =	vst v13;
	v15 =	vmul.f32 s0, v10;
	s11 =	smul.f32 s13, s31  }
0xef: {  	v17 =	vmul.f32 s0, v16;
	[tilespmem:s26+$0x70] =	vst v14;
	s18 =	smul.f32 s28, s19  }
0xf0: {  	p1 =	sgt.f32 s9, $9.999999960e-13;
	v32 =	vmul.f32 s0, v1;
	[tilespmem:s26+$0x0] =	vst v15;
	s12 =	smul.f32 s11, s12  }
0xf1: {  	v34 =	vmul.f32 s0, v5;
	[tilespmem:s26+$0x10] =	vst v17;
	s17 =	smul.f32 s28, s18  }
0xf2: {  	v37 =	vmul.f32 s0, v9;
	s3 =	simm.s32 @!p1 $0x5368D4A5;
	[tilespmem:s26+$0x30] =	vst v32;
	s18 =	smul.f32 s12, s11  }
0xf3: {  	[tilespmem:s26+$0x40] =	vst v34;
	v18 =	vmul.f32 s3, v36;
	s9 =	ssub.f32 $1.500000000e+00, s17  }
0xf4: {  	[tilespmem:s26+$0x60] =	vst v37;
	v19 =	vmul.f32 s3, v11;
	s10 =	ssub.f32 $1.500000000e+00, s18  }
0xf5: {  	v22 =	vmul.f32 s3, v21;
	[tilespmem:s26+$0xFFFFFF80] =	vst v18;
	s9 =	smul.f32 s28, s9  }
0xf6: {  	v23 =	vmul.f32 s3, v12;
	[tilespmem:s26+$0xFFFFFF90] =	vst v19;
	s10 =	smul.f32 s10, s11  }
0xf7: {  	v24 =	vmul.f32 s3, v20;
	[tilespmem:s26+$0xFFFFFFA0] =	vst v22;
	s19 =	smul.f32 s9, s19  }
0xf8: {  	v25 =	vmul.f32 s3, v26;
	[tilespmem:s26+$0xFFFFFFB0] =	vst v23;
	s1 =	smul.f32 s10, s1  }
0xf9: {  	v26 =	vmul.f32 s3, v28;
	[tilespmem:s26+$0xFFFFFFC0] =	vst v24  }
0xfa: {  	v28 =	vmul.f32 s3, v31;
	[tilespmem:s26+$0xFFFFFFD0] =	vst v25;
	s12 =	smul.f32 s19, s9;
	p1 =	sgt.f32 s1, $9.999999960e-13  }
0xfb: {  	v31 =	vmul.f32 s0, v6;
	[tilespmem:s26+$0xFFFFFFE0] =	vst v26  }
0xfc: {  	v36 =	vmul.f32 s0, v8;
	[tilespmem:s26+$0xFFFFFFF0] =	vst v28;
	s25 =	ssub.f32 $1.500000000e+00, s12;
	s10 =	simm.s32 @!p1 $0x5368D4A5  }
0xfd: {  	[tilespmem:s26+$0x20] =	vst v31;
	v46 =	vmul.f32 s10, v46  }
0xfe: {  	[tilespmem:s26+$0x50] =	vst v36;
	s3 =	smul.f32 s25, s9;
	v49 =	vmul.f32 s10, v29  }
0xff: {  	v50 =	vmul.f32 s10, v30;
	[tilespmem:s29+$0x70] =	vst v46  }
0x100: {  	s28 =	smul.f32 s3, s2;
	v59 =	vmul.f32 s10, v27;
	[tilespmem:s29+$0x0] =	vst v49  }
0x101: {  	v60 =	vmul.f32 s10, v38;
	[tilespmem:s29+$0x10] =	vst v50  }
0x102: {  	p1 =	sgt.f32 s28, $9.999999960e-13;
	v61 =	vmul.f32 s10, v39;
	[tilespmem:s29+$0x20] =	vst v59  }
0x103: {  	v62 =	vmul.f32 s10, v41;
	[tilespmem:s29+$0x30] =	vst v60  }
0x104: {  	v63 =	vmul.f32 s10, v43;
	s3 =	simm.s32 @!p1 $0x5368D4A5;
	[tilespmem:s29+$0x40] =	vst v61  }
0x105: {  	[tilespmem:s29+$0x50] =	vst v62;
	v51 =	vmul.f32 s3, v33  }
0x106: {  	[tilespmem:s29+$0x60] =	vst v63;
	v52 =	vmul.f32 s3, v35  }
0x107: {  	v53 =	vmul.f32 s3, v40;
	[tilespmem:s29+$0xFFFFFF80] =	vst v51  }
0x108: {  	v54 =	vmul.f32 s3, v42;
	[tilespmem:s29+$0xFFFFFF90] =	vst v52  }
0x109: {  	v55 =	vmul.f32 s3, v44;
	[tilespmem:s29+$0xFFFFFFA0] =	vst v53  }
0x10a: {  	v56 =	vmul.f32 s3, v45;
	[tilespmem:s29+$0xFFFFFFB0] =	vst v54  }
.Ltmp5:
0x10b: {  	v57 =	vmul.f32 s3, v47;
	[tilespmem:s29+$0xFFFFFFC0] =	vst v55;
	(pc) =	sbr.rel @p0 .LBB2_8-.Ltmp5, $4  }
0x10c: {  	s31 =	smul.u32 $0x1E00, s24;
	v58 =	vmul.f32 s3, v48;
	[tilespmem:s29+$0xFFFFFFD0] =	vst v56  }
0x10d: {  	[tilespmem:s29+$0xFFFFFFE0] =	vst v57  }
0x10e: {  	s0 =	sadd.s32 s5, s31;
	[tilespmem:s29+$0xFFFFFFF0] =	vst v58  }
0x10f: {  	[hbm4b:s0+s6] =	stream.linear.scatter [tilespmem:s6], [sflag:$0x3], $0xF000, $0x38;
	[tilespmem:$0x1E180] =	vst v63  }
0x110: {  	s0 =	sadd.s32 $0x2, s30  }
0x111: {  	_ =	swait.ge [sflag:s15], $0xF000;
	p0 =	sge.u32 s0, s8  }
0x112: {  	s2 =	sshll.u32 s23, $0x5;
	[sflag:s15] =	ssyncset.done $0x0;
	s0 =	sshll.u32 @!p0 s0, $0x5  }
0x113: {  	[sflag:s15] =	ssyncadd.s32 $0xFFFF1000;
	s1 =	simm.s32 @!p0 $0x3;
	s0 =	sor.u32 @!p0 s7, s0  }
0x114: {  	s23 =	sor.u32 s7, s2;
	_ =	swait.ge @!p0 [sflag:s1], $0xF000;
	s0 =	smul.u32 @!p0 $0x1E00, s0  }
0x115: {  	s2 =	smul.u32 $0x1E0, s23;
	[sflag:s1] =	ssyncset.done @!p0 $0x0  }
0x116: {  	[sflag:s1] =	ssyncadd.s32 @!p0 $0xFFFF1000;
	s1 =	simm.s32 @!p0 $0x0;
	s0 =	sadd.s32 @!p0 s4, s0  }
0x117: {  	[tilespmem:s1], [sflag:$0x1] =	stream.linear.gather @!p0 [hbm4b:s0+s1], $0xF000, $0x38;
	[tilespmem:$0x1E180] =	vst v63  }
0x118: {  	s0 =	ssub.s32 s20, s2  }
0x119: {  	p0 =	sgt.u32 s0, $0x1DF  }
0x11a: {  	v0 =	vld @!p0 [tilespmem:$0x1E000];
	_ =	sdelay $0x2  }
0x11b: {  	s0 =	sshll.u32 @!p0 s0, $0x7  }
0x11c: {  	s0 =	sand.u32 @!p0 $0x3FFFFF80, s0  }
0x11d: {  	[tilespmem:s0+$0xF000] =	vst @!p0 v0  }
0x11e: {  	v0 =	vld @!p0 [tilespmem:$0x1E010];
	_ =	sdelay $0x4  }
0x11f: {  	[tilespmem:s0+$0xF010] =	vst @!p0 v0  }
0x120: {  	v0 =	vld @!p0 [tilespmem:$0x1E020];
	_ =	sdelay $0x4  }
0x121: {  	[tilespmem:s0+$0xF020] =	vst @!p0 v0  }
0x122: {  	v0 =	vld @!p0 [tilespmem:$0x1E030];
	_ =	sdelay $0x4  }
0x123: {  	[tilespmem:s0+$0xF030] =	vst @!p0 v0  }
0x124: {  	v0 =	vld @!p0 [tilespmem:$0x1E040];
	_ =	sdelay $0x4  }
0x125: {  	[tilespmem:s0+$0xF040] =	vst @!p0 v0  }
0x126: {  	v0 =	vld @!p0 [tilespmem:$0x1E050];
	_ =	sdelay $0x4  }
0x127: {  	[tilespmem:s0+$0xF050] =	vst @!p0 v0  }
0x128: {  	v0 =	vld @!p0 [tilespmem:$0x1E060];
	_ =	sdelay $0x4  }
0x129: {  	[tilespmem:s0+$0xF060] =	vst @!p0 v0  }
0x12a: {  	v0 =	vld @!p0 [tilespmem:$0x1E070];
	_ =	sdelay $0x3  }
0x12b: {  	s1 =	ssub.s32 s21, s2  }
0x12c: {  	[tilespmem:s0+$0xF070] =	vst @!p0 v0;
	p0 =	sgt.u32 s1, $0x1DF  }
0x12d: {  	v0 =	vld @!p0 [tilespmem:$0x1E080];
	_ =	sdelay $0x2  }
0x12e: {  	s0 =	sshll.u32 @!p0 s1, $0x7  }
0x12f: {  	s0 =	sand.u32 @!p0 $0x3FFFFF80, s0  }
0x130: {  	[tilespmem:s0+$0xF000] =	vst @!p0 v0  }
0x131: {  	v0 =	vld @!p0 [tilespmem:$0x1E090];
	_ =	sdelay $0x4  }
0x132: {  	[tilespmem:s0+$0xF010] =	vst @!p0 v0  }
0x133: {  	v0 =	vld @!p0 [tilespmem:$0x1E0A0];
	_ =	sdelay $0x4  }
0x134: {  	[tilespmem:s0+$0xF020] =	vst @!p0 v0  }
0x135: {  	v0 =	vld @!p0 [tilespmem:$0x1E0B0];
	_ =	sdelay $0x4  }
0x136: {  	[tilespmem:s0+$0xF030] =	vst @!p0 v0  }
0x137: {  	v0 =	vld @!p0 [tilespmem:$0x1E0C0];
	_ =	sdelay $0x4  }
0x138: {  	[tilespmem:s0+$0xF040] =	vst @!p0 v0  }
0x139: {  	v0 =	vld @!p0 [tilespmem:$0x1E0D0];
	_ =	sdelay $0x4  }
0x13a: {  	[tilespmem:s0+$0xF050] =	vst @!p0 v0  }
0x13b: {  	v0 =	vld @!p0 [tilespmem:$0x1E0E0];
	_ =	sdelay $0x4  }
0x13c: {  	[tilespmem:s0+$0xF060] =	vst @!p0 v0  }
0x13d: {  	v0 =	vld @!p0 [tilespmem:$0x1E0F0];
	_ =	sdelay $0x4  }
0x13e: {  	s26 =	simm.s32 $0xF000;
	[tilespmem:s0+$0xF070] =	vst @!p0 v0  }
0x13f: {  	v42 =	vld [tilespmem:s26+$0x80]  }
0x140: {  	v41 =	vld [tilespmem:s26+$0x90]  }
0x141: {  	v43 =	vld [tilespmem:s26+$0x10]  }
0x142: {  	v51 =	vld [tilespmem:s26+$0xA0]  }
0x143: {  	v44 =	vld [tilespmem:s26+$0x0]  }
0x144: {  	v50 =	vld [tilespmem:s26+$0xB0]  }
0x145: {  	v46 =	vld [tilespmem:s26+$0x20];
	v0 =	vmul.f32 v42, v42;
	v1 =	vmul.f32 v41, v41  }
0x146: {  	v49 =	vld [tilespmem:s26+$0xC0]  }
0x147: {  	v47 =	vld [tilespmem:s26+$0x30];
	v0 =	vadd.f32 v1, v0;
	v1 =	vmul.f32 v51, v51  }
0x148: {  	v52 =	vld [tilespmem:s26+$0xD0];
	v2 =	vmul.f32 v43, v43;
	v3 =	vmul.f32 v44, v44  }
0x149: {  	v53 =	vld [tilespmem:s26+$0x40];
	v0 =	vadd.f32 v1, v0;
	v1 =	vmul.f32 v50, v50  }
0x14a: {  	v23 =	vld [tilespmem:s26+$0xE0];
	v2 =	vadd.f32 v2, v3;
	v3 =	vmul.f32 v46, v46  }
0x14b: {  	v54 =	vld [tilespmem:s26+$0x50];
	v0 =	vadd.f32 v1, v0;
	v1 =	vmul.f32 v49, v49  }
0x14c: {  	v39 =	vld [tilespmem:s26+$0xF0];
	v2 =	vadd.f32 v3, v2;
	v3 =	vmul.f32 v47, v47  }
0x14d: {  	v55 =	vld [tilespmem:s26+$0x60];
	v0 =	vadd.f32 v1, v0;
	v1 =	vmul.f32 v52, v52  }
0x14e: {  	v2 =	vadd.f32 v3, v2;
	v3 =	vmul.f32 v53, v53  }
0x14f: {  	v56 =	vld [tilespmem:s26+$0x70];
	v0 =	vadd.f32 v1, v0;
	v1 =	vmul.f32 v23, v23  }
0x150: {  	v2 =	vadd.f32 v3, v2;
	v3 =	vmul.f32 v54, v54  }
0x151: {  	v0 =	vadd.f32 v1, v0;
	v1 =	vmul.f32 v39, v39  }
0x152: {  	s24 =	simm.s32 $0xF100;
	v2 =	vadd.f32 v3, v2;
	v3 =	vmul.f32 v55, v55  }
0x153: {  	v14 =	vld [tilespmem:s24+$0x80];
	v0 =	vadd.f32 v1, v0  }
0x154: {  	v15 =	vld [tilespmem:s24+$0x90];
	v2 =	vadd.f32 v3, v2;
	v1 =	vmul.f32 v56, v56  }
0x155: {  	v18 =	vld [tilespmem:s24+$0x10];
	(xrf2) =	vadd.scan.msk.f32 $0xffff, v0  }
0x156: {  	v19 =	vld [tilespmem:s24+$0x0];
	v0 =	vadd.f32 v1, v2  }
0x157: {  	v2 =	vld [tilespmem:s24+$0xA0]  }
0x158: {  	v6 =	vld [tilespmem:s24+$0xB0];
	(xrf2) =	vadd.scan.msk.f32 $0xffff, v0  }
0x159: {  	v32 =	vld [tilespmem:s24+$0x20]  }
0x15a: {  	v3 =	vmul.f32 v15, v15;
	v0 =	vmul.f32 v14, v14  }
0x15b: {  	v1 =	vld [tilespmem:s24+$0xC0]  }
0x15c: {  	v17 =	vld [tilespmem:s24+$0x30];
	v0 =	vadd.f32 v3, v0;
	[tilespmem:$0x1FFE0] =	vst v2;
	v4 =	vmul.f32 v2, v2  }
0x15d: {  	v5 =	vmul.f32 v18, v18;
	v2 =	vmul.f32 v19, v19;
	v10 =	vld [tilespmem:s24+$0xD0]  }
0x15e: {  	v9 =	vmul.f32 v32, v32;
	v13 =	vld [tilespmem:s24+$0x40];
	v0 =	vadd.f32 v4, v0;
	v4 =	vmul.f32 v6, v6  }
0x15f: {  	v7 =	vmov v6;
	v5 =	vadd.f32 v5, v2;
	v6 =	vld [tilespmem:s24+$0xE0];
	v8, _, _ =	vpop (xrf2)  }
0x160: {  	v25 =	vld [tilespmem:s24+$0x50];
	v0 =	vadd.f32 v4, v0;
	v4 =	vmul.f32 v1, v1;
	(v2sf) =	vpush v8, $0xF  }
0x161: {  	v34 =	vld [tilespmem:s24+$0xF0];
	v5 =	vadd.f32 v9, v5;
	v8 =	vmul.f32 v17, v17  }
0x162: {  	v22 =	vld [tilespmem:s24+$0x60];
	v2 =	vmov v1;
	v0 =	vadd.f32 v4, v0;
	v1 =	vmul.f32 v10, v10;
	v9, _, _ =	vpop (xrf2)  }
0x163: {  	(v2sf) =	vpush v9, $0xF;
	v5 =	vadd.f32 v8, v5;
	v8 =	vmul.f32 v13, v13  }
0x164: {  	v24 =	vld [tilespmem:s24+$0x70];
	v0 =	vadd.f32 v1, v0;
	v1 =	vmul.f32 v6, v6  }
0x165: {  	v5 =	vadd.f32 v8, v5;
	v8 =	vmul.f32 v25, v25  }
0x166: {  	v0 =	vadd.f32 v1, v0;
	v1 =	vmul.f32 v34, v34  }
0x167: {  	v5 =	vadd.f32 v8, v5;
	v8 =	vmul.f32 v22, v22  }
0x168: {  	s25 =	simm.s32 $0xF200;
	v0 =	vadd.f32 v1, v0  }
0x169: {  	v16 =	vld [tilespmem:s25+$0x90];
	v1 =	vmul.f32 v24, v24;
	v5 =	vadd.f32 v8, v5  }
0x16a: {  	v4 =	vmov v10;
	v10 =	vld [tilespmem:s25+$0x80];
	(xrf2) =	vadd.scan.msk.f32 $0xffff, v0  }
0x16b: {  	v0 =	vadd.f32 v1, v5;
	v1 =	vld [tilespmem:s25+$0xA0]  }
0x16c: {  	v11 =	vld [tilespmem:s25+$0x10]  }
0x16d: {  	v36 =	vld [tilespmem:s25+$0x0]  }
0x16e: {  	(xrf2) =	vadd.scan.msk.f32 $0xffff, v0;
	v0 =	vld [tilespmem:s25+$0xB0]  }
0x16f: {  	v21 =	vld [tilespmem:s25+$0x20];
	v9 =	vmul.f32 v16, v16;
	v8 =	vmul.f32 v10, v10;
	s13 =	spop (v2sf)  }
0x170: {  	v31 =	vld [tilespmem:s25+$0xC0];
	v26 =	vmul.f32 v1, v1;
	s17 =	sshrl.u32 s13, $0x1;
	s3 =	smul.f32 $5.000000000e-01, s13  }
0x171: {  	v12 =	vld [tilespmem:s25+$0x30];
	v9 =	vadd.f32 v9, v8;
	s0 =	ssub.s32 $0x5F3759DF, s17  }
0x172: {  	v27 =	vmul.f32 v11, v11;
	v28 =	vmul.f32 v36, v36;
	v8 =	vld [tilespmem:s25+$0xD0];
	s18 =	spop (v2sf);
	s9 =	smul.f32 s0, s3  }
0x173: {  	v20 =	vld [tilespmem:s25+$0x40];
	v29 =	vadd.f32 v26, v9;
	v30 =	vmul.f32 v0, v0;
	s10 =	sshrl.u32 s18, $0x1;
	s11 =	smul.f32 $5.000000000e-01, s18  }
0x174: {  	v27 =	vadd.f32 v27, v28;
	v28 =	vmul.f32 v21, v21;
	v9 =	vld [tilespmem:s25+$0xE0];
	s10 =	ssub.s32 $0x5F3759DF, s10;
	v26, _, _ =	vpop (xrf2);
	s9 =	smul.f32 s0, s9  }
0x175: {  	v29 =	vadd.f32 v30, v29;
	v30 =	vmul.f32 v31, v31;
	s12 =	smul.f32 s10, s11;
	(v2sf) =	vpush v26, $0xF;
	v26 =	vld [tilespmem:s25+$0x50]  }
0x176: {  	v37 =	vld [tilespmem:s25+$0xF0];
	v27 =	vadd.f32 v28, v27;
	v5 =	vmov v31;
	v31 =	vmul.f32 v12, v12;
	s9 =	ssub.f32 $1.500000000e+00, s9  }
0x177: {  	v28 =	vld [tilespmem:s25+$0x60];
	v29 =	vadd.f32 v30, v29;
	v30 =	vmul.f32 v8, v8;
	s12 =	smul.f32 s10, s12  }
0x178: {  	v61 =	vmul.f32 v20, v20;
	v27 =	vadd.f32 v31, v27;
	v33, _, _ =	vpop (xrf2);
	s0 =	smul.f32 s0, s9  }
0x179: {  	v31 =	vld [tilespmem:s25+$0x70];
	(v2sf) =	vpush v33, $0xF;
	v29 =	vadd.f32 v30, v29;
	v30 =	vmul.f32 v9, v9;
	s19 =	ssub.f32 $1.500000000e+00, s12  }
0x17a: {  	v27 =	vadd.f32 v61, v27;
	v62 =	vmul.f32 v26, v26;
	s3 =	smul.f32 s0, s3  }
0x17b: {  	v29 =	vadd.f32 v30, v29;
	v30 =	vmul.f32 v37, v37;
	s9 =	smul.f32 s10, s19  }
0x17c: {  	v63 =	vmul.f32 v28, v28;
	v27 =	vadd.f32 v62, v27;
	s3 =	smul.f32 s3, s0  }
0x17d: {  	s28 =	simm.s32 $0xF300;
	v30 =	vadd.f32 v30, v29;
	s10 =	smul.f32 s9, s11  }
0x17e: {  	v35 =	vmul.f32 v31, v31;
	v29 =	vld [tilespmem:s28+$0x80];
	v27 =	vadd.f32 v63, v27;
	s3 =	ssub.f32 $1.500000000e+00, s3  }
0x17f: {  	(xrf2) =	vadd.scan.msk.f32 $0xffff, v30;
	v30 =	vld [tilespmem:s28+$0x90];
	s10 =	smul.f32 s10, s9  }
0x180: {  	v33 =	vadd.f32 v35, v27;
	v35 =	vld [tilespmem:s28+$0x10];
	s0 =	smul.f32 s3, s0  }
0x181: {  	v27 =	vld [tilespmem:s28+$0xA0];
	s30 =	ssub.f32 $1.500000000e+00, s10  }
0x182: {  	(xrf2) =	vadd.scan.msk.f32 $0xffff, v33;
	v33 =	vld [tilespmem:s28+$0x0];
	s31 =	smul.f32 s0, s13  }
0x183: {  	s1 =	smul.f32 s30, s9  }
0x184: {  	s29 =	spop (v2sf)  }
0x185: {  	v38 =	vld [tilespmem:s28+$0xB0];
	v45 =	vmul.f32 v29, v29;
	v48 =	vmul.f32 v30, v30;
	p0 =	sgt.f32 s31, $9.999999960e-13;
	s2 =	smul.f32 s1, s18;
	s11 =	sshrl.u32 s29, $0x1  }
0x186: {  	v40 =	vld [tilespmem:s28+$0x20];
	s12 =	smul.f32 $5.000000000e-01, s29;
	v58 =	vmul.f32 v35, v35;
	s3 =	ssub.s32 $0x5F3759DF, s11  }
0x187: {  	v45 =	vadd.f32 v48, v45;
	v48 =	vmul.f32 v27, v27;
	s0 =	simm.s32 @!p0 $0x5368D4A5;
	p0 =	sgt.f32 s2, $9.999999960e-13;
	v61 =	vmul.f32 v33, v33  }
0x188: {  	s19 =	smul.f32 s3, s12;
	s2 =	spop (v2sf);
	v57 =	vmul.f32 s0, v39;
	v39 =	vld [tilespmem:s28+$0xC0];
	v59 =	vmul.f32 s0, v42  }
0x189: {  	v42 =	vld [tilespmem:s28+$0x30];
	s30 =	sshrl.u32 s2, $0x1;
	s31 =	smul.f32 $5.000000000e-01, s2;
	v60 =	vmul.f32 s0, v41;
	v51 =	vmul.f32 s0, v51;
	s1 =	simm.s32 @!p0 $0x5368D4A5  }
0x18a: {  	v48 =	vadd.f32 v48, v45;
	v41 =	vld [tilespmem:s28+$0xD0];
	s11 =	ssub.s32 $0x5F3759DF, s30;
	s10 =	smul.f32 s3, s19;
	v62 =	vmul.f32 s1, v44;
	[tilespmem:s26+$0xF0] =	vst v57;
	v57 =	vmul.f32 v38, v38  }
0x18b: {  	v45, _, _ =	vpop (xrf2);
	v58 =	vadd.f32 v58, v61;
	v44 =	vld [tilespmem:s28+$0x40];
	s13 =	smul.f32 s11, s31;
	v63 =	vmul.f32 s1, v43;
	[tilespmem:s26+$0x80] =	vst v59;
	v59 =	vmul.f32 v40, v40  }
0x18c: {  	v43 =	vld [tilespmem:s28+$0xE0];
	(v2sf) =	vpush v45, $0xF;
	[tilespmem:s26+$0x90] =	vst v60;
	v60 =	vmul.f32 s1, v46;
	v53 =	vmul.f32 s1, v53;
	s10 =	ssub.f32 $1.500000000e+00, s10  }
0x18d: {  	v45 =	vld [tilespmem:s28+$0x50];
	v54 =	vmul.f32 s1, v54;
	v48 =	vadd.f32 v57, v48;
	s13 =	smul.f32 s11, s13;
	[tilespmem:s26+$0x0] =	vst v62;
	v62 =	vmul.f32 s1, v47  }
0x18e: {  	v58 =	vadd.f32 v59, v58;
	[tilespmem:s26+$0x10] =	vst v63;
	v47 =	vld [tilespmem:s28+$0x60];
	v57 =	vmul.f32 v39, v39;
	v59 =	vmul.f32 v42, v42;
	s17 =	smul.f32 s3, s10  }
0x18f: {  	v46 =	vld [tilespmem:s28+$0xF0];
	[tilespmem:s26+$0x40] =	vst v53;
	v53 =	vmul.f32 s1, v55;
	v63 =	vmul.f32 v41, v41;
	s18 =	ssub.f32 $1.500000000e+00, s13  }
0x190: {  	v61, _, _ =	vpop (xrf2);
	[tilespmem:s26+$0x20] =	vst v60;
	v57 =	vadd.f32 v57, v48;
	v48 =	vld [tilespmem:s28+$0x70];
	v58 =	vadd.f32 v59, v58;
	v59 =	vmul.f32 v44, v44;
	s10 =	smul.f32 s17, s12  }
0x191: {  	[tilespmem:s26+$0x50] =	vst v54;
	v54 =	vmul.f32 s1, v56;
	(v2sf) =	vpush v61, $0xF;
	v60 =	vmul.f32 v43, v43;
	s9 =	smul.f32 s11, s18  }
0x192: {  	v57 =	vadd.f32 v63, v57;
	v58 =	vadd.f32 v59, v58;
	v59 =	vmul.f32 v45, v45;
	s19 =	smul.f32 s10, s17  }
0x193: {  	[tilespmem:s26+$0xA0] =	vst v51;
	v56 =	vmul.f32 s0, v50;
	v61 =	vmul.f32 v47, v47;
	s30 =	smul.f32 s9, s31  }
0x194: {  	[tilespmem:s26+$0x30] =	vst v62;
	v55 =	vadd.f32 v60, v57;
	v60 =	vmul.f32 v46, v46;
	v58 =	vadd.f32 v59, v58;
	s31 =	ssub.f32 $1.500000000e+00, s19  }
0x195: {  	v3 =	vmovc v6;
	v6 =	vmov v1;
	[tilespmem:s26+$0x70] =	vst v54;
	v54 =	vmul.f32 s0, v52;
	v57 =	vmul.f32 v48, v48;
	s10 =	smul.f32 s30, s9  }
0x196: {  	v1 =	vmovc v0;
	s1 =	simm.s32 $0x6;
	s3 =	simm.s32 $0xF400;
	[tilespmem:s26+$0x60] =	vst v53;
	v59 =	vadd.f32 v60, v55;
	v58 =	vadd.f32 v61, v58;
	s11 =	smul.f32 s31, s17;
	v55 =	vmul.f32 s0, v49  }
.LBB2_6:
0x197: {  	v60 =	vld [tilespmem:s3+$0x80]  }
0x198: {  	v52 =	vmov v40;
	[tilespmem:s26+$0xB0] =	vst v56;
	v40 =	vadd.f32 v57, v58;
	v57 =	vld [tilespmem:s3+$0x0]  }
0x199: {  	v0 =	vmul.f32 s0, v23;
	v49 =	vmovc v1;
	v1 =	vmovc v38;
	v50 =	vmov v2;
	v2 =	vmov v5;
	s10 =	ssub.f32 $1.500000000e+00, s10;
	s18 =	smul.f32 s11, s29;
	[tilespmem:s26+$0xD0] =	vst v54;
	v61 =	vld [tilespmem:s3+$0x90]  }
0x19a: {  	v5 =	vmovc v39;
	v51 =	vmov v4;
	v4 =	vmov v8;
	(xrf2) =	vadd.scan.msk.f32 $0xffff, v59;
	[tilespmem:s26+$0xC0] =	vst v55;
	v55 =	vld [tilespmem:s3+$0x10]  }
0x19b: {  	v8 =	vmovc v41;
	v23 =	vmovc v3;
	v3 =	vmov v9;
	v9 =	vmov v43;
	v62 =	vmov v24;
	[tilespmem:s26+$0xE0] =	vst v0;
	s13 =	smul.f32 s10, s9;
	v53 =	vld [tilespmem:s3+$0xA0];
	p1 =	sgt.f32 s18, $9.999999960e-13  }
0x19c: {  	v24 =	vmovc v31;
	v31 =	vmov v48;
	v59 =	vmov v17;
	v17 =	vmov v12;
	s0 =	smov.u32 s11;
	(xrf2) =	vadd.scan.msk.f32 $0xffff, v40;
	v38 =	vld [tilespmem:s3+$0xB0]  }
0x19d: {  	v12 =	vmovc v42;
	v54 =	vmovc v13;
	v13 =	vmov v20;
	v56 =	vmov v25;
	s2 =	smul.f32 s13, s2;
	v41 =	vmul.f32 v60, v60;
	s0 =	simm.s32 @!p1 $0x5368D4A5;
	s29 =	spop (v2sf)  }
0x19e: {  	v25 =	vmovc v26;
	v42 =	vld [tilespmem:s3+$0x30];
	v63 =	vmul.f32 s0, v34;
	v34 =	vmovc v37;
	v37 =	vmov v46;
	s19 =	sshrl.u32 s29, $0x1;
	s30 =	smul.f32 $5.000000000e-01, s29;
	v48 =	vmul.f32 v61, v61  }
0x19f: {  	s26 =	smov.u32 s24;
	v40 =	vld [tilespmem:s3+$0x20];
	v46 =	vmul.f32 s0, v14;
	v14 =	vmovc v10;
	v10 =	vmovc v29;
	v29 =	vmov v60;
	v60 =	vmul.f32 v57, v57;
	p1 =	sgt.f32 s2, $9.999999960e-13;
	s10 =	ssub.s32 $0x5F3759DF, s19  }
0x1a0: {  	v26 =	vmovc v45;
	v39 =	vld [tilespmem:s3+$0xC0];
	v45 =	vmul.f32 v55, v55;
	s2 =	spop (v2sf);
	[tilespmem:s26+$0xF0] =	vst v63;
	s12 =	smul.f32 s10, s30;
	v43 =	vadd.f32 v48, v41;
	v48 =	vmul.f32 s0, v15  }
0x1a1: {  	v20 =	vmovc v44;
	v58 =	vmov v22;
	v44 =	vld [tilespmem:s3+$0x40];
	v0 =	vmul.f32 v53, v53;
	s17 =	sshrl.u32 s2, $0x1;
	s31 =	smul.f32 $5.000000000e-01, s2;
	[tilespmem:s26+$0x80] =	vst v46;
	v46 =	vmul.f32 v38, v38;
	s13 =	simm.s32 @!p1 $0x5368D4A5  }
0x1a2: {  	v22 =	vmovc v28;
	v15 =	vmovc v16;
	v41 =	vld [tilespmem:s3+$0xD0];
	s17 =	ssub.s32 $0x5F3759DF, s17;
	v16 =	vmov v30;
	v63 =	vmul.f32 s13, v19;
	s12 =	smul.f32 s10, s12;
	[tilespmem:s26+$0x90] =	vst v48;
	v48 =	vadd.f32 v45, v60  }
0x1a3: {  	v30 =	vmovc v61;
	v19 =	vmovc v36;
	s18 =	smul.f32 s17, s31;
	v61 =	vmul.f32 s13, v18;
	v32 =	vmul.f32 s13, v32;
	v36 =	vadd.f32 v0, v43;
	v43 =	vld [tilespmem:s3+$0xE0]  }
0x1a4: {  	v28 =	vmov v47;
	v59 =	vmul.f32 s13, v59;
	v47, _, _ =	vpop (xrf2);
	v60 =	vmul.f32 v40, v40;
	v45 =	vld [tilespmem:s3+$0x50];
	s12 =	ssub.f32 $1.500000000e+00, s12  }
0x1a5: {  	(v2sf) =	vpush v47, $0xF;
	[tilespmem:s26+$0x0] =	vst v63;
	v63 =	vmul.f32 v39, v39;
	s18 =	smul.f32 s17, s18;
	v47 =	vld [tilespmem:s3+$0x60];
	v36 =	vadd.f32 v46, v36  }
0x1a6: {  	v56 =	vmul.f32 s13, v56;
	[tilespmem:s26+$0x10] =	vst v61;
	v61 =	vmul.f32 v42, v42;
	v60 =	vadd.f32 v60, v48;
	v46 =	vld [tilespmem:s3+$0xF0];
	v48, _, _ =	vpop (xrf2);
	s12 =	smul.f32 s10, s12  }
0x1a7: {  	v18 =	vmovc v11;
	v0 =	vmul.f32 v41, v41;
	s18 =	ssub.f32 $1.500000000e+00, s18;
	v63 =	vadd.f32 v63, v36;
	(v2sf) =	vpush v48, $0xF;
	v48 =	vld [tilespmem:s3+$0x70]  }
0x1a8: {  	v11 =	vmovc v35;
	v35 =	vmovc v55;
	v54 =	vmul.f32 s13, v54;
	v55 =	vadd.f32 v61, v60;
	[tilespmem:s26+$0x50] =	vst v56;
	v56 =	vmul.f32 s13, v62;
	v62 =	vld [tilespmem:$0x1FFE0];
	s19 =	smul.f32 s12, s30  }
0x1a9: {  	s1 =	sadd.s32 $0x2, s1;
	[tilespmem:s26+$0x20] =	vst v32;
	v60 =	vmul.f32 v44, v44;
	s9 =	smul.f32 s17, s18;
	v0 =	vadd.f32 v0, v63;
	v63 =	vmul.f32 s13, v58  }
0x1aa: {  	p0 =	slt.u32 s1, $0x1DE;
	[tilespmem:s26+$0x30] =	vst v59;
	v59 =	vmul.f32 v43, v43;
	s30 =	smul.f32 s19, s12  }
.Ltmp6:
0x1ab: {  	v32 =	vmovc v21;
	v21 =	vmov v52;
	[tilespmem:s26+$0x40] =	vst v54;
	v55 =	vadd.f32 v60, v55;
	v60 =	vmul.f32 v45, v45;
	(pc) =	sbr.rel @p0 .LBB2_6-.Ltmp6, $4  }
0x1ac: {  	v36 =	vmovc v33;
	v33 =	vmov v57;
	v58 =	vmul.f32 v46, v46;
	s11 =	smul.f32 s9, s31;
	[tilespmem:s26+$0x70] =	vst v56;
	v0 =	vadd.f32 v59, v0  }
0x1ad: {  	v61 =	vmul.f32 v47, v47;
	v60 =	vadd.f32 v60, v55;
	[tilespmem:s26+$0x60] =	vst v63;
	s31 =	ssub.f32 $1.500000000e+00, s30;
	v54 =	vmul.f32 s0, v62;
	v63 =	vmovc v6  }
0x1ae: {  	s24 =	smov.u32 s25;
	s25 =	smov.u32 s28;
	v56 =	vmul.f32 s0, v7;
	v7 =	vmovc v49;
	s10 =	smul.f32 s11, s9;
	v57 =	vmul.f32 v48, v48;
	v59 =	vadd.f32 v58, v0;
	[tilespmem:$0x1FFE0] =	vst v63  }
0x1af: {  	s28 =	smov.u32 s3;
	s3 =	sadd.s32 $0x100, s3;
	v55 =	vmul.f32 s0, v50;
	v6 =	vmovc v27;
	v58 =	vadd.f32 v61, v60;
	v27 =	vmovc v53;
	s11 =	smul.f32 s31, s12;
	[tilespmem:s26+$0xA0] =	vst v54;
	v54 =	vmul.f32 s0, v51  }
0x1b0: {  	(xrf2) =	vadd.scan.msk.f32 $0xffff, v59;
	_ =	sdelay $0x3  }
0x1b1: {  	s1 =	ssub.f32 $1.500000000e+00, s10  }
0x1b2: {  	v0 =	vadd.f32 v57, v58;
	s29 =	smul.f32 s11, s29  }
0x1b3: {  	s9 =	smul.f32 s1, s9;
	s3 =	spop (v2sf)  }
0x1b4: {  	(xrf2) =	vadd.scan.msk.f32 $0xffff, v0;
	s30 =	sshrl.u32 s3, $0x1;
	s12 =	smul.f32 $5.000000000e-01, s3  }
0x1b5: {  	s2 =	smul.f32 s9, s2;
	s31 =	ssub.s32 $0x5F3759DF, s30  }
0x1b6: {  	s13 =	spop (v2sf);
	s10 =	smul.f32 s31, s12  }
0x1b7: {  	s17 =	sshrl.u32 s13, $0x1;
	s18 =	smul.f32 $5.000000000e-01, s13;
	v49, _, _ =	vpop (xrf2)  }
0x1b8: {  	p0 =	sgt.f32 s29, $9.999999960e-13;
	s17 =	ssub.s32 $0x5F3759DF, s17;
	s10 =	smul.f32 s31, s10;
	(v2sf) =	vpush v49, $0xF  }
0x1b9: {  	[tilespmem:s26+$0xB0] =	vst v56;
	s19 =	smul.f32 s17, s18  }
0x1ba: {  	v51 =	vmul.f32 s0, v23;
	[tilespmem:s26+$0xC0] =	vst v55;
	s11 =	simm.s32 @!p0 $0x5368D4A5;
	s10 =	ssub.f32 $1.500000000e+00, s10  }
0x1bb: {  	[tilespmem:s26+$0xD0] =	vst v54;
	p0 =	sgt.f32 s2, $9.999999960e-13;
	v52 =	vmul.f32 s11, v34;
	s19 =	smul.f32 s17, s19  }
0x1bc: {  	[tilespmem:s26+$0xE0] =	vst v51;
	v53 =	vmul.f32 s11, v14;
	s1 =	smul.f32 s31, s10  }
0x1bd: {  	v54 =	vmul.f32 s11, v15;
	s9 =	simm.s32 @!p0 $0x5368D4A5;
	[tilespmem:s24+$0xF0] =	vst v52;
	s30 =	ssub.f32 $1.500000000e+00, s19  }
0x1be: {  	[tilespmem:s24+$0x80] =	vst v53;
	v55 =	vmul.f32 s9, v19;
	v50, _, _ =	vpop (xrf2);
	s31 =	smul.f32 s1, s12  }
0x1bf: {  	[tilespmem:s24+$0x90] =	vst v54;
	v56 =	vmul.f32 s9, v18;
	(v2sf) =	vpush v50, $0xF;
	s12 =	smul.f32 s17, s30  }
0x1c0: {  	v57 =	vmul.f32 s9, v32;
	[tilespmem:s24+$0x0] =	vst v55;
	s0 =	smul.f32 s31, s1  }
0x1c1: {  	v58 =	vmul.f32 s9, v17;
	[tilespmem:s24+$0x10] =	vst v56;
	s10 =	smul.f32 s12, s18  }
0x1c2: {  	v13 =	vmul.f32 s9, v13;
	[tilespmem:s24+$0x20] =	vst v57;
	s0 =	ssub.f32 $1.500000000e+00, s0  }
0x1c3: {  	v59 =	vmul.f32 s9, v25;
	[tilespmem:s24+$0x30] =	vst v58;
	s10 =	smul.f32 s10, s12  }
0x1c4: {  	v60 =	vmul.f32 s9, v22;
	[tilespmem:s24+$0x40] =	vst v13;
	s0 =	smul.f32 s0, s1  }
0x1c5: {  	[tilespmem:s24+$0x50] =	vst v59;
	s17 =	ssub.f32 $1.500000000e+00, s10  }
0x1c6: {  	[tilespmem:s24+$0x60] =	vst v60;
	s18 =	smul.f32 s0, s3  }
0x1c7: {  	v13 =	vld [tilespmem:$0x1FFE0];
	s3 =	smul.f32 s17, s12;
	s1 =	spop (v2sf)  }
0x1c8: {  	s31 =	sshrl.u32 s1, $0x1;
	s12 =	smul.f32 $5.000000000e-01, s1  }
0x1c9: {  	v61 =	vmul.f32 s9, v24;
	s19 =	ssub.s32 $0x5F3759DF, s31  }
0x1ca: {  	v62 =	vmul.f32 s11, v7;
	s26 =	smul.f32 s19, s12  }
0x1cb: {  	v63 =	vmul.f32 s11, v2;
	[tilespmem:s24+$0x70] =	vst v61  }
0x1cc: {  	[tilespmem:s24+$0xB0] =	vst v62;
	v13 =	vmul.f32 s11, v13;
	p0 =	sgt.f32 s18, $9.999999960e-13;
	s17 =	smul.f32 s19, s26  }
0x1cd: {  	v4 =	vmul.f32 s11, v4;
	[tilespmem:s24+$0xC0] =	vst v63;
	s13 =	smul.f32 s3, s13  }
0x1ce: {  	[tilespmem:s24+$0xA0] =	vst v13;
	v13 =	vmul.f32 s11, v3;
	s0 =	simm.s32 @!p0 $0x5368D4A5;
	s2 =	spop (v2sf);
	s17 =	ssub.f32 $1.500000000e+00, s17  }
0x1cf: {  	[tilespmem:s24+$0xD0] =	vst v4;
	v14 =	vmul.f32 s0, v37;
	s29 =	sshrl.u32 s2, $0x1;
	s30 =	smul.f32 $5.000000000e-01, s2  }
0x1d0: {  	[tilespmem:s24+$0xE0] =	vst v13;
	v15 =	vmul.f32 s0, v10;
	s31 =	ssub.s32 $0x5F3759DF, s29;
	s11 =	smul.f32 s19, s17  }
0x1d1: {  	v17 =	vmul.f32 s0, v16;
	[tilespmem:s25+$0xF0] =	vst v14;
	s18 =	smul.f32 s31, s30  }
0x1d2: {  	p0 =	sgt.f32 s13, $9.999999960e-13;
	v32 =	vmul.f32 s0, v1;
	[tilespmem:s25+$0x80] =	vst v15;
	s12 =	smul.f32 s11, s12  }
0x1d3: {  	v34 =	vmul.f32 s0, v5;
	[tilespmem:s25+$0x90] =	vst v17;
	s18 =	smul.f32 s31, s18  }
0x1d4: {  	v37 =	vmul.f32 s0, v9;
	s3 =	simm.s32 @!p0 $0x5368D4A5;
	[tilespmem:s25+$0xB0] =	vst v32;
	s24 =	smul.f32 s12, s11  }
0x1d5: {  	v18 =	vmul.f32 s3, v36;
	[tilespmem:s25+$0xC0] =	vst v34;
	s9 =	ssub.f32 $1.500000000e+00, s18  }
0x1d6: {  	v19 =	vmul.f32 s3, v11;
	[tilespmem:s25+$0xE0] =	vst v37;
	s10 =	ssub.f32 $1.500000000e+00, s24  }
0x1d7: {  	v22 =	vmul.f32 s3, v21;
	[tilespmem:s25+$0x0] =	vst v18;
	s9 =	smul.f32 s31, s9  }
0x1d8: {  	v23 =	vmul.f32 s3, v12;
	[tilespmem:s25+$0x10] =	vst v19;
	s10 =	smul.f32 s10, s11  }
0x1d9: {  	v24 =	vmul.f32 s3, v20;
	[tilespmem:s25+$0x20] =	vst v22;
	s26 =	smul.f32 s9, s30  }
0x1da: {  	v25 =	vmul.f32 s3, v26;
	[tilespmem:s25+$0x30] =	vst v23;
	s1 =	smul.f32 s10, s1  }
0x1db: {  	v26 =	vmul.f32 s3, v28;
	[tilespmem:s25+$0x40] =	vst v24  }
0x1dc: {  	v28 =	vmul.f32 s3, v31;
	[tilespmem:s25+$0x50] =	vst v25;
	s12 =	smul.f32 s26, s9;
	p0 =	sgt.f32 s1, $9.999999960e-13  }
0x1dd: {  	v31 =	vmul.f32 s0, v6;
	[tilespmem:s25+$0x60] =	vst v26  }
0x1de: {  	v36 =	vmul.f32 s0, v8;
	[tilespmem:s25+$0x70] =	vst v28;
	s29 =	ssub.f32 $1.500000000e+00, s12;
	s10 =	simm.s32 @!p0 $0x5368D4A5  }
0x1df: {  	[tilespmem:s25+$0xA0] =	vst v31;
	v46 =	vmul.f32 s10, v46  }
0x1e0: {  	[tilespmem:s25+$0xD0] =	vst v36;
	s3 =	smul.f32 s29, s9;
	v49 =	vmul.f32 s10, v29  }
0x1e1: {  	v50 =	vmul.f32 s10, v30;
	[tilespmem:s28+$0xF0] =	vst v46  }
0x1e2: {  	s30 =	smul.f32 s3, s2;
	v59 =	vmul.f32 s10, v27;
	[tilespmem:s28+$0x80] =	vst v49  }
0x1e3: {  	v60 =	vmul.f32 s10, v38;
	[tilespmem:s28+$0x90] =	vst v50  }
0x1e4: {  	p0 =	sgt.f32 s30, $9.999999960e-13;
	v61 =	vmul.f32 s10, v39;
	[tilespmem:s28+$0xA0] =	vst v59  }
0x1e5: {  	v62 =	vmul.f32 s10, v41;
	[tilespmem:s28+$0xB0] =	vst v60  }
0x1e6: {  	v63 =	vmul.f32 s10, v43;
	s3 =	simm.s32 @!p0 $0x5368D4A5;
	[tilespmem:s28+$0xC0] =	vst v61  }
0x1e7: {  	[tilespmem:s28+$0xD0] =	vst v62;
	v51 =	vmul.f32 s3, v33  }
0x1e8: {  	[tilespmem:s28+$0xE0] =	vst v63;
	v52 =	vmul.f32 s3, v35  }
0x1e9: {  	v53 =	vmul.f32 s3, v40;
	[tilespmem:s28+$0x0] =	vst v51  }
0x1ea: {  	v54 =	vmul.f32 s3, v42;
	[tilespmem:s28+$0x10] =	vst v52  }
0x1eb: {  	v55 =	vmul.f32 s3, v44;
	[tilespmem:s28+$0x20] =	vst v53  }
0x1ec: {  	v56 =	vmul.f32 s3, v45;
	[tilespmem:s28+$0x30] =	vst v54  }
.Ltmp7:
0x1ed: {  	v57 =	vmul.f32 s3, v47;
	[tilespmem:s28+$0x40] =	vst v55;
	(pc) =	sbr.rel .LBB2_8-.Ltmp7, $4  }
0x1ee: {  	s31 =	smul.u32 $0x1E00, s23;
	v58 =	vmul.f32 s3, v48;
	[tilespmem:s28+$0x50] =	vst v56  }
0x1ef: {  	[tilespmem:s28+$0x60] =	vst v57  }
0x1f0: {  	s0 =	sadd.s32 s5, s31;
	[tilespmem:s28+$0x70] =	vst v58  }
0x1f1: {  	[hbm4b:s0+s6] =	stream.linear.scatter [tilespmem:s16], [sflag:$0x4], $0xF000, $0x38;
	[tilespmem:$0x1E180] =	vst v63  }
.LBB2_10:
0x1f2: {  	_ =	sfence.sel $0x180000  }
0x1f3: {  	[bflag:$0x0] =	sbarrier.arrive $0xFFFF  }
0x1f4: {  	_ =	strace $0x90000047  }
0x1f5: {  	s0 =	stileid.u32;
	[bflag:$0x2] =	sbarrier.arrive $0xFFFF  }
0x1f6: {  	p0 =	sne.s32 s0, $0x0;
	s0 =	rddreg [dreg:$0x4]  }
0x1f7: {  	s0 =	sadd.s32 @!p0 $0x100000, s0  }
0x1f8: {  	[sflag:s0] =	ssyncadd.tile.s32 @!p0 $0x1;
	_ =	shalt  }
.Lfunc_end2:
_tile_overlayer_lowered:
.L_overlay_start_2:
0x1f9: {  	(tag) =	ssettag $0x2  }
0x1fa: {  	s0 =	rddreg [dreg:$0x0];
	s2 =	stileid.u32  }
0x1fb: {  	s1 =	rddreg [dreg:$0x1];
	p0 =	sne.s32 s2, $0x0  }
0x1fc: {  	s3 =	rddreg [dreg:$0x2];
	[bflag:$0x3] =	sbarrier.arrive $0xFFFF;
	s2 =	simm.s32 @!p0 $0x1C05  }
0x1fd: {  	[timem:s3], [sflag:s2] =	dma.local @!p0 [hbm:s0], s1  }
0x1fe: {  	s0 =	simm.s32 @!p0 $0x5  }
0x1ff: {  	_ =	swait.ge @!p0 [sflag:s0], s1  }
0x200: {  	s1 =	ssub.s32 @!p0 $0x0, s1;
	[sflag:s0] =	ssyncset.done @!p0 $0x0  }
0x201: {  	[sflag:s0] =	ssyncadd.s32 @!p0 s1  }
0x202: {  	[bflag:$0x3] =	sbarrier.arrive $0xFFFF  }
0x203: {  	_ =	shalt  }

</sc_bundles>
